<compile_context>
chip_gen: v7x
topology: tpu7x:2x2x1
jax: 0.10.2.dev20260603
libtpu: 0.0.44.dev20260713+nightly
codegen_flags: <defaults>
</compile_context>

<pallas_src>
import math

import jax
import jax.numpy as jnp
from jax import lax
from jax.experimental import pallas as pl
from jax.experimental.pallas import tpu as pltpu
from jax.experimental.pallas import tpu_sc as plsc

DIM = 128
B = 1024
L = 200
N_TOK = B * L
NC, NS = 2, 16
NW = NC * NS
PER_W = N_TOK // NW
CHUNK = 128
N_CHUNKS = PER_W // CHUNK
NBUF = 5
UNROLL = 2
SCALE = math.sqrt(DIM)
assert N_CHUNKS % NBUF == 0


def _sc_embed(idx_flat, lut, pe2d):
    mesh = plsc.VectorSubcoreMesh(core_axis_name="c", subcore_axis_name="s")

    def body(idx_hbm, lut_hbm, pe_hbm, out_hbm, *scratch):
        idx_v, pe_v = scratch[0], scratch[1]
        gb = scratch[2:2 + NBUF]
        gsem = scratch[2 + NBUF:2 + 2 * NBUF]
        ssem = scratch[2 + 2 * NBUF:2 + 3 * NBUF]
        wid = lax.axis_index("s") * NC + lax.axis_index("c")
        base = wid * PER_W
        pltpu.sync_copy(idx_hbm.at[pl.ds(base, PER_W)], idx_v)
        pltpu.sync_copy(pe_hbm, pe_v)

        def start_gather(j, b):
            pltpu.async_copy(
                lut_hbm.at[idx_v.at[pl.ds(j * CHUNK, CHUNK)]], gb[b], gsem[b])

        def wait_gather(b):
            pltpu.make_async_copy(
                lut_hbm.at[idx_v.at[pl.ds(0, CHUNK)]], gb[b], gsem[b]).wait()

        def start_scatter(j, b):
            pltpu.async_copy(
                gb[b], out_hbm.at[pl.ds(base + j * CHUNK, CHUNK)], ssem[b])

        def wait_scatter(b):
            pltpu.make_async_copy(
                gb[b], out_hbm.at[pl.ds(base, CHUNK)], ssem[b]).wait()

        def compute(j, b):
            ph = lax.rem(j * CHUNK, L)
            buf = gb[b]

            @plsc.parallel_loop(0, CHUNK, unroll=UNROLL)
            def _(r):
                lrow = ph + r
                lrow = jnp.where(lrow >= L, lrow - L, lrow)
                for v in range(DIM // 16):
                    sl = pl.ds(v * 16, 16)
                    buf[r, sl] = buf[r, sl] * SCALE + pe_v[lrow, sl]

        for j in range(NBUF - 1):
            start_gather(j, j)

        def ring_body(jr, carry):
            for b in range(NBUF):
                j = jr * NBUF + b
                nb = (b + NBUF - 1) % NBUF
                wait_gather(b)
                compute(j, b)

                @pl.when(j >= 1)
                def _():
                    wait_scatter(nb)

                @pl.when(j + NBUF - 1 < N_CHUNKS)
                def _():
                    start_gather(j + NBUF - 1, nb)

                start_scatter(j, b)
            return carry

        lax.fori_loop(0, N_CHUNKS // NBUF, ring_body, 0)
        wait_scatter((N_CHUNKS - 1) % NBUF)

    run = pl.kernel(
        body,
        out_type=jax.ShapeDtypeStruct((N_TOK, DIM), jnp.float32),
        mesh=mesh,
        scratch_types=(
            [pltpu.VMEM((PER_W,), jnp.int32),
             pltpu.VMEM((L, DIM), jnp.float32)]
            + [pltpu.VMEM((CHUNK, DIM), jnp.float32)] * NBUF
            + [pltpu.SemaphoreType.DMA] * (2 * NBUF)
        ),
    )
    return run(idx_flat, lut, pe2d)


@jax.jit
def kernel(tensor, lut, pe):
    idx_flat = tensor.reshape(N_TOK)
    pe2d = pe[0, :L, :]
    out = _sc_embed(idx_flat, lut, pe2d)
    return out.reshape(B, L, DIM)

# --- scband reference (transcript-rebuilt; emitter-appended) ---
"""Pipeline reference for scband-positional-embedding-6313601925207 (READ-ONLY COPY).

The authoritative reference and input builder live on the scoring server;
editing this copy changes nothing except your own understanding.
"""

import jax, jax.numpy as jnp
import numpy as np
import math

DIM = 128
MAX_LEN = 400
VOCAB = 100000
B = 1024
L = 200

def _make_pe(max_len, dim):
    pe = np.zeros((max_len, dim), dtype=np.float32)
    position = np.arange(0, max_len, dtype=np.float32)[:, None]
    div_term = np.exp(np.arange(0, dim, 2, dtype=np.float32) * (-(math.log(10000.0) / dim)))
    pe[:, 0::2] = np.sin(position * div_term)
    pe[:, 1::2] = np.cos(position * div_term)
    return jnp.asarray(pe[None, :, :])  # [1, max_len, dim]

def setup_inputs(seed: int = 0) -> dict:
    key = jax.random.key(seed)
    k_tok, k_lut = jax.random.split(key)
    tensor = jax.random.randint(k_tok, (B, L), 0, VOCAB, dtype=jnp.int64 if jax.config.jax_enable_x64 else jnp.int32).astype(jnp.int32)
    lut = jax.random.normal(k_lut, (VOCAB, DIM), dtype=jnp.float32)
    pe = _make_pe(MAX_LEN, DIM)
    return {"tensor": tensor, "lut": lut, "pe": pe}

def reference(tensor, lut, pe):
    # emb = Embedding(tensor) * sqrt(dim)
    emb = jnp.take(lut, tensor, axis=0) * math.sqrt(DIM)
    # add positional encoding (buffer, non-trainable), sliced to seq len
    result = emb + pe[:, :emb.shape[1]]
    # dropout p=0.0 -> identity
    return result

if __name__ == "__main__":
    import jax
    _d = setup_inputs()
    print(jax.jit(kernel)(*tuple(_d.values())))

</pallas_src>

<mosaic_0001>
#map = affine_map<(d0, d1) -> (0)>
#map1 = affine_map<(d0, d1) -> (0, 0)>
module attributes {stable_mosaic.version = 14 : i64} {
  func.func @body(%arg0: i32, %arg1: i32, %arg2: memref<204800xi32, #tpu.memory_space<hbm>>, %arg3: memref<100000x128xf32, #tpu.memory_space<hbm>>, %arg4: memref<200x128xf32, #tpu.memory_space<hbm>>, %arg5: memref<204800x128xf32, #tpu.memory_space<hbm>>, %arg6: memref<6400xi32, #tpu.memory_space<vmem>>, %arg7: memref<200x128xf32, #tpu.memory_space<vmem>>, %arg8: memref<128x128xf32, #tpu.memory_space<vmem>>, %arg9: memref<128x128xf32, #tpu.memory_space<vmem>>, %arg10: memref<128x128xf32, #tpu.memory_space<vmem>>, %arg11: memref<128x128xf32, #tpu.memory_space<vmem>>, %arg12: memref<128x128xf32, #tpu.memory_space<vmem>>, %arg13: memref<!tpu.dma_semaphore, #tpu.memory_space<semaphore_mem>>, %arg14: memref<!tpu.dma_semaphore, #tpu.memory_space<semaphore_mem>>, %arg15: memref<!tpu.dma_semaphore, #tpu.memory_space<semaphore_mem>>, %arg16: memref<!tpu.dma_semaphore, #tpu.memory_space<semaphore_mem>>, %arg17: memref<!tpu.dma_semaphore, #tpu.memory_space<semaphore_mem>>, %arg18: memref<!tpu.dma_semaphore, #tpu.memory_space<semaphore_mem>>, %arg19: memref<!tpu.dma_semaphore, #tpu.memory_space<semaphore_mem>>, %arg20: memref<!tpu.dma_semaphore, #tpu.memory_space<semaphore_mem>>, %arg21: memref<!tpu.dma_semaphore, #tpu.memory_space<semaphore_mem>>, %arg22: memref<!tpu.dma_semaphore, #tpu.memory_space<semaphore_mem>>) attributes {dimension_semantics = [#tpu.dimension_semantics<core_parallel>, #tpu.dimension_semantics<subcore_parallel>], iteration_bounds = array<i64: 2, 16>, scalar_prefetch = 0 : i64, scratch_operands = 17 : i64, tpu.core_type = #tpu.core_type<sc_vector_subcore>, window_params = [{transform_indices = #map}, {transform_indices = #map1}, {transform_indices = #map1}, {transform_indices = #map1}]} {
    %mul3A = arith.constant 2 : i32
    %mul3A_0 = arith.muli %arg1, %mul3A : i32
    %add3A = arith.addi %mul3A_0, %arg0 : i32
    %mul3A_1 = arith.constant 6400 : i32
    %mul3A_2 = arith.muli %add3A, %mul3A_1 : i32
    "tpu.region"() ({
      %run_scoped3A = tpu.sem_alloc : memref<!tpu.dma_semaphore, #tpu.memory_space<semaphore_mem>>
      %dma_start3A_30 = tpu.memref_slice %arg2[%mul3A_2] : memref<204800xi32, #tpu.memory_space<hbm>> -> memref<6400xi32, #tpu.memory_space<hbm>>
      %dma_start3A_31 = tpu.memref_slice %arg2[%mul3A_2] : memref<204800xi32, #tpu.memory_space<hbm>> -> memref<6400xi32, #tpu.memory_space<hbm>>
      tpu.enqueue_dma source(%dma_start3A_31 : memref<6400xi32, #tpu.memory_space<hbm>>) target(%arg6 : memref<6400xi32, #tpu.memory_space<vmem>>) target_semaphore(%run_scoped3A : memref<!tpu.dma_semaphore, #tpu.memory_space<semaphore_mem>>)
      %dma_wait3A_32 = tpu.memref_slice %arg2[%mul3A_2] : memref<204800xi32, #tpu.memory_space<hbm>> -> memref<6400xi32, #tpu.memory_space<hbm>>
      %dma_wait3A_33 = tpu.memref_slice %arg2[%mul3A_2] : memref<204800xi32, #tpu.memory_space<hbm>> -> memref<6400xi32, #tpu.memory_space<hbm>>
      tpu.wait_dma2 semaphore(%run_scoped3A : memref<!tpu.dma_semaphore, #tpu.memory_space<semaphore_mem>>) src(%dma_wait3A_33 : memref<6400xi32, #tpu.memory_space<hbm>>) dst(%arg6 : memref<6400xi32, #tpu.memory_space<vmem>>)
      tpu.yield
    }) : () -> ()
    "tpu.region"() ({
      %run_scoped3A = tpu.sem_alloc : memref<!tpu.dma_semaphore, #tpu.memory_space<semaphore_mem>>
      tpu.enqueue_dma source(%arg4 : memref<200x128xf32, #tpu.memory_space<hbm>>) target(%arg7 : memref<200x128xf32, #tpu.memory_space<vmem>>) target_semaphore(%run_scoped3A : memref<!tpu.dma_semaphore, #tpu.memory_space<semaphore_mem>>)
      tpu.wait_dma2 semaphore(%run_scoped3A : memref<!tpu.dma_semaphore, #tpu.memory_space<semaphore_mem>>) src(%arg4 : memref<200x128xf32, #tpu.memory_space<hbm>>) dst(%arg7 : memref<200x128xf32, #tpu.memory_space<vmem>>)
      tpu.yield
    }) : () -> ()
    %dma_start3A = arith.constant 0 : i32
    %dma_start3A_3 = tpu.memref_slice %arg6[%dma_start3A] : memref<6400xi32, #tpu.memory_space<vmem>> -> memref<128xi32, #tpu.memory_space<vmem>>
    %dma_start3A_4 = arith.constant 0 : i32
    %dma_start3A_5 = arith.constant 0 : i32
    %dma_start3A_6 = tpu.memref_slice %arg3[%dma_start3A_4, %dma_start3A_5] : memref<100000x128xf32, #tpu.memory_space<hbm>> -> memref<100000x128xf32, #tpu.memory_space<hbm>>
    tpu.enqueue_indirect_dma source(%dma_start3A_6 : memref<100000x128xf32, #tpu.memory_space<hbm>>) target(%arg8 : memref<128x128xf32, #tpu.memory_space<vmem>>) offsets(%dma_start3A_3 : memref<128xi32, #tpu.memory_space<vmem>>) semaphore(%arg13 : memref<!tpu.dma_semaphore, #tpu.memory_space<semaphore_mem>>)
    %dma_start3A_7 = arith.constant 128 : i32
    %dma_start3A_8 = tpu.memref_slice %arg6[%dma_start3A_7] : memref<6400xi32, #tpu.memory_space<vmem>> -> memref<128xi32, #tpu.memory_space<vmem>>
    %dma_start3A_9 = arith.constant 0 : i32
    %dma_start3A_10 = arith.constant 0 : i32
    %dma_start3A_11 = tpu.memref_slice %arg3[%dma_start3A_9, %dma_start3A_10] : memref<100000x128xf32, #tpu.memory_space<hbm>> -> memref<100000x128xf32, #tpu.memory_space<hbm>>
    tpu.enqueue_indirect_dma source(%dma_start3A_11 : memref<100000x128xf32, #tpu.memory_space<hbm>>) target(%arg9 : memref<128x128xf32, #tpu.memory_space<vmem>>) offsets(%dma_start3A_8 : memref<128xi32, #tpu.memory_space<vmem>>) semaphore(%arg14 : memref<!tpu.dma_semaphore, #tpu.memory_space<semaphore_mem>>)
    %dma_start3A_12 = arith.constant 256 : i32
    %dma_start3A_13 = tpu.memref_slice %arg6[%dma_start3A_12] : memref<6400xi32, #tpu.memory_space<vmem>> -> memref<128xi32, #tpu.memory_space<vmem>>
    %dma_start3A_14 = arith.constant 0 : i32
    %dma_start3A_15 = arith.constant 0 : i32
    %dma_start3A_16 = tpu.memref_slice %arg3[%dma_start3A_14, %dma_start3A_15] : memref<100000x128xf32, #tpu.memory_space<hbm>> -> memref<100000x128xf32, #tpu.memory_space<hbm>>
    tpu.enqueue_indirect_dma source(%dma_start3A_16 : memref<100000x128xf32, #tpu.memory_space<hbm>>) target(%arg10 : memref<128x128xf32, #tpu.memory_space<vmem>>) offsets(%dma_start3A_13 : memref<128xi32, #tpu.memory_space<vmem>>) semaphore(%arg15 : memref<!tpu.dma_semaphore, #tpu.memory_space<semaphore_mem>>)
    %dma_start3A_17 = arith.constant 384 : i32
    %dma_start3A_18 = tpu.memref_slice %arg6[%dma_start3A_17] : memref<6400xi32, #tpu.memory_space<vmem>> -> memref<128xi32, #tpu.memory_space<vmem>>
    %dma_start3A_19 = arith.constant 0 : i32
    %dma_start3A_20 = arith.constant 0 : i32
    %dma_start3A_21 = tpu.memref_slice %arg3[%dma_start3A_19, %dma_start3A_20] : memref<100000x128xf32, #tpu.memory_space<hbm>> -> memref<100000x128xf32, #tpu.memory_space<hbm>>
    tpu.enqueue_indirect_dma source(%dma_start3A_21 : memref<100000x128xf32, #tpu.memory_space<hbm>>) target(%arg11 : memref<128x128xf32, #tpu.memory_space<vmem>>) offsets(%dma_start3A_18 : memref<128xi32, #tpu.memory_space<vmem>>) semaphore(%arg16 : memref<!tpu.dma_semaphore, #tpu.memory_space<semaphore_mem>>)
    %scan3A = arith.constant 0 : i32
    %scan3A_22 = arith.constant 0 : i32
    %scan3A_23 = arith.constant 10 : i32
    %scan3A_24 = arith.addi %scan3A_22, %scan3A_23 : i32
    %scan3A_25 = arith.constant 1 : i32
    scf.for %scan3A_30 = %scan3A_22 to %scan3A_24 step %scan3A_25  : i32 {
      %mul3A_31 = arith.constant 5 : i32
      %mul3A_32 = arith.muli %scan3A_30, %mul3A_31 : i32
      %add3A_33 = arith.constant 0 : i32
      %add3A_34 = arith.addi %mul3A_32, %add3A_33 : i32
      %dma_wait3A_35 = arith.constant 0 : i32
      %dma_wait3A_36 = tpu.memref_slice %arg6[%dma_wait3A_35] : memref<6400xi32, #tpu.memory_space<vmem>> -> memref<128xi32, #tpu.memory_space<vmem>>
      %dma_wait3A_37 = arith.constant 0 : i32
      %dma_wait3A_38 = arith.constant 0 : i32
      %dma_wait3A_39 = tpu.memref_slice %arg3[%dma_wait3A_37, %dma_wait3A_38] : memref<100000x128xf32, #tpu.memory_space<hbm>> -> memref<100000x128xf32, #tpu.memory_space<hbm>>
      tpu.wait_indirect_dma semaphore(%arg13 : memref<!tpu.dma_semaphore, #tpu.memory_space<semaphore_mem>>) src(%dma_wait3A_39 : memref<100000x128xf32, #tpu.memory_space<hbm>>) dst(%arg8 : memref<128x128xf32, #tpu.memory_space<vmem>>)
      %mul3A_40 = arith.constant 128 : i32
      %mul3A_41 = arith.muli %add3A_34, %mul3A_40 : i32
      %rem3A = arith.constant 200 : i32
      %rem3A_42 = arith.remsi %mul3A_41, %rem3A : i32
      %parallel_loop3A = arith.constant 0 : i32
      %parallel_loop3A_43 = arith.constant 128 : i32
      %parallel_loop3A_44 = arith.constant 1 : i32
      scf.for %parallel_loop3A_209 = %parallel_loop3A to %parallel_loop3A_43 step %parallel_loop3A_44  : i32 {
        %parallel_loop3A_210 = arith.addi %rem3A_42, %parallel_loop3A_209 : i32
        %parallel_loop3A_211 = arith.constant 200 : i32
        %parallel_loop3A_212 = arith.cmpi sge, %parallel_loop3A_210, %parallel_loop3A_211 : i32
        %parallel_loop3A_213 = arith.constant 200 : i32
        %parallel_loop3A_214 = arith.subi %parallel_loop3A_210, %parallel_loop3A_213 : i32
        %parallel_loop3A_215 = arith.select %parallel_loop3A_212, %parallel_loop3A_214, %parallel_loop3A_210 : i32
        %parallel_loop3A_216 = arith.index_cast %parallel_loop3A_209 : i32 to index
        %parallel_loop3A_217 = arith.constant 0 : index
        %parallel_loop3A_218 = tpu.vector_load %arg8[%parallel_loop3A_216, %parallel_loop3A_217] {strides = array<i32>} : memref<128x128xf32, #tpu.memory_space<vmem>>, vector<1x16xf32>,
        %parallel_loop3A_219 = vector.shape_cast %parallel_loop3A_218 : vector<1x16xf32> to vector<16xf32>
        %parallel_loop3A_220 = arith.constant 11.3137083 : f32
        %parallel_loop3A_221 = vector.broadcast %parallel_loop3A_220 : f32 to vector<16xf32>
        %parallel_loop3A_222 = arith.mulf %parallel_loop3A_219, %parallel_loop3A_221 : vector<16xf32>
        %parallel_loop3A_223 = arith.index_cast %parallel_loop3A_215 : i32 to index
        %parallel_loop3A_224 = arith.constant 0 : index
        %parallel_loop3A_225 = tpu.vector_load %arg7[%parallel_loop3A_223, %parallel_loop3A_224] {strides = array<i32>} : memref<200x128xf32, #tpu.memory_space<vmem>>, vector<1x16xf32>,
        %parallel_loop3A_226 = vector.shape_cast %parallel_loop3A_225 : vector<1x16xf32> to vector<16xf32>
        %parallel_loop3A_227 = arith.addf %parallel_loop3A_222, %parallel_loop3A_226 : vector<16xf32>
        %parallel_loop3A_228 = arith.index_cast %parallel_loop3A_209 : i32 to index
        %parallel_loop3A_229 = arith.constant 0 : index
        %parallel_loop3A_230 = tpu.vector_load %arg8[%parallel_loop3A_228, %parallel_loop3A_229] {strides = array<i32>} : memref<128x128xf32, #tpu.memory_space<vmem>>, vector<1x16xf32>,
        %parallel_loop3A_231 = vector.shape_cast %parallel_loop3A_230 : vector<1x16xf32> to vector<16xf32>
        %parallel_loop3A_232 = vector.shape_cast %parallel_loop3A_227 : vector<16xf32> to vector<1x16xf32>
        tpu.vector_store %arg8[%parallel_loop3A_228, %parallel_loop3A_229], %parallel_loop3A_232 {strides = array<i32>} : memref<128x128xf32, #tpu.memory_space<vmem>>, vector<1x16xf32>,
        %parallel_loop3A_233 = arith.index_cast %parallel_loop3A_209 : i32 to index
        %parallel_loop3A_234 = arith.constant 16 : index
        %parallel_loop3A_235 = tpu.vector_load %arg8[%parallel_loop3A_233, %parallel_loop3A_234] {strides = array<i32>} : memref<128x128xf32, #tpu.memory_space<vmem>>, vector<1x16xf32>,
        %parallel_loop3A_236 = vector.shape_cast %parallel_loop3A_235 : vector<1x16xf32> to vector<16xf32>
        %parallel_loop3A_237 = arith.constant 11.3137083 : f32
        %parallel_loop3A_238 = vector.broadcast %parallel_loop3A_237 : f32 to vector<16xf32>
        %parallel_loop3A_239 = arith.mulf %parallel_loop3A_236, %parallel_loop3A_238 : vector<16xf32>
        %parallel_loop3A_240 = arith.index_cast %parallel_loop3A_215 : i32 to index
        %parallel_loop3A_241 = arith.constant 16 : index
        %parallel_loop3A_242 = tpu.vector_load %arg7[%parallel_loop3A_240, %parallel_loop3A_241] {strides = array<i32>} : memref<200x128xf32, #tpu.memory_space<vmem>>, vector<1x16xf32>,
        %parallel_loop3A_243 = vector.shape_cast %parallel_loop3A_242 : vector<1x16xf32> to vector<16xf32>
        %parallel_loop3A_244 = arith.addf %parallel_loop3A_239, %parallel_loop3A_243 : vector<16xf32>
        %parallel_loop3A_245 = arith.index_cast %parallel_loop3A_209 : i32 to index
        %parallel_loop3A_246 = arith.constant 16 : index
        %parallel_loop3A_247 = tpu.vector_load %arg8[%parallel_loop3A_245, %parallel_loop3A_246] {strides = array<i32>} : memref<128x128xf32, #tpu.memory_space<vmem>>, vector<1x16xf32>,
        %parallel_loop3A_248 = vector.shape_cast %parallel_loop3A_247 : vector<1x16xf32> to vector<16xf32>
        %parallel_loop3A_249 = vector.shape_cast %parallel_loop3A_244 : vector<16xf32> to vector<1x16xf32>
        tpu.vector_store %arg8[%parallel_loop3A_245, %parallel_loop3A_246], %parallel_loop3A_249 {strides = array<i32>} : memref<128x128xf32, #tpu.memory_space<vmem>>, vector<1x16xf32>,
        %parallel_loop3A_250 = arith.index_cast %parallel_loop3A_209 : i32 to index
        %parallel_loop3A_251 = arith.constant 32 : index
        %parallel_loop3A_252 = tpu.vector_load %arg8[%parallel_loop3A_250, %parallel_loop3A_251] {strides = array<i32>} : memref<128x128xf32, #tpu.memory_space<vmem>>, vector<1x16xf32>,
        %parallel_loop3A_253 = vector.shape_cast %parallel_loop3A_252 : vector<1x16xf32> to vector<16xf32>
        %parallel_loop3A_254 = arith.constant 11.3137083 : f32
        %parallel_loop3A_255 = vector.broadcast %parallel_loop3A_254 : f32 to vector<16xf32>
        %parallel_loop3A_256 = arith.mulf %parallel_loop3A_253, %parallel_loop3A_255 : vector<16xf32>
        %parallel_loop3A_257 = arith.index_cast %parallel_loop3A_215 : i32 to index
        %parallel_loop3A_258 = arith.constant 32 : index
        %parallel_loop3A_259 = tpu.vector_load %arg7[%parallel_loop3A_257, %parallel_loop3A_258] {strides = array<i32>} : memref<200x128xf32, #tpu.memory_space<vmem>>, vector<1x16xf32>,
        %parallel_loop3A_260 = vector.shape_cast %parallel_loop3A_259 : vector<1x16xf32> to vector<16xf32>
        %parallel_loop3A_261 = arith.addf %parallel_loop3A_256, %parallel_loop3A_260 : vector<16xf32>
        %parallel_loop3A_262 = arith.index_cast %parallel_loop3A_209 : i32 to index
        %parallel_loop3A_263 = arith.constant 32 : index
        %parallel_loop3A_264 = tpu.vector_load %arg8[%parallel_loop3A_262, %parallel_loop3A_263] {strides = array<i32>} : memref<128x128xf32, #tpu.memory_space<vmem>>, vector<1x16xf32>,
        %parallel_loop3A_265 = vector.shape_cast %parallel_loop3A_264 : vector<1x16xf32> to vector<16xf32>
        %parallel_loop3A_266 = vector.shape_cast %parallel_loop3A_261 : vector<16xf32> to vector<1x16xf32>
        tpu.vector_store %arg8[%parallel_loop3A_262, %parallel_loop3A_263], %parallel_loop3A_266 {strides = array<i32>} : memref<128x128xf32, #tpu.memory_space<vmem>>, vector<1x16xf32>,
        %parallel_loop3A_267 = arith.index_cast %parallel_loop3A_209 : i32 to index
        %parallel_loop3A_268 = arith.constant 48 : index
        %parallel_loop3A_269 = tpu.vector_load %arg8[%parallel_loop3A_267, %parallel_loop3A_268] {strides = array<i32>} : memref<128x128xf32, #tpu.memory_space<vmem>>, vector<1x16xf32>,
        %parallel_loop3A_270 = vector.shape_cast %parallel_loop3A_269 : vector<1x16xf32> to vector<16xf32>
        %parallel_loop3A_271 = arith.constant 11.3137083 : f32
        %parallel_loop3A_272 = vector.broadcast %parallel_loop3A_271 : f32 to vector<16xf32>
        %parallel_loop3A_273 = arith.mulf %parallel_loop3A_270, %parallel_loop3A_272 : vector<16xf32>
        %parallel_loop3A_274 = arith.index_cast %parallel_loop3A_215 : i32 to index
        %parallel_loop3A_275 = arith.constant 48 : index
        %parallel_loop3A_276 = tpu.vector_load %arg7[%parallel_loop3A_274, %parallel_loop3A_275] {strides = array<i32>} : memref<200x128xf32, #tpu.memory_space<vmem>>, vector<1x16xf32>,
        %parallel_loop3A_277 = vector.shape_cast %parallel_loop3A_276 : vector<1x16xf32> to vector<16xf32>
        %parallel_loop3A_278 = arith.addf %parallel_loop3A_273, %parallel_loop3A_277 : vector<16xf32>
        %parallel_loop3A_279 = arith.index_cast %parallel_loop3A_209 : i32 to index
        %parallel_loop3A_280 = arith.constant 48 : index
        %parallel_loop3A_281 = tpu.vector_load %arg8[%parallel_loop3A_279, %parallel_loop3A_280] {strides = array<i32>} : memref<128x128xf32, #tpu.memory_space<vmem>>, vector<1x16xf32>,
        %parallel_loop3A_282 = vector.shape_cast %parallel_loop3A_281 : vector<1x16xf32> to vector<16xf32>
        %parallel_loop3A_283 = vector.shape_cast %parallel_loop3A_278 : vector<16xf32> to vector<1x16xf32>
        tpu.vector_store %arg8[%parallel_loop3A_279, %parallel_loop3A_280], %parallel_loop3A_283 {strides = array<i32>} : memref<128x128xf32, #tpu.memory_space<vmem>>, vector<1x16xf32>,
        %parallel_loop3A_284 = arith.index_cast %parallel_loop3A_209 : i32 to index
        %parallel_loop3A_285 = arith.constant 64 : index
        %parallel_loop3A_286 = tpu.vector_load %arg8[%parallel_loop3A_284, %parallel_loop3A_285] {strides = array<i32>} : memref<128x128xf32, #tpu.memory_space<vmem>>, vector<1x16xf32>,
        %parallel_loop3A_287 = vector.shape_cast %parallel_loop3A_286 : vector<1x16xf32> to vector<16xf32>
        %parallel_loop3A_288 = arith.constant 11.3137083 : f32
        %parallel_loop3A_289 = vector.broadcast %parallel_loop3A_288 : f32 to vector<16xf32>
        %parallel_loop3A_290 = arith.mulf %parallel_loop3A_287, %parallel_loop3A_289 : vector<16xf32>
        %parallel_loop3A_291 = arith.index_cast %parallel_loop3A_215 : i32 to index
        %parallel_loop3A_292 = arith.constant 64 : index
        %parallel_loop3A_293 = tpu.vector_load %arg7[%parallel_loop3A_291, %parallel_loop3A_292] {strides = array<i32>} : memref<200x128xf32, #tpu.memory_space<vmem>>, vector<1x16xf32>,
        %parallel_loop3A_294 = vector.shape_cast %parallel_loop3A_293 : vector<1x16xf32> to vector<16xf32>
        %parallel_loop3A_295 = arith.addf %parallel_loop3A_290, %parallel_loop3A_294 : vector<16xf32>
        %parallel_loop3A_296 = arith.index_cast %parallel_loop3A_209 : i32 to index
        %parallel_loop3A_297 = arith.constant 64 : index
        %parallel_loop3A_298 = tpu.vector_load %arg8[%parallel_loop3A_296, %parallel_loop3A_297] {strides = array<i32>} : memref<128x128xf32, #tpu.memory_space<vmem>>, vector<1x16xf32>,
        %parallel_loop3A_299 = vector.shape_cast %parallel_loop3A_298 : vector<1x16xf32> to vector<16xf32>
        %parallel_loop3A_300 = vector.shape_cast %parallel_loop3A_295 : vector<16xf32> to vector<1x16xf32>
        tpu.vector_store %arg8[%parallel_loop3A_296, %parallel_loop3A_297], %parallel_loop3A_300 {strides = array<i32>} : memref<128x128xf32, #tpu.memory_space<vmem>>, vector<1x16xf32>,
        %parallel_loop3A_301 = arith.index_cast %parallel_loop3A_209 : i32 to index
        %parallel_loop3A_302 = arith.constant 80 : index
        %parallel_loop3A_303 = tpu.vector_load %arg8[%parallel_loop3A_301, %parallel_loop3A_302] {strides = array<i32>} : memref<128x128xf32, #tpu.memory_space<vmem>>, vector<1x16xf32>,
        %parallel_loop3A_304 = vector.shape_cast %parallel_loop3A_303 : vector<1x16xf32> to vector<16xf32>
        %parallel_loop3A_305 = arith.constant 11.3137083 : f32
        %parallel_loop3A_306 = vector.broadcast %parallel_loop3A_305 : f32 to vector<16xf32>
        %parallel_loop3A_307 = arith.mulf %parallel_loop3A_304, %parallel_loop3A_306 : vector<16xf32>
        %parallel_loop3A_308 = arith.index_cast %parallel_loop3A_215 : i32 to index
        %parallel_loop3A_309 = arith.constant 80 : index
        %parallel_loop3A_310 = tpu.vector_load %arg7[%parallel_loop3A_308, %parallel_loop3A_309] {strides = array<i32>} : memref<200x128xf32, #tpu.memory_space<vmem>>, vector<1x16xf32>,
        %parallel_loop3A_311 = vector.shape_cast %parallel_loop3A_310 : vector<1x16xf32> to vector<16xf32>
        %parallel_loop3A_312 = arith.addf %parallel_loop3A_307, %parallel_loop3A_311 : vector<16xf32>
        %parallel_loop3A_313 = arith.index_cast %parallel_loop3A_209 : i32 to index
        %parallel_loop3A_314 = arith.constant 80 : index
        %parallel_loop3A_315 = tpu.vector_load %arg8[%parallel_loop3A_313, %parallel_loop3A_314] {strides = array<i32>} : memref<128x128xf32, #tpu.memory_space<vmem>>, vector<1x16xf32>,
        %parallel_loop3A_316 = vector.shape_cast %parallel_loop3A_315 : vector<1x16xf32> to vector<16xf32>
        %parallel_loop3A_317 = vector.shape_cast %parallel_loop3A_312 : vector<16xf32> to vector<1x16xf32>
        tpu.vector_store %arg8[%parallel_loop3A_313, %parallel_loop3A_314], %parallel_loop3A_317 {strides = array<i32>} : memref<128x128xf32, #tpu.memory_space<vmem>>, vector<1x16xf32>,
        %parallel_loop3A_318 = arith.index_cast %parallel_loop3A_209 : i32 to index
        %parallel_loop3A_319 = arith.constant 96 : index
        %parallel_loop3A_320 = tpu.vector_load %arg8[%parallel_loop3A_318, %parallel_loop3A_319] {strides = array<i32>} : memref<128x128xf32, #tpu.memory_space<vmem>>, vector<1x16xf32>,
        %parallel_loop3A_321 = vector.shape_cast %parallel_loop3A_320 : vector<1x16xf32> to vector<16xf32>
        %parallel_loop3A_322 = arith.constant 11.3137083 : f32
        %parallel_loop3A_323 = vector.broadcast %parallel_loop3A_322 : f32 to vector<16xf32>
        %parallel_loop3A_324 = arith.mulf %parallel_loop3A_321, %parallel_loop3A_323 : vector<16xf32>
        %parallel_loop3A_325 = arith.index_cast %parallel_loop3A_215 : i32 to index
        %parallel_loop3A_326 = arith.constant 96 : index
        %parallel_loop3A_327 = tpu.vector_load %arg7[%parallel_loop3A_325, %parallel_loop3A_326] {strides = array<i32>} : memref<200x128xf32, #tpu.memory_space<vmem>>, vector<1x16xf32>,
        %parallel_loop3A_328 = vector.shape_cast %parallel_loop3A_327 : vector<1x16xf32> to vector<16xf32>
        %parallel_loop3A_329 = arith.addf %parallel_loop3A_324, %parallel_loop3A_328 : vector<16xf32>
        %parallel_loop3A_330 = arith.index_cast %parallel_loop3A_209 : i32 to index
        %parallel_loop3A_331 = arith.constant 96 : index
        %parallel_loop3A_332 = tpu.vector_load %arg8[%parallel_loop3A_330, %parallel_loop3A_331] {strides = array<i32>} : memref<128x128xf32, #tpu.memory_space<vmem>>, vector<1x16xf32>,
        %parallel_loop3A_333 = vector.shape_cast %parallel_loop3A_332 : vector<1x16xf32> to vector<16xf32>
        %parallel_loop3A_334 = vector.shape_cast %parallel_loop3A_329 : vector<16xf32> to vector<1x16xf32>
        tpu.vector_store %arg8[%parallel_loop3A_330, %parallel_loop3A_331], %parallel_loop3A_334 {strides = array<i32>} : memref<128x128xf32, #tpu.memory_space<vmem>>, vector<1x16xf32>,
        %parallel_loop3A_335 = arith.index_cast %parallel_loop3A_209 : i32 to index
        %parallel_loop3A_336 = arith.constant 112 : index
        %parallel_loop3A_337 = tpu.vector_load %arg8[%parallel_loop3A_335, %parallel_loop3A_336] {strides = array<i32>} : memref<128x128xf32, #tpu.memory_space<vmem>>, vector<1x16xf32>,
        %parallel_loop3A_338 = vector.shape_cast %parallel_loop3A_337 : vector<1x16xf32> to vector<16xf32>
        %parallel_loop3A_339 = arith.constant 11.3137083 : f32
        %parallel_loop3A_340 = vector.broadcast %parallel_loop3A_339 : f32 to vector<16xf32>
        %parallel_loop3A_341 = arith.mulf %parallel_loop3A_338, %parallel_loop3A_340 : vector<16xf32>
        %parallel_loop3A_342 = arith.index_cast %parallel_loop3A_215 : i32 to index
        %parallel_loop3A_343 = arith.constant 112 : index
        %parallel_loop3A_344 = tpu.vector_load %arg7[%parallel_loop3A_342, %parallel_loop3A_343] {strides = array<i32>} : memref<200x128xf32, #tpu.memory_space<vmem>>, vector<1x16xf32>,
        %parallel_loop3A_345 = vector.shape_cast %parallel_loop3A_344 : vector<1x16xf32> to vector<16xf32>
        %parallel_loop3A_346 = arith.addf %parallel_loop3A_341, %parallel_loop3A_345 : vector<16xf32>
        %parallel_loop3A_347 = arith.index_cast %parallel_loop3A_209 : i32 to index
        %parallel_loop3A_348 = arith.constant 112 : index
        %parallel_loop3A_349 = tpu.vector_load %arg8[%parallel_loop3A_347, %parallel_loop3A_348] {strides = array<i32>} : memref<128x128xf32, #tpu.memory_space<vmem>>, vector<1x16xf32>,
        %parallel_loop3A_350 = vector.shape_cast %parallel_loop3A_349 : vector<1x16xf32> to vector<16xf32>
        %parallel_loop3A_351 = vector.shape_cast %parallel_loop3A_346 : vector<16xf32> to vector<1x16xf32>
        tpu.vector_store %arg8[%parallel_loop3A_347, %parallel_loop3A_348], %parallel_loop3A_351 {strides = array<i32>} : memref<128x128xf32, #tpu.memory_space<vmem>>, vector<1x16xf32>,
      } {sc.loop_unroll_factor = 2 : i64, sc.parallel_access}
      %ge3A = arith.constant 1 : i32
      %ge3A_45 = arith.cmpi sge, %add3A_34, %ge3A : i32
      %convert_element_type3A = arith.extui %ge3A_45 : i1 to i32
      %cond3A = arith.constant 0 : i32
      %cond3A_46 = arith.cmpi ne, %convert_element_type3A, %cond3A : i32
      scf.if %cond3A_46 {
        %dma_wait3A_209 = arith.constant 0 : i32
        %dma_wait3A_210 = tpu.memref_slice %arg5[%mul3A_2, %dma_wait3A_209] : memref<204800x128xf32, #tpu.memory_space<hbm>> -> memref<128x128xf32, #tpu.memory_space<hbm>>
        %dma_wait3A_211 = arith.constant 0 : i32
        %dma_wait3A_212 = tpu.memref_slice %arg5[%mul3A_2, %dma_wait3A_211] : memref<204800x128xf32, #tpu.memory_space<hbm>> -> memref<128x128xf32, #tpu.memory_space<hbm>>
        tpu.wait_dma2 semaphore(%arg22 : memref<!tpu.dma_semaphore, #tpu.memory_space<semaphore_mem>>) src(%arg12 : memref<128x128xf32, #tpu.memory_space<vmem>>) dst(%dma_wait3A_212 : memref<128x128xf32, #tpu.memory_space<hbm>>)
      } else {
      }
      %add3A_47 = arith.constant 5 : i32
      %add3A_48 = arith.addi %add3A_34, %add3A_47 : i32
      %sub3A = arith.constant 1 : i32
      %sub3A_49 = arith.subi %add3A_48, %sub3A : i32
      %lt3A = arith.constant 50 : i32
      %lt3A_50 = arith.cmpi slt, %sub3A_49, %lt3A : i32
      %convert_element_type3A_51 = arith.extui %lt3A_50 : i1 to i32
      %cond3A_52 = arith.constant 0 : i32
      %cond3A_53 = arith.cmpi ne, %convert_element_type3A_51, %cond3A_52 : i32
      scf.if %cond3A_53 {
        %add3A_209 = arith.constant 5 : i32
        %add3A_210 = arith.addi %add3A_34, %add3A_209 : i32
        %sub3A_211 = arith.constant 1 : i32
        %sub3A_212 = arith.subi %add3A_210, %sub3A_211 : i32
        %mul3A_213 = arith.constant 128 : i32
        %mul3A_214 = arith.muli %sub3A_212, %mul3A_213 : i32
        %dma_start3A_215 = tpu.memref_slice %arg6[%mul3A_214] : memref<6400xi32, #tpu.memory_space<vmem>> -> memref<128xi32, #tpu.memory_space<vmem>>
        %dma_start3A_216 = arith.constant 0 : i32
        %dma_start3A_217 = arith.constant 0 : i32
        %dma_start3A_218 = tpu.memref_slice %arg3[%dma_start3A_216, %dma_start3A_217] : memref<100000x128xf32, #tpu.memory_space<hbm>> -> memref<100000x128xf32, #tpu.memory_space<hbm>>
        tpu.enqueue_indirect_dma source(%dma_start3A_218 : memref<100000x128xf32, #tpu.memory_space<hbm>>) target(%arg12 : memref<128x128xf32, #tpu.memory_space<vmem>>) offsets(%dma_start3A_215 : memref<128xi32, #tpu.memory_space<vmem>>) semaphore(%arg17 : memref<!tpu.dma_semaphore, #tpu.memory_space<semaphore_mem>>)
      } else {
      }
      %mul3A_54 = arith.constant 128 : i32
      %mul3A_55 = arith.muli %add3A_34, %mul3A_54 : i32
      %add3A_56 = arith.addi %mul3A_2, %mul3A_55 : i32
      %dma_start3A_57 = arith.constant 0 : i32
      %dma_start3A_58 = tpu.memref_slice %arg5[%add3A_56, %dma_start3A_57] : memref<204800x128xf32, #tpu.memory_space<hbm>> -> memref<128x128xf32, #tpu.memory_space<hbm>>
      %dma_start3A_59 = arith.constant 0 : i32
      %dma_start3A_60 = tpu.memref_slice %arg5[%add3A_56, %dma_start3A_59] : memref<204800x128xf32, #tpu.memory_space<hbm>> -> memref<128x128xf32, #tpu.memory_space<hbm>>
      tpu.enqueue_dma source(%arg8 : memref<128x128xf32, #tpu.memory_space<vmem>>) target(%dma_start3A_60 : memref<128x128xf32, #tpu.memory_space<hbm>>) target_semaphore(%arg18 : memref<!tpu.dma_semaphore, #tpu.memory_space<semaphore_mem>>)
      %mul3A_61 = arith.constant 5 : i32
      %mul3A_62 = arith.muli %scan3A_30, %mul3A_61 : i32
      %add3A_63 = arith.constant 1 : i32
      %add3A_64 = arith.addi %mul3A_62, %add3A_63 : i32
      %dma_wait3A_65 = arith.constant 0 : i32
      %dma_wait3A_66 = tpu.memref_slice %arg6[%dma_wait3A_65] : memref<6400xi32, #tpu.memory_space<vmem>> -> memref<128xi32, #tpu.memory_space<vmem>>
      %dma_wait3A_67 = arith.constant 0 : i32
      %dma_wait3A_68 = arith.constant 0 : i32
      %dma_wait3A_69 = tpu.memref_slice %arg3[%dma_wait3A_67, %dma_wait3A_68] : memref<100000x128xf32, #tpu.memory_space<hbm>> -> memref<100000x128xf32, #tpu.memory_space<hbm>>
      tpu.wait_indirect_dma semaphore(%arg14 : memref<!tpu.dma_semaphore, #tpu.memory_space<semaphore_mem>>) src(%dma_wait3A_69 : memref<100000x128xf32, #tpu.memory_space<hbm>>) dst(%arg9 : memref<128x128xf32, #tpu.memory_space<vmem>>)
      %mul3A_70 = arith.constant 128 : i32
      %mul3A_71 = arith.muli %add3A_64, %mul3A_70 : i32
      %rem3A_72 = arith.constant 200 : i32
      %rem3A_73 = arith.remsi %mul3A_71, %rem3A_72 : i32
      %parallel_loop3A_74 = arith.constant 0 : i32
      %parallel_loop3A_75 = arith.constant 128 : i32
      %parallel_loop3A_76 = arith.constant 1 : i32
      scf.for %parallel_loop3A_209 = %parallel_loop3A_74 to %parallel_loop3A_75 step %parallel_loop3A_76  : i32 {
        %parallel_loop3A_210 = arith.addi %rem3A_73, %parallel_loop3A_209 : i32
        %parallel_loop3A_211 = arith.constant 200 : i32
        %parallel_loop3A_212 = arith.cmpi sge, %parallel_loop3A_210, %parallel_loop3A_211 : i32
        %parallel_loop3A_213 = arith.constant 200 : i32
        %parallel_loop3A_214 = arith.subi %parallel_loop3A_210, %parallel_loop3A_213 : i32
        %parallel_loop3A_215 = arith.select %parallel_loop3A_212, %parallel_loop3A_214, %parallel_loop3A_210 : i32
        %parallel_loop3A_216 = arith.index_cast %parallel_loop3A_209 : i32 to index
        %parallel_loop3A_217 = arith.constant 0 : index
        %parallel_loop3A_218 = tpu.vector_load %arg9[%parallel_loop3A_216, %parallel_loop3A_217] {strides = array<i32>} : memref<128x128xf32, #tpu.memory_space<vmem>>, vector<1x16xf32>,
        %parallel_loop3A_219 = vector.shape_cast %parallel_loop3A_218 : vector<1x16xf32> to vector<16xf32>
        %parallel_loop3A_220 = arith.constant 11.3137083 : f32
        %parallel_loop3A_221 = vector.broadcast %parallel_loop3A_220 : f32 to vector<16xf32>
        %parallel_loop3A_222 = arith.mulf %parallel_loop3A_219, %parallel_loop3A_221 : vector<16xf32>
        %parallel_loop3A_223 = arith.index_cast %parallel_loop3A_215 : i32 to index
        %parallel_loop3A_224 = arith.constant 0 : index
        %parallel_loop3A_225 = tpu.vector_load %arg7[%parallel_loop3A_223, %parallel_loop3A_224] {strides = array<i32>} : memref<200x128xf32, #tpu.memory_space<vmem>>, vector<1x16xf32>,
        %parallel_loop3A_226 = vector.shape_cast %parallel_loop3A_225 : vector<1x16xf32> to vector<16xf32>
        %parallel_loop3A_227 = arith.addf %parallel_loop3A_222, %parallel_loop3A_226 : vector<16xf32>
        %parallel_loop3A_228 = arith.index_cast %parallel_loop3A_209 : i32 to index
        %parallel_loop3A_229 = arith.constant 0 : index
        %parallel_loop3A_230 = tpu.vector_load %arg9[%parallel_loop3A_228, %parallel_loop3A_229] {strides = array<i32>} : memref<128x128xf32, #tpu.memory_space<vmem>>, vector<1x16xf32>,
        %parallel_loop3A_231 = vector.shape_cast %parallel_loop3A_230 : vector<1x16xf32> to vector<16xf32>
        %parallel_loop3A_232 = vector.shape_cast %parallel_loop3A_227 : vector<16xf32> to vector<1x16xf32>
        tpu.vector_store %arg9[%parallel_loop3A_228, %parallel_loop3A_229], %parallel_loop3A_232 {strides = array<i32>} : memref<128x128xf32, #tpu.memory_space<vmem>>, vector<1x16xf32>,
        %parallel_loop3A_233 = arith.index_cast %parallel_loop3A_209 : i32 to index
        %parallel_loop3A_234 = arith.constant 16 : index
        %parallel_loop3A_235 = tpu.vector_load %arg9[%parallel_loop3A_233, %parallel_loop3A_234] {strides = array<i32>} : memref<128x128xf32, #tpu.memory_space<vmem>>, vector<1x16xf32>,
        %parallel_loop3A_236 = vector.shape_cast %parallel_loop3A_235 : vector<1x16xf32> to vector<16xf32>
        %parallel_loop3A_237 = arith.constant 11.3137083 : f32
        %parallel_loop3A_238 = vector.broadcast %parallel_loop3A_237 : f32 to vector<16xf32>
        %parallel_loop3A_239 = arith.mulf %parallel_loop3A_236, %parallel_loop3A_238 : vector<16xf32>
        %parallel_loop3A_240 = arith.index_cast %parallel_loop3A_215 : i32 to index
        %parallel_loop3A_241 = arith.constant 16 : index
        %parallel_loop3A_242 = tpu.vector_load %arg7[%parallel_loop3A_240, %parallel_loop3A_241] {strides = array<i32>} : memref<200x128xf32, #tpu.memory_space<vmem>>, vector<1x16xf32>,
        %parallel_loop3A_243 = vector.shape_cast %parallel_loop3A_242 : vector<1x16xf32> to vector<16xf32>
        %parallel_loop3A_244 = arith.addf %parallel_loop3A_239, %parallel_loop3A_243 : vector<16xf32>
        %parallel_loop3A_245 = arith.index_cast %parallel_loop3A_209 : i32 to index
        %parallel_loop3A_246 = arith.constant 16 : index
        %parallel_loop3A_247 = tpu.vector_load %arg9[%parallel_loop3A_245, %parallel_loop3A_246] {strides = array<i32>} : memref<128x128xf32, #tpu.memory_space<vmem>>, vector<1x16xf32>,
        %parallel_loop3A_248 = vector.shape_cast %parallel_loop3A_247 : vector<1x16xf32> to vector<16xf32>
        %parallel_loop3A_249 = vector.shape_cast %parallel_loop3A_244 : vector<16xf32> to vector<1x16xf32>
        tpu.vector_store %arg9[%parallel_loop3A_245, %parallel_loop3A_246], %parallel_loop3A_249 {strides = array<i32>} : memref<128x128xf32, #tpu.memory_space<vmem>>, vector<1x16xf32>,
        %parallel_loop3A_250 = arith.index_cast %parallel_loop3A_209 : i32 to index
        %parallel_loop3A_251 = arith.constant 32 : index
        %parallel_loop3A_252 = tpu.vector_load %arg9[%parallel_loop3A_250, %parallel_loop3A_251] {strides = array<i32>} : memref<128x128xf32, #tpu.memory_space<vmem>>, vector<1x16xf32>,
        %parallel_loop3A_253 = vector.shape_cast %parallel_loop3A_252 : vector<1x16xf32> to vector<16xf32>
        %parallel_loop3A_254 = arith.constant 11.3137083 : f32
        %parallel_loop3A_255 = vector.broadcast %parallel_loop3A_254 : f32 to vector<16xf32>
        %parallel_loop3A_256 = arith.mulf %parallel_loop3A_253, %parallel_loop3A_255 : vector<16xf32>
        %parallel_loop3A_257 = arith.index_cast %parallel_loop3A_215 : i32 to index
        %parallel_loop3A_258 = arith.constant 32 : index
        %parallel_loop3A_259 = tpu.vector_load %arg7[%parallel_loop3A_257, %parallel_loop3A_258] {strides = array<i32>} : memref<200x128xf32, #tpu.memory_space<vmem>>, vector<1x16xf32>,
        %parallel_loop3A_260 = vector.shape_cast %parallel_loop3A_259 : vector<1x16xf32> to vector<16xf32>
        %parallel_loop3A_261 = arith.addf %parallel_loop3A_256, %parallel_loop3A_260 : vector<16xf32>
        %parallel_loop3A_262 = arith.index_cast %parallel_loop3A_209 : i32 to index
        %parallel_loop3A_263 = arith.constant 32 : index
        %parallel_loop3A_264 = tpu.vector_load %arg9[%parallel_loop3A_262, %parallel_loop3A_263] {strides = array<i32>} : memref<128x128xf32, #tpu.memory_space<vmem>>, vector<1x16xf32>,
        %parallel_loop3A_265 = vector.shape_cast %parallel_loop3A_264 : vector<1x16xf32> to vector<16xf32>
        %parallel_loop3A_266 = vector.shape_cast %parallel_loop3A_261 : vector<16xf32> to vector<1x16xf32>
        tpu.vector_store %arg9[%parallel_loop3A_262, %parallel_loop3A_263], %parallel_loop3A_266 {strides = array<i32>} : memref<128x128xf32, #tpu.memory_space<vmem>>, vector<1x16xf32>,
        %parallel_loop3A_267 = arith.index_cast %parallel_loop3A_209 : i32 to index
        %parallel_loop3A_268 = arith.constant 48 : index
        %parallel_loop3A_269 = tpu.vector_load %arg9[%parallel_loop3A_267, %parallel_loop3A_268] {strides = array<i32>} : memref<128x128xf32, #tpu.memory_space<vmem>>, vector<1x16xf32>,
        %parallel_loop3A_270 = vector.shape_cast %parallel_loop3A_269 : vector<1x16xf32> to vector<16xf32>
        %parallel_loop3A_271 = arith.constant 11.3137083 : f32
        %parallel_loop3A_272 = vector.broadcast %parallel_loop3A_271 : f32 to vector<16xf32>
        %parallel_loop3A_273 = arith.mulf %parallel_loop3A_270, %parallel_loop3A_272 : vector<16xf32>
        %parallel_loop3A_274 = arith.index_cast %parallel_loop3A_215 : i32 to index
        %parallel_loop3A_275 = arith.constant 48 : index
        %parallel_loop3A_276 = tpu.vector_load %arg7[%parallel_loop3A_274, %parallel_loop3A_275] {strides = array<i32>} : memref<200x128xf32, #tpu.memory_space<vmem>>, vector<1x16xf32>,
        %parallel_loop3A_277 = vector.shape_cast %parallel_loop3A_276 : vector<1x16xf32> to vector<16xf32>
        %parallel_loop3A_278 = arith.addf %parallel_loop3A_273, %parallel_loop3A_277 : vector<16xf32>
        %parallel_loop3A_279 = arith.index_cast %parallel_loop3A_209 : i32 to index
        %parallel_loop3A_280 = arith.constant 48 : index
        %parallel_loop3A_281 = tpu.vector_load %arg9[%parallel_loop3A_279, %parallel_loop3A_280] {strides = array<i32>} : memref<128x128xf32, #tpu.memory_space<vmem>>, vector<1x16xf32>,
        %parallel_loop3A_282 = vector.shape_cast %parallel_loop3A_281 : vector<1x16xf32> to vector<16xf32>
        %parallel_loop3A_283 = vector.shape_cast %parallel_loop3A_278 : vector<16xf32> to vector<1x16xf32>
        tpu.vector_store %arg9[%parallel_loop3A_279, %parallel_loop3A_280], %parallel_loop3A_283 {strides = array<i32>} : memref<128x128xf32, #tpu.memory_space<vmem>>, vector<1x16xf32>,
        %parallel_loop3A_284 = arith.index_cast %parallel_loop3A_209 : i32 to index
        %parallel_loop3A_285 = arith.constant 64 : index
        %parallel_loop3A_286 = tpu.vector_load %arg9[%parallel_loop3A_284, %parallel_loop3A_285] {strides = array<i32>} : memref<128x128xf32, #tpu.memory_space<vmem>>, vector<1x16xf32>,
        %parallel_loop3A_287 = vector.shape_cast %parallel_loop3A_286 : vector<1x16xf32> to vector<16xf32>
        %parallel_loop3A_288 = arith.constant 11.3137083 : f32
        %parallel_loop3A_289 = vector.broadcast %parallel_loop3A_288 : f32 to vector<16xf32>
        %parallel_loop3A_290 = arith.mulf %parallel_loop3A_287, %parallel_loop3A_289 : vector<16xf32>
        %parallel_loop3A_291 = arith.index_cast %parallel_loop3A_215 : i32 to index
        %parallel_loop3A_292 = arith.constant 64 : index
        %parallel_loop3A_293 = tpu.vector_load %arg7[%parallel_loop3A_291, %parallel_loop3A_292] {strides = array<i32>} : memref<200x128xf32, #tpu.memory_space<vmem>>, vector<1x16xf32>,
        %parallel_loop3A_294 = vector.shape_cast %parallel_loop3A_293 : vector<1x16xf32> to vector<16xf32>
        %parallel_loop3A_295 = arith.addf %parallel_loop3A_290, %parallel_loop3A_294 : vector<16xf32>
        %parallel_loop3A_296 = arith.index_cast %parallel_loop3A_209 : i32 to index
        %parallel_loop3A_297 = arith.constant 64 : index
        %parallel_loop3A_298 = tpu.vector_load %arg9[%parallel_loop3A_296, %parallel_loop3A_297] {strides = array<i32>} : memref<128x128xf32, #tpu.memory_space<vmem>>, vector<1x16xf32>,
        %parallel_loop3A_299 = vector.shape_cast %parallel_loop3A_298 : vector<1x16xf32> to vector<16xf32>
        %parallel_loop3A_300 = vector.shape_cast %parallel_loop3A_295 : vector<16xf32> to vector<1x16xf32>
        tpu.vector_store %arg9[%parallel_loop3A_296, %parallel_loop3A_297], %parallel_loop3A_300 {strides = array<i32>} : memref<128x128xf32, #tpu.memory_space<vmem>>, vector<1x16xf32>,
        %parallel_loop3A_301 = arith.index_cast %parallel_loop3A_209 : i32 to index
        %parallel_loop3A_302 = arith.constant 80 : index
        %parallel_loop3A_303 = tpu.vector_load %arg9[%parallel_loop3A_301, %parallel_loop3A_302] {strides = array<i32>} : memref<128x128xf32, #tpu.memory_space<vmem>>, vector<1x16xf32>,
        %parallel_loop3A_304 = vector.shape_cast %parallel_loop3A_303 : vector<1x16xf32> to vector<16xf32>
        %parallel_loop3A_305 = arith.constant 11.3137083 : f32
        %parallel_loop3A_306 = vector.broadcast %parallel_loop3A_305 : f32 to vector<16xf32>
        %parallel_loop3A_307 = arith.mulf %parallel_loop3A_304, %parallel_loop3A_306 : vector<16xf32>
        %parallel_loop3A_308 = arith.index_cast %parallel_loop3A_215 : i32 to index
        %parallel_loop3A_309 = arith.constant 80 : index
        %parallel_loop3A_310 = tpu.vector_load %arg7[%parallel_loop3A_308, %parallel_loop3A_309] {strides = array<i32>} : memref<200x128xf32, #tpu.memory_space<vmem>>, vector<1x16xf32>,
        %parallel_loop3A_311 = vector.shape_cast %parallel_loop3A_310 : vector<1x16xf32> to vector<16xf32>
        %parallel_loop3A_312 = arith.addf %parallel_loop3A_307, %parallel_loop3A_311 : vector<16xf32>
        %parallel_loop3A_313 = arith.index_cast %parallel_loop3A_209 : i32 to index
        %parallel_loop3A_314 = arith.constant 80 : index
        %parallel_loop3A_315 = tpu.vector_load %arg9[%parallel_loop3A_313, %parallel_loop3A_314] {strides = array<i32>} : memref<128x128xf32, #tpu.memory_space<vmem>>, vector<1x16xf32>,
        %parallel_loop3A_316 = vector.shape_cast %parallel_loop3A_315 : vector<1x16xf32> to vector<16xf32>
        %parallel_loop3A_317 = vector.shape_cast %parallel_loop3A_312 : vector<16xf32> to vector<1x16xf32>
        tpu.vector_store %arg9[%parallel_loop3A_313, %parallel_loop3A_314], %parallel_loop3A_317 {strides = array<i32>} : memref<128x128xf32, #tpu.memory_space<vmem>>, vector<1x16xf32>,
        %parallel_loop3A_318 = arith.index_cast %parallel_loop3A_209 : i32 to index
        %parallel_loop3A_319 = arith.constant 96 : index
        %parallel_loop3A_320 = tpu.vector_load %arg9[%parallel_loop3A_318, %parallel_loop3A_319] {strides = array<i32>} : memref<128x128xf32, #tpu.memory_space<vmem>>, vector<1x16xf32>,
        %parallel_loop3A_321 = vector.shape_cast %parallel_loop3A_320 : vector<1x16xf32> to vector<16xf32>
        %parallel_loop3A_322 = arith.constant 11.3137083 : f32
        %parallel_loop3A_323 = vector.broadcast %parallel_loop3A_322 : f32 to vector<16xf32>
        %parallel_loop3A_324 = arith.mulf %parallel_loop3A_321, %parallel_loop3A_323 : vector<16xf32>
        %parallel_loop3A_325 = arith.index_cast %parallel_loop3A_215 : i32 to index
        %parallel_loop3A_326 = arith.constant 96 : index
        %parallel_loop3A_327 = tpu.vector_load %arg7[%parallel_loop3A_325, %parallel_loop3A_326] {strides = array<i32>} : memref<200x128xf32, #tpu.memory_space<vmem>>, vector<1x16xf32>,
        %parallel_loop3A_328 = vector.shape_cast %parallel_loop3A_327 : vector<1x16xf32> to vector<16xf32>
        %parallel_loop3A_329 = arith.addf %parallel_loop3A_324, %parallel_loop3A_328 : vector<16xf32>
        %parallel_loop3A_330 = arith.index_cast %parallel_loop3A_209 : i32 to index
        %parallel_loop3A_331 = arith.constant 96 : index
        %parallel_loop3A_332 = tpu.vector_load %arg9[%parallel_loop3A_330, %parallel_loop3A_331] {strides = array<i32>} : memref<128x128xf32, #tpu.memory_space<vmem>>, vector<1x16xf32>,
        %parallel_loop3A_333 = vector.shape_cast %parallel_loop3A_332 : vector<1x16xf32> to vector<16xf32>
        %parallel_loop3A_334 = vector.shape_cast %parallel_loop3A_329 : vector<16xf32> to vector<1x16xf32>
        tpu.vector_store %arg9[%parallel_loop3A_330, %parallel_loop3A_331], %parallel_loop3A_334 {strides = array<i32>} : memref<128x128xf32, #tpu.memory_space<vmem>>, vector<1x16xf32>,
        %parallel_loop3A_335 = arith.index_cast %parallel_loop3A_209 : i32 to index
        %parallel_loop3A_336 = arith.constant 112 : index
        %parallel_loop3A_337 = tpu.vector_load %arg9[%parallel_loop3A_335, %parallel_loop3A_336] {strides = array<i32>} : memref<128x128xf32, #tpu.memory_space<vmem>>, vector<1x16xf32>,
        %parallel_loop3A_338 = vector.shape_cast %parallel_loop3A_337 : vector<1x16xf32> to vector<16xf32>
        %parallel_loop3A_339 = arith.constant 11.3137083 : f32
        %parallel_loop3A_340 = vector.broadcast %parallel_loop3A_339 : f32 to vector<16xf32>
        %parallel_loop3A_341 = arith.mulf %parallel_loop3A_338, %parallel_loop3A_340 : vector<16xf32>
        %parallel_loop3A_342 = arith.index_cast %parallel_loop3A_215 : i32 to index
        %parallel_loop3A_343 = arith.constant 112 : index
        %parallel_loop3A_344 = tpu.vector_load %arg7[%parallel_loop3A_342, %parallel_loop3A_343] {strides = array<i32>} : memref<200x128xf32, #tpu.memory_space<vmem>>, vector<1x16xf32>,
        %parallel_loop3A_345 = vector.shape_cast %parallel_loop3A_344 : vector<1x16xf32> to vector<16xf32>
        %parallel_loop3A_346 = arith.addf %parallel_loop3A_341, %parallel_loop3A_345 : vector<16xf32>
        %parallel_loop3A_347 = arith.index_cast %parallel_loop3A_209 : i32 to index
        %parallel_loop3A_348 = arith.constant 112 : index
        %parallel_loop3A_349 = tpu.vector_load %arg9[%parallel_loop3A_347, %parallel_loop3A_348] {strides = array<i32>} : memref<128x128xf32, #tpu.memory_space<vmem>>, vector<1x16xf32>,
        %parallel_loop3A_350 = vector.shape_cast %parallel_loop3A_349 : vector<1x16xf32> to vector<16xf32>
        %parallel_loop3A_351 = vector.shape_cast %parallel_loop3A_346 : vector<16xf32> to vector<1x16xf32>
        tpu.vector_store %arg9[%parallel_loop3A_347, %parallel_loop3A_348], %parallel_loop3A_351 {strides = array<i32>} : memref<128x128xf32, #tpu.memory_space<vmem>>, vector<1x16xf32>,
      } {sc.loop_unroll_factor = 2 : i64, sc.parallel_access}
      %ge3A_77 = arith.constant 1 : i32
      %ge3A_78 = arith.cmpi sge, %add3A_64, %ge3A_77 : i32
      %convert_element_type3A_79 = arith.extui %ge3A_78 : i1 to i32
      %cond3A_80 = arith.constant 0 : i32
      %cond3A_81 = arith.cmpi ne, %convert_element_type3A_79, %cond3A_80 : i32
      scf.if %cond3A_81 {
        %dma_wait3A_209 = arith.constant 0 : i32
        %dma_wait3A_210 = tpu.memref_slice %arg5[%mul3A_2, %dma_wait3A_209] : memref<204800x128xf32, #tpu.memory_space<hbm>> -> memref<128x128xf32, #tpu.memory_space<hbm>>
        %dma_wait3A_211 = arith.constant 0 : i32
        %dma_wait3A_212 = tpu.memref_slice %arg5[%mul3A_2, %dma_wait3A_211] : memref<204800x128xf32, #tpu.memory_space<hbm>> -> memref<128x128xf32, #tpu.memory_space<hbm>>
        tpu.wait_dma2 semaphore(%arg18 : memref<!tpu.dma_semaphore, #tpu.memory_space<semaphore_mem>>) src(%arg8 : memref<128x128xf32, #tpu.memory_space<vmem>>) dst(%dma_wait3A_212 : memref<128x128xf32, #tpu.memory_space<hbm>>)
      } else {
      }
      %add3A_82 = arith.constant 5 : i32
      %add3A_83 = arith.addi %add3A_64, %add3A_82 : i32
      %sub3A_84 = arith.constant 1 : i32
      %sub3A_85 = arith.subi %add3A_83, %sub3A_84 : i32
      %lt3A_86 = arith.constant 50 : i32
      %lt3A_87 = arith.cmpi slt, %sub3A_85, %lt3A_86 : i32
      %convert_element_type3A_88 = arith.extui %lt3A_87 : i1 to i32
      %cond3A_89 = arith.constant 0 : i32
      %cond3A_90 = arith.cmpi ne, %convert_element_type3A_88, %cond3A_89 : i32
      scf.if %cond3A_90 {
        %add3A_209 = arith.constant 5 : i32
        %add3A_210 = arith.addi %add3A_64, %add3A_209 : i32
        %sub3A_211 = arith.constant 1 : i32
        %sub3A_212 = arith.subi %add3A_210, %sub3A_211 : i32
        %mul3A_213 = arith.constant 128 : i32
        %mul3A_214 = arith.muli %sub3A_212, %mul3A_213 : i32
        %dma_start3A_215 = tpu.memref_slice %arg6[%mul3A_214] : memref<6400xi32, #tpu.memory_space<vmem>> -> memref<128xi32, #tpu.memory_space<vmem>>
        %dma_start3A_216 = arith.constant 0 : i32
        %dma_start3A_217 = arith.constant 0 : i32
        %dma_start3A_218 = tpu.memref_slice %arg3[%dma_start3A_216, %dma_start3A_217] : memref<100000x128xf32, #tpu.memory_space<hbm>> -> memref<100000x128xf32, #tpu.memory_space<hbm>>
        tpu.enqueue_indirect_dma source(%dma_start3A_218 : memref<100000x128xf32, #tpu.memory_space<hbm>>) target(%arg8 : memref<128x128xf32, #tpu.memory_space<vmem>>) offsets(%dma_start3A_215 : memref<128xi32, #tpu.memory_space<vmem>>) semaphore(%arg13 : memref<!tpu.dma_semaphore, #tpu.memory_space<semaphore_mem>>)
      } else {
      }
      %mul3A_91 = arith.constant 128 : i32
      %mul3A_92 = arith.muli %add3A_64, %mul3A_91 : i32
      %add3A_93 = arith.addi %mul3A_2, %mul3A_92 : i32
      %dma_start3A_94 = arith.constant 0 : i32
      %dma_start3A_95 = tpu.memref_slice %arg5[%add3A_93, %dma_start3A_94] : memref<204800x128xf32, #tpu.memory_space<hbm>> -> memref<128x128xf32, #tpu.memory_space<hbm>>
      %dma_start3A_96 = arith.constant 0 : i32
      %dma_start3A_97 = tpu.memref_slice %arg5[%add3A_93, %dma_start3A_96] : memref<204800x128xf32, #tpu.memory_space<hbm>> -> memref<128x128xf32, #tpu.memory_space<hbm>>
      tpu.enqueue_dma source(%arg9 : memref<128x128xf32, #tpu.memory_space<vmem>>) target(%dma_start3A_97 : memref<128x128xf32, #tpu.memory_space<hbm>>) target_semaphore(%arg19 : memref<!tpu.dma_semaphore, #tpu.memory_space<semaphore_mem>>)
      %mul3A_98 = arith.constant 5 : i32
      %mul3A_99 = arith.muli %scan3A_30, %mul3A_98 : i32
      %add3A_100 = arith.constant 2 : i32
      %add3A_101 = arith.addi %mul3A_99, %add3A_100 : i32
      %dma_wait3A_102 = arith.constant 0 : i32
      %dma_wait3A_103 = tpu.memref_slice %arg6[%dma_wait3A_102] : memref<6400xi32, #tpu.memory_space<vmem>> -> memref<128xi32, #tpu.memory_space<vmem>>
      %dma_wait3A_104 = arith.constant 0 : i32
      %dma_wait3A_105 = arith.constant 0 : i32
      %dma_wait3A_106 = tpu.memref_slice %arg3[%dma_wait3A_104, %dma_wait3A_105] : memref<100000x128xf32, #tpu.memory_space<hbm>> -> memref<100000x128xf32, #tpu.memory_space<hbm>>
      tpu.wait_indirect_dma semaphore(%arg15 : memref<!tpu.dma_semaphore, #tpu.memory_space<semaphore_mem>>) src(%dma_wait3A_106 : memref<100000x128xf32, #tpu.memory_space<hbm>>) dst(%arg10 : memref<128x128xf32, #tpu.memory_space<vmem>>)
      %mul3A_107 = arith.constant 128 : i32
      %mul3A_108 = arith.muli %add3A_101, %mul3A_107 : i32
      %rem3A_109 = arith.constant 200 : i32
      %rem3A_110 = arith.remsi %mul3A_108, %rem3A_109 : i32
      %parallel_loop3A_111 = arith.constant 0 : i32
      %parallel_loop3A_112 = arith.constant 128 : i32
      %parallel_loop3A_113 = arith.constant 1 : i32
      scf.for %parallel_loop3A_209 = %parallel_loop3A_111 to %parallel_loop3A_112 step %parallel_loop3A_113  : i32 {
        %parallel_loop3A_210 = arith.addi %rem3A_110, %parallel_loop3A_209 : i32
        %parallel_loop3A_211 = arith.constant 200 : i32
        %parallel_loop3A_212 = arith.cmpi sge, %parallel_loop3A_210, %parallel_loop3A_211 : i32
        %parallel_loop3A_213 = arith.constant 200 : i32
        %parallel_loop3A_214 = arith.subi %parallel_loop3A_210, %parallel_loop3A_213 : i32
        %parallel_loop3A_215 = arith.select %parallel_loop3A_212, %parallel_loop3A_214, %parallel_loop3A_210 : i32
        %parallel_loop3A_216 = arith.index_cast %parallel_loop3A_209 : i32 to index
        %parallel_loop3A_217 = arith.constant 0 : index
        %parallel_loop3A_218 = tpu.vector_load %arg10[%parallel_loop3A_216, %parallel_loop3A_217] {strides = array<i32>} : memref<128x128xf32, #tpu.memory_space<vmem>>, vector<1x16xf32>,
        %parallel_loop3A_219 = vector.shape_cast %parallel_loop3A_218 : vector<1x16xf32> to vector<16xf32>
        %parallel_loop3A_220 = arith.constant 11.3137083 : f32
        %parallel_loop3A_221 = vector.broadcast %parallel_loop3A_220 : f32 to vector<16xf32>
        %parallel_loop3A_222 = arith.mulf %parallel_loop3A_219, %parallel_loop3A_221 : vector<16xf32>
        %parallel_loop3A_223 = arith.index_cast %parallel_loop3A_215 : i32 to index
        %parallel_loop3A_224 = arith.constant 0 : index
        %parallel_loop3A_225 = tpu.vector_load %arg7[%parallel_loop3A_223, %parallel_loop3A_224] {strides = array<i32>} : memref<200x128xf32, #tpu.memory_space<vmem>>, vector<1x16xf32>,
        %parallel_loop3A_226 = vector.shape_cast %parallel_loop3A_225 : vector<1x16xf32> to vector<16xf32>
        %parallel_loop3A_227 = arith.addf %parallel_loop3A_222, %parallel_loop3A_226 : vector<16xf32>
        %parallel_loop3A_228 = arith.index_cast %parallel_loop3A_209 : i32 to index
        %parallel_loop3A_229 = arith.constant 0 : index
        %parallel_loop3A_230 = tpu.vector_load %arg10[%parallel_loop3A_228, %parallel_loop3A_229] {strides = array<i32>} : memref<128x128xf32, #tpu.memory_space<vmem>>, vector<1x16xf32>,
        %parallel_loop3A_231 = vector.shape_cast %parallel_loop3A_230 : vector<1x16xf32> to vector<16xf32>
        %parallel_loop3A_232 = vector.shape_cast %parallel_loop3A_227 : vector<16xf32> to vector<1x16xf32>
        tpu.vector_store %arg10[%parallel_loop3A_228, %parallel_loop3A_229], %parallel_loop3A_232 {strides = array<i32>} : memref<128x128xf32, #tpu.memory_space<vmem>>, vector<1x16xf32>,
        %parallel_loop3A_233 = arith.index_cast %parallel_loop3A_209 : i32 to index
        %parallel_loop3A_234 = arith.constant 16 : index
        %parallel_loop3A_235 = tpu.vector_load %arg10[%parallel_loop3A_233, %parallel_loop3A_234] {strides = array<i32>} : memref<128x128xf32, #tpu.memory_space<vmem>>, vector<1x16xf32>,
        %parallel_loop3A_236 = vector.shape_cast %parallel_loop3A_235 : vector<1x16xf32> to vector<16xf32>
        %parallel_loop3A_237 = arith.constant 11.3137083 : f32
        %parallel_loop3A_238 = vector.broadcast %parallel_loop3A_237 : f32 to vector<16xf32>
        %parallel_loop3A_239 = arith.mulf %parallel_loop3A_236, %parallel_loop3A_238 : vector<16xf32>
        %parallel_loop3A_240 = arith.index_cast %parallel_loop3A_215 : i32 to index
        %parallel_loop3A_241 = arith.constant 16 : index
        %parallel_loop3A_242 = tpu.vector_load %arg7[%parallel_loop3A_240, %parallel_loop3A_241] {strides = array<i32>} : memref<200x128xf32, #tpu.memory_space<vmem>>, vector<1x16xf32>,
        %parallel_loop3A_243 = vector.shape_cast %parallel_loop3A_242 : vector<1x16xf32> to vector<16xf32>
        %parallel_loop3A_244 = arith.addf %parallel_loop3A_239, %parallel_loop3A_243 : vector<16xf32>
        %parallel_loop3A_245 = arith.index_cast %parallel_loop3A_209 : i32 to index
        %parallel_loop3A_246 = arith.constant 16 : index
        %parallel_loop3A_247 = tpu.vector_load %arg10[%parallel_loop3A_245, %parallel_loop3A_246] {strides = array<i32>} : memref<128x128xf32, #tpu.memory_space<vmem>>, vector<1x16xf32>,
        %parallel_loop3A_248 = vector.shape_cast %parallel_loop3A_247 : vector<1x16xf32> to vector<16xf32>
        %parallel_loop3A_249 = vector.shape_cast %parallel_loop3A_244 : vector<16xf32> to vector<1x16xf32>
        tpu.vector_store %arg10[%parallel_loop3A_245, %parallel_loop3A_246], %parallel_loop3A_249 {strides = array<i32>} : memref<128x128xf32, #tpu.memory_space<vmem>>, vector<1x16xf32>,
        %parallel_loop3A_250 = arith.index_cast %parallel_loop3A_209 : i32 to index
        %parallel_loop3A_251 = arith.constant 32 : index
        %parallel_loop3A_252 = tpu.vector_load %arg10[%parallel_loop3A_250, %parallel_loop3A_251] {strides = array<i32>} : memref<128x128xf32, #tpu.memory_space<vmem>>, vector<1x16xf32>,
        %parallel_loop3A_253 = vector.shape_cast %parallel_loop3A_252 : vector<1x16xf32> to vector<16xf32>
        %parallel_loop3A_254 = arith.constant 11.3137083 : f32
        %parallel_loop3A_255 = vector.broadcast %parallel_loop3A_254 : f32 to vector<16xf32>
        %parallel_loop3A_256 = arith.mulf %parallel_loop3A_253, %parallel_loop3A_255 : vector<16xf32>
        %parallel_loop3A_257 = arith.index_cast %parallel_loop3A_215 : i32 to index
        %parallel_loop3A_258 = arith.constant 32 : index
        %parallel_loop3A_259 = tpu.vector_load %arg7[%parallel_loop3A_257, %parallel_loop3A_258] {strides = array<i32>} : memref<200x128xf32, #tpu.memory_space<vmem>>, vector<1x16xf32>,
        %parallel_loop3A_260 = vector.shape_cast %parallel_loop3A_259 : vector<1x16xf32> to vector<16xf32>
        %parallel_loop3A_261 = arith.addf %parallel_loop3A_256, %parallel_loop3A_260 : vector<16xf32>
        %parallel_loop3A_262 = arith.index_cast %parallel_loop3A_209 : i32 to index
        %parallel_loop3A_263 = arith.constant 32 : index
        %parallel_loop3A_264 = tpu.vector_load %arg10[%parallel_loop3A_262, %parallel_loop3A_263] {strides = array<i32>} : memref<128x128xf32, #tpu.memory_space<vmem>>, vector<1x16xf32>,
        %parallel_loop3A_265 = vector.shape_cast %parallel_loop3A_264 : vector<1x16xf32> to vector<16xf32>
        %parallel_loop3A_266 = vector.shape_cast %parallel_loop3A_261 : vector<16xf32> to vector<1x16xf32>
        tpu.vector_store %arg10[%parallel_loop3A_262, %parallel_loop3A_263], %parallel_loop3A_266 {strides = array<i32>} : memref<128x128xf32, #tpu.memory_space<vmem>>, vector<1x16xf32>,
        %parallel_loop3A_267 = arith.index_cast %parallel_loop3A_209 : i32 to index
        %parallel_loop3A_268 = arith.constant 48 : index
        %parallel_loop3A_269 = tpu.vector_load %arg10[%parallel_loop3A_267, %parallel_loop3A_268] {strides = array<i32>} : memref<128x128xf32, #tpu.memory_space<vmem>>, vector<1x16xf32>,
        %parallel_loop3A_270 = vector.shape_cast %parallel_loop3A_269 : vector<1x16xf32> to vector<16xf32>
        %parallel_loop3A_271 = arith.constant 11.3137083 : f32
        %parallel_loop3A_272 = vector.broadcast %parallel_loop3A_271 : f32 to vector<16xf32>
        %parallel_loop3A_273 = arith.mulf %parallel_loop3A_270, %parallel_loop3A_272 : vector<16xf32>
        %parallel_loop3A_274 = arith.index_cast %parallel_loop3A_215 : i32 to index
        %parallel_loop3A_275 = arith.constant 48 : index
        %parallel_loop3A_276 = tpu.vector_load %arg7[%parallel_loop3A_274, %parallel_loop3A_275] {strides = array<i32>} : memref<200x128xf32, #tpu.memory_space<vmem>>, vector<1x16xf32>,
        %parallel_loop3A_277 = vector.shape_cast %parallel_loop3A_276 : vector<1x16xf32> to vector<16xf32>
        %parallel_loop3A_278 = arith.addf %parallel_loop3A_273, %parallel_loop3A_277 : vector<16xf32>
        %parallel_loop3A_279 = arith.index_cast %parallel_loop3A_209 : i32 to index
        %parallel_loop3A_280 = arith.constant 48 : index
        %parallel_loop3A_281 = tpu.vector_load %arg10[%parallel_loop3A_279, %parallel_loop3A_280] {strides = array<i32>} : memref<128x128xf32, #tpu.memory_space<vmem>>, vector<1x16xf32>,
        %parallel_loop3A_282 = vector.shape_cast %parallel_loop3A_281 : vector<1x16xf32> to vector<16xf32>
        %parallel_loop3A_283 = vector.shape_cast %parallel_loop3A_278 : vector<16xf32> to vector<1x16xf32>
        tpu.vector_store %arg10[%parallel_loop3A_279, %parallel_loop3A_280], %parallel_loop3A_283 {strides = array<i32>} : memref<128x128xf32, #tpu.memory_space<vmem>>, vector<1x16xf32>,
        %parallel_loop3A_284 = arith.index_cast %parallel_loop3A_209 : i32 to index
        %parallel_loop3A_285 = arith.constant 64 : index
        %parallel_loop3A_286 = tpu.vector_load %arg10[%parallel_loop3A_284, %parallel_loop3A_285] {strides = array<i32>} : memref<128x128xf32, #tpu.memory_space<vmem>>, vector<1x16xf32>,
        %parallel_loop3A_287 = vector.shape_cast %parallel_loop3A_286 : vector<1x16xf32> to vector<16xf32>
        %parallel_loop3A_288 = arith.constant 11.3137083 : f32
        %parallel_loop3A_289 = vector.broadcast %parallel_loop3A_288 : f32 to vector<16xf32>
        %parallel_loop3A_290 = arith.mulf %parallel_loop3A_287, %parallel_loop3A_289 : vector<16xf32>
        %parallel_loop3A_291 = arith.index_cast %parallel_loop3A_215 : i32 to index
        %parallel_loop3A_292 = arith.constant 64 : index
        %parallel_loop3A_293 = tpu.vector_load %arg7[%parallel_loop3A_291, %parallel_loop3A_292] {strides = array<i32>} : memref<200x128xf32, #tpu.memory_space<vmem>>, vector<1x16xf32>,
        %parallel_loop3A_294 = vector.shape_cast %parallel_loop3A_293 : vector<1x16xf32> to vector<16xf32>
        %parallel_loop3A_295 = arith.addf %parallel_loop3A_290, %parallel_loop3A_294 : vector<16xf32>
        %parallel_loop3A_296 = arith.index_cast %parallel_loop3A_209 : i32 to index
        %parallel_loop3A_297 = arith.constant 64 : index
        %parallel_loop3A_298 = tpu.vector_load %arg10[%parallel_loop3A_296, %parallel_loop3A_297] {strides = array<i32>} : memref<128x128xf32, #tpu.memory_space<vmem>>, vector<1x16xf32>,
        %parallel_loop3A_299 = vector.shape_cast %parallel_loop3A_298 : vector<1x16xf32> to vector<16xf32>
        %parallel_loop3A_300 = vector.shape_cast %parallel_loop3A_295 : vector<16xf32> to vector<1x16xf32>
        tpu.vector_store %arg10[%parallel_loop3A_296, %parallel_loop3A_297], %parallel_loop3A_300 {strides = array<i32>} : memref<128x128xf32, #tpu.memory_space<vmem>>, vector<1x16xf32>,
        %parallel_loop3A_301 = arith.index_cast %parallel_loop3A_209 : i32 to index
        %parallel_loop3A_302 = arith.constant 80 : index
        %parallel_loop3A_303 = tpu.vector_load %arg10[%parallel_loop3A_301, %parallel_loop3A_302] {strides = array<i32>} : memref<128x128xf32, #tpu.memory_space<vmem>>, vector<1x16xf32>,
        %parallel_loop3A_304 = vector.shape_cast %parallel_loop3A_303 : vector<1x16xf32> to vector<16xf32>
        %parallel_loop3A_305 = arith.constant 11.3137083 : f32
        %parallel_loop3A_306 = vector.broadcast %parallel_loop3A_305 : f32 to vector<16xf32>
        %parallel_loop3A_307 = arith.mulf %parallel_loop3A_304, %parallel_loop3A_306 : vector<16xf32>
        %parallel_loop3A_308 = arith.index_cast %parallel_loop3A_215 : i32 to index
        %parallel_loop3A_309 = arith.constant 80 : index
        %parallel_loop3A_310 = tpu.vector_load %arg7[%parallel_loop3A_308, %parallel_loop3A_309] {strides = array<i32>} : memref<200x128xf32, #tpu.memory_space<vmem>>, vector<1x16xf32>,
        %parallel_loop3A_311 = vector.shape_cast %parallel_loop3A_310 : vector<1x16xf32> to vector<16xf32>
        %parallel_loop3A_312 = arith.addf %parallel_loop3A_307, %parallel_loop3A_311 : vector<16xf32>
        %parallel_loop3A_313 = arith.index_cast %parallel_loop3A_209 : i32 to index
        %parallel_loop3A_314 = arith.constant 80 : index
        %parallel_loop3A_315 = tpu.vector_load %arg10[%parallel_loop3A_313, %parallel_loop3A_314] {strides = array<i32>} : memref<128x128xf32, #tpu.memory_space<vmem>>, vector<1x16xf32>,
        %parallel_loop3A_316 = vector.shape_cast %parallel_loop3A_315 : vector<1x16xf32> to vector<16xf32>
        %parallel_loop3A_317 = vector.shape_cast %parallel_loop3A_312 : vector<16xf32> to vector<1x16xf32>
        tpu.vector_store %arg10[%parallel_loop3A_313, %parallel_loop3A_314], %parallel_loop3A_317 {strides = array<i32>} : memref<128x128xf32, #tpu.memory_space<vmem>>, vector<1x16xf32>,
        %parallel_loop3A_318 = arith.index_cast %parallel_loop3A_209 : i32 to index
        %parallel_loop3A_319 = arith.constant 96 : index
        %parallel_loop3A_320 = tpu.vector_load %arg10[%parallel_loop3A_318, %parallel_loop3A_319] {strides = array<i32>} : memref<128x128xf32, #tpu.memory_space<vmem>>, vector<1x16xf32>,
        %parallel_loop3A_321 = vector.shape_cast %parallel_loop3A_320 : vector<1x16xf32> to vector<16xf32>
        %parallel_loop3A_322 = arith.constant 11.3137083 : f32
        %parallel_loop3A_323 = vector.broadcast %parallel_loop3A_322 : f32 to vector<16xf32>
        %parallel_loop3A_324 = arith.mulf %parallel_loop3A_321, %parallel_loop3A_323 : vector<16xf32>
        %parallel_loop3A_325 = arith.index_cast %parallel_loop3A_215 : i32 to index
        %parallel_loop3A_326 = arith.constant 96 : index
        %parallel_loop3A_327 = tpu.vector_load %arg7[%parallel_loop3A_325, %parallel_loop3A_326] {strides = array<i32>} : memref<200x128xf32, #tpu.memory_space<vmem>>, vector<1x16xf32>,
        %parallel_loop3A_328 = vector.shape_cast %parallel_loop3A_327 : vector<1x16xf32> to vector<16xf32>
        %parallel_loop3A_329 = arith.addf %parallel_loop3A_324, %parallel_loop3A_328 : vector<16xf32>
        %parallel_loop3A_330 = arith.index_cast %parallel_loop3A_209 : i32 to index
        %parallel_loop3A_331 = arith.constant 96 : index
        %parallel_loop3A_332 = tpu.vector_load %arg10[%parallel_loop3A_330, %parallel_loop3A_331] {strides = array<i32>} : memref<128x128xf32, #tpu.memory_space<vmem>>, vector<1x16xf32>,
        %parallel_loop3A_333 = vector.shape_cast %parallel_loop3A_332 : vector<1x16xf32> to vector<16xf32>
        %parallel_loop3A_334 = vector.shape_cast %parallel_loop3A_329 : vector<16xf32> to vector<1x16xf32>
        tpu.vector_store %arg10[%parallel_loop3A_330, %parallel_loop3A_331], %parallel_loop3A_334 {strides = array<i32>} : memref<128x128xf32, #tpu.memory_space<vmem>>, vector<1x16xf32>,
        %parallel_loop3A_335 = arith.index_cast %parallel_loop3A_209 : i32 to index
        %parallel_loop3A_336 = arith.constant 112 : index
        %parallel_loop3A_337 = tpu.vector_load %arg10[%parallel_loop3A_335, %parallel_loop3A_336] {strides = array<i32>} : memref<128x128xf32, #tpu.memory_space<vmem>>, vector<1x16xf32>,
        %parallel_loop3A_338 = vector.shape_cast %parallel_loop3A_337 : vector<1x16xf32> to vector<16xf32>
        %parallel_loop3A_339 = arith.constant 11.3137083 : f32
        %parallel_loop3A_340 = vector.broadcast %parallel_loop3A_339 : f32 to vector<16xf32>
        %parallel_loop3A_341 = arith.mulf %parallel_loop3A_338, %parallel_loop3A_340 : vector<16xf32>
        %parallel_loop3A_342 = arith.index_cast %parallel_loop3A_215 : i32 to index
        %parallel_loop3A_343 = arith.constant 112 : index
        %parallel_loop3A_344 = tpu.vector_load %arg7[%parallel_loop3A_342, %parallel_loop3A_343] {strides = array<i32>} : memref<200x128xf32, #tpu.memory_space<vmem>>, vector<1x16xf32>,
        %parallel_loop3A_345 = vector.shape_cast %parallel_loop3A_344 : vector<1x16xf32> to vector<16xf32>
        %parallel_loop3A_346 = arith.addf %parallel_loop3A_341, %parallel_loop3A_345 : vector<16xf32>
        %parallel_loop3A_347 = arith.index_cast %parallel_loop3A_209 : i32 to index
        %parallel_loop3A_348 = arith.constant 112 : index
        %parallel_loop3A_349 = tpu.vector_load %arg10[%parallel_loop3A_347, %parallel_loop3A_348] {strides = array<i32>} : memref<128x128xf32, #tpu.memory_space<vmem>>, vector<1x16xf32>,
        %parallel_loop3A_350 = vector.shape_cast %parallel_loop3A_349 : vector<1x16xf32> to vector<16xf32>
        %parallel_loop3A_351 = vector.shape_cast %parallel_loop3A_346 : vector<16xf32> to vector<1x16xf32>
        tpu.vector_store %arg10[%parallel_loop3A_347, %parallel_loop3A_348], %parallel_loop3A_351 {strides = array<i32>} : memref<128x128xf32, #tpu.memory_space<vmem>>, vector<1x16xf32>,
      } {sc.loop_unroll_factor = 2 : i64, sc.parallel_access}
      %ge3A_114 = arith.constant 1 : i32
      %ge3A_115 = arith.cmpi sge, %add3A_101, %ge3A_114 : i32
      %convert_element_type3A_116 = arith.extui %ge3A_115 : i1 to i32
      %cond3A_117 = arith.constant 0 : i32
      %cond3A_118 = arith.cmpi ne, %convert_element_type3A_116, %cond3A_117 : i32
      scf.if %cond3A_118 {
        %dma_wait3A_209 = arith.constant 0 : i32
        %dma_wait3A_210 = tpu.memref_slice %arg5[%mul3A_2, %dma_wait3A_209] : memref<204800x128xf32, #tpu.memory_space<hbm>> -> memref<128x128xf32, #tpu.memory_space<hbm>>
        %dma_wait3A_211 = arith.constant 0 : i32
        %dma_wait3A_212 = tpu.memref_slice %arg5[%mul3A_2, %dma_wait3A_211] : memref<204800x128xf32, #tpu.memory_space<hbm>> -> memref<128x128xf32, #tpu.memory_space<hbm>>
        tpu.wait_dma2 semaphore(%arg19 : memref<!tpu.dma_semaphore, #tpu.memory_space<semaphore_mem>>) src(%arg9 : memref<128x128xf32, #tpu.memory_space<vmem>>) dst(%dma_wait3A_212 : memref<128x128xf32, #tpu.memory_space<hbm>>)
      } else {
      }
      %add3A_119 = arith.constant 5 : i32
      %add3A_120 = arith.addi %add3A_101, %add3A_119 : i32
      %sub3A_121 = arith.constant 1 : i32
      %sub3A_122 = arith.subi %add3A_120, %sub3A_121 : i32
      %lt3A_123 = arith.constant 50 : i32
      %lt3A_124 = arith.cmpi slt, %sub3A_122, %lt3A_123 : i32
      %convert_element_type3A_125 = arith.extui %lt3A_124 : i1 to i32
      %cond3A_126 = arith.constant 0 : i32
      %cond3A_127 = arith.cmpi ne, %convert_element_type3A_125, %cond3A_126 : i32
      scf.if %cond3A_127 {
        %add3A_209 = arith.constant 5 : i32
        %add3A_210 = arith.addi %add3A_101, %add3A_209 : i32
        %sub3A_211 = arith.constant 1 : i32
        %sub3A_212 = arith.subi %add3A_210, %sub3A_211 : i32
        %mul3A_213 = arith.constant 128 : i32
        %mul3A_214 = arith.muli %sub3A_212, %mul3A_213 : i32
        %dma_start3A_215 = tpu.memref_slice %arg6[%mul3A_214] : memref<6400xi32, #tpu.memory_space<vmem>> -> memref<128xi32, #tpu.memory_space<vmem>>
        %dma_start3A_216 = arith.constant 0 : i32
        %dma_start3A_217 = arith.constant 0 : i32
        %dma_start3A_218 = tpu.memref_slice %arg3[%dma_start3A_216, %dma_start3A_217] : memref<100000x128xf32, #tpu.memory_space<hbm>> -> memref<100000x128xf32, #tpu.memory_space<hbm>>
        tpu.enqueue_indirect_dma source(%dma_start3A_218 : memref<100000x128xf32, #tpu.memory_space<hbm>>) target(%arg9 : memref<128x128xf32, #tpu.memory_space<vmem>>) offsets(%dma_start3A_215 : memref<128xi32, #tpu.memory_space<vmem>>) semaphore(%arg14 : memref<!tpu.dma_semaphore, #tpu.memory_space<semaphore_mem>>)
      } else {
      }
      %mul3A_128 = arith.constant 128 : i32
      %mul3A_129 = arith.muli %add3A_101, %mul3A_128 : i32
      %add3A_130 = arith.addi %mul3A_2, %mul3A_129 : i32
      %dma_start3A_131 = arith.constant 0 : i32
      %dma_start3A_132 = tpu.memref_slice %arg5[%add3A_130, %dma_start3A_131] : memref<204800x128xf32, #tpu.memory_space<hbm>> -> memref<128x128xf32, #tpu.memory_space<hbm>>
      %dma_start3A_133 = arith.constant 0 : i32
      %dma_start3A_134 = tpu.memref_slice %arg5[%add3A_130, %dma_start3A_133] : memref<204800x128xf32, #tpu.memory_space<hbm>> -> memref<128x128xf32, #tpu.memory_space<hbm>>
      tpu.enqueue_dma source(%arg10 : memref<128x128xf32, #tpu.memory_space<vmem>>) target(%dma_start3A_134 : memref<128x128xf32, #tpu.memory_space<hbm>>) target_semaphore(%arg20 : memref<!tpu.dma_semaphore, #tpu.memory_space<semaphore_mem>>)
      %mul3A_135 = arith.constant 5 : i32
      %mul3A_136 = arith.muli %scan3A_30, %mul3A_135 : i32
      %add3A_137 = arith.constant 3 : i32
      %add3A_138 = arith.addi %mul3A_136, %add3A_137 : i32
      %dma_wait3A_139 = arith.constant 0 : i32
      %dma_wait3A_140 = tpu.memref_slice %arg6[%dma_wait3A_139] : memref<6400xi32, #tpu.memory_space<vmem>> -> memref<128xi32, #tpu.memory_space<vmem>>
      %dma_wait3A_141 = arith.constant 0 : i32
      %dma_wait3A_142 = arith.constant 0 : i32
      %dma_wait3A_143 = tpu.memref_slice %arg3[%dma_wait3A_141, %dma_wait3A_142] : memref<100000x128xf32, #tpu.memory_space<hbm>> -> memref<100000x128xf32, #tpu.memory_space<hbm>>
      tpu.wait_indirect_dma semaphore(%arg16 : memref<!tpu.dma_semaphore, #tpu.memory_space<semaphore_mem>>) src(%dma_wait3A_143 : memref<100000x128xf32, #tpu.memory_space<hbm>>) dst(%arg11 : memref<128x128xf32, #tpu.memory_space<vmem>>)
      %mul3A_144 = arith.constant 128 : i32
      %mul3A_145 = arith.muli %add3A_138, %mul3A_144 : i32
      %rem3A_146 = arith.constant 200 : i32
      %rem3A_147 = arith.remsi %mul3A_145, %rem3A_146 : i32
      %parallel_loop3A_148 = arith.constant 0 : i32
      %parallel_loop3A_149 = arith.constant 128 : i32
      %parallel_loop3A_150 = arith.constant 1 : i32
      scf.for %parallel_loop3A_209 = %parallel_loop3A_148 to %parallel_loop3A_149 step %parallel_loop3A_150  : i32 {
        %parallel_loop3A_210 = arith.addi %rem3A_147, %parallel_loop3A_209 : i32
        %parallel_loop3A_211 = arith.constant 200 : i32
        %parallel_loop3A_212 = arith.cmpi sge, %parallel_loop3A_210, %parallel_loop3A_211 : i32
        %parallel_loop3A_213 = arith.constant 200 : i32
        %parallel_loop3A_214 = arith.subi %parallel_loop3A_210, %parallel_loop3A_213 : i32
        %parallel_loop3A_215 = arith.select %parallel_loop3A_212, %parallel_loop3A_214, %parallel_loop3A_210 : i32
        %parallel_loop3A_216 = arith.index_cast %parallel_loop3A_209 : i32 to index
        %parallel_loop3A_217 = arith.constant 0 : index
        %parallel_loop3A_218 = tpu.vector_load %arg11[%parallel_loop3A_216, %parallel_loop3A_217] {strides = array<i32>} : memref<128x128xf32, #tpu.memory_space<vmem>>, vector<1x16xf32>,
        %parallel_loop3A_219 = vector.shape_cast %parallel_loop3A_218 : vector<1x16xf32> to vector<16xf32>
        %parallel_loop3A_220 = arith.constant 11.3137083 : f32
        %parallel_loop3A_221 = vector.broadcast %parallel_loop3A_220 : f32 to vector<16xf32>
        %parallel_loop3A_222 = arith.mulf %parallel_loop3A_219, %parallel_loop3A_221 : vector<16xf32>
        %parallel_loop3A_223 = arith.index_cast %parallel_loop3A_215 : i32 to index
        %parallel_loop3A_224 = arith.constant 0 : index
        %parallel_loop3A_225 = tpu.vector_load %arg7[%parallel_loop3A_223, %parallel_loop3A_224] {strides = array<i32>} : memref<200x128xf32, #tpu.memory_space<vmem>>, vector<1x16xf32>,
        %parallel_loop3A_226 = vector.shape_cast %parallel_loop3A_225 : vector<1x16xf32> to vector<16xf32>
        %parallel_loop3A_227 = arith.addf %parallel_loop3A_222, %parallel_loop3A_226 : vector<16xf32>
        %parallel_loop3A_228 = arith.index_cast %parallel_loop3A_209 : i32 to index
        %parallel_loop3A_229 = arith.constant 0 : index
        %parallel_loop3A_230 = tpu.vector_load %arg11[%parallel_loop3A_228, %parallel_loop3A_229] {strides = array<i32>} : memref<128x128xf32, #tpu.memory_space<vmem>>, vector<1x16xf32>,
        %parallel_loop3A_231 = vector.shape_cast %parallel_loop3A_230 : vector<1x16xf32> to vector<16xf32>
        %parallel_loop3A_232 = vector.shape_cast %parallel_loop3A_227 : vector<16xf32> to vector<1x16xf32>
        tpu.vector_store %arg11[%parallel_loop3A_228, %parallel_loop3A_229], %parallel_loop3A_232 {strides = array<i32>} : memref<128x128xf32, #tpu.memory_space<vmem>>, vector<1x16xf32>,
        %parallel_loop3A_233 = arith.index_cast %parallel_loop3A_209 : i32 to index
        %parallel_loop3A_234 = arith.constant 16 : index
        %parallel_loop3A_235 = tpu.vector_load %arg11[%parallel_loop3A_233, %parallel_loop3A_234] {strides = array<i32>} : memref<128x128xf32, #tpu.memory_space<vmem>>, vector<1x16xf32>,
        %parallel_loop3A_236 = vector.shape_cast %parallel_loop3A_235 : vector<1x16xf32> to vector<16xf32>
        %parallel_loop3A_237 = arith.constant 11.3137083 : f32
        %parallel_loop3A_238 = vector.broadcast %parallel_loop3A_237 : f32 to vector<16xf32>
        %parallel_loop3A_239 = arith.mulf %parallel_loop3A_236, %parallel_loop3A_238 : vector<16xf32>
        %parallel_loop3A_240 = arith.index_cast %parallel_loop3A_215 : i32 to index
        %parallel_loop3A_241 = arith.constant 16 : index
        %parallel_loop3A_242 = tpu.vector_load %arg7[%parallel_loop3A_240, %parallel_loop3A_241] {strides = array<i32>} : memref<200x128xf32, #tpu.memory_space<vmem>>, vector<1x16xf32>,
        %parallel_loop3A_243 = vector.shape_cast %parallel_loop3A_242 : vector<1x16xf32> to vector<16xf32>
        %parallel_loop3A_244 = arith.addf %parallel_loop3A_239, %parallel_loop3A_243 : vector<16xf32>
        %parallel_loop3A_245 = arith.index_cast %parallel_loop3A_209 : i32 to index
        %parallel_loop3A_246 = arith.constant 16 : index
        %parallel_loop3A_247 = tpu.vector_load %arg11[%parallel_loop3A_245, %parallel_loop3A_246] {strides = array<i32>} : memref<128x128xf32, #tpu.memory_space<vmem>>, vector<1x16xf32>,
        %parallel_loop3A_248 = vector.shape_cast %parallel_loop3A_247 : vector<1x16xf32> to vector<16xf32>
        %parallel_loop3A_249 = vector.shape_cast %parallel_loop3A_244 : vector<16xf32> to vector<1x16xf32>
        tpu.vector_store %arg11[%parallel_loop3A_245, %parallel_loop3A_246], %parallel_loop3A_249 {strides = array<i32>} : memref<128x128xf32, #tpu.memory_space<vmem>>, vector<1x16xf32>,
        %parallel_loop3A_250 = arith.index_cast %parallel_loop3A_209 : i32 to index
        %parallel_loop3A_251 = arith.constant 32 : index
        %parallel_loop3A_252 = tpu.vector_load %arg11[%parallel_loop3A_250, %parallel_loop3A_251] {strides = array<i32>} : memref<128x128xf32, #tpu.memory_space<vmem>>, vector<1x16xf32>,
        %parallel_loop3A_253 = vector.shape_cast %parallel_loop3A_252 : vector<1x16xf32> to vector<16xf32>
        %parallel_loop3A_254 = arith.constant 11.3137083 : f32
        %parallel_loop3A_255 = vector.broadcast %parallel_loop3A_254 : f32 to vector<16xf32>
        %parallel_loop3A_256 = arith.mulf %parallel_loop3A_253, %parallel_loop3A_255 : vector<16xf32>
        %parallel_loop3A_257 = arith.index_cast %parallel_loop3A_215 : i32 to index
        %parallel_loop3A_258 = arith.constant 32 : index
        %parallel_loop3A_259 = tpu.vector_load %arg7[%parallel_loop3A_257, %parallel_loop3A_258] {strides = array<i32>} : memref<200x128xf32, #tpu.memory_space<vmem>>, vector<1x16xf32>,
        %parallel_loop3A_260 = vector.shape_cast %parallel_loop3A_259 : vector<1x16xf32> to vector<16xf32>
        %parallel_loop3A_261 = arith.addf %parallel_loop3A_256, %parallel_loop3A_260 : vector<16xf32>
        %parallel_loop3A_262 = arith.index_cast %parallel_loop3A_209 : i32 to index
        %parallel_loop3A_263 = arith.constant 32 : index
        %parallel_loop3A_264 = tpu.vector_load %arg11[%parallel_loop3A_262, %parallel_loop3A_263] {strides = array<i32>} : memref<128x128xf32, #tpu.memory_space<vmem>>, vector<1x16xf32>,
        %parallel_loop3A_265 = vector.shape_cast %parallel_loop3A_264 : vector<1x16xf32> to vector<16xf32>
        %parallel_loop3A_266 = vector.shape_cast %parallel_loop3A_261 : vector<16xf32> to vector<1x16xf32>
        tpu.vector_store %arg11[%parallel_loop3A_262, %parallel_loop3A_263], %parallel_loop3A_266 {strides = array<i32>} : memref<128x128xf32, #tpu.memory_space<vmem>>, vector<1x16xf32>,
        %parallel_loop3A_267 = arith.index_cast %parallel_loop3A_209 : i32 to index
        %parallel_loop3A_268 = arith.constant 48 : index
        %parallel_loop3A_269 = tpu.vector_load %arg11[%parallel_loop3A_267, %parallel_loop3A_268] {strides = array<i32>} : memref<128x128xf32, #tpu.memory_space<vmem>>, vector<1x16xf32>,
        %parallel_loop3A_270 = vector.shape_cast %parallel_loop3A_269 : vector<1x16xf32> to vector<16xf32>
        %parallel_loop3A_271 = arith.constant 11.3137083 : f32
        %parallel_loop3A_272 = vector.broadcast %parallel_loop3A_271 : f32 to vector<16xf32>
        %parallel_loop3A_273 = arith.mulf %parallel_loop3A_270, %parallel_loop3A_272 : vector<16xf32>
        %parallel_loop3A_274 = arith.index_cast %parallel_loop3A_215 : i32 to index
        %parallel_loop3A_275 = arith.constant 48 : index
        %parallel_loop3A_276 = tpu.vector_load %arg7[%parallel_loop3A_274, %parallel_loop3A_275] {strides = array<i32>} : memref<200x128xf32, #tpu.memory_space<vmem>>, vector<1x16xf32>,
        %parallel_loop3A_277 = vector.shape_cast %parallel_loop3A_276 : vector<1x16xf32> to vector<16xf32>
        %parallel_loop3A_278 = arith.addf %parallel_loop3A_273, %parallel_loop3A_277 : vector<16xf32>
        %parallel_loop3A_279 = arith.index_cast %parallel_loop3A_209 : i32 to index
        %parallel_loop3A_280 = arith.constant 48 : index
        %parallel_loop3A_281 = tpu.vector_load %arg11[%parallel_loop3A_279, %parallel_loop3A_280] {strides = array<i32>} : memref<128x128xf32, #tpu.memory_space<vmem>>, vector<1x16xf32>,
        %parallel_loop3A_282 = vector.shape_cast %parallel_loop3A_281 : vector<1x16xf32> to vector<16xf32>
        %parallel_loop3A_283 = vector.shape_cast %parallel_loop3A_278 : vector<16xf32> to vector<1x16xf32>
        tpu.vector_store %arg11[%parallel_loop3A_279, %parallel_loop3A_280], %parallel_loop3A_283 {strides = array<i32>} : memref<128x128xf32, #tpu.memory_space<vmem>>, vector<1x16xf32>,
        %parallel_loop3A_284 = arith.index_cast %parallel_loop3A_209 : i32 to index
        %parallel_loop3A_285 = arith.constant 64 : index
        %parallel_loop3A_286 = tpu.vector_load %arg11[%parallel_loop3A_284, %parallel_loop3A_285] {strides = array<i32>} : memref<128x128xf32, #tpu.memory_space<vmem>>, vector<1x16xf32>,
        %parallel_loop3A_287 = vector.shape_cast %parallel_loop3A_286 : vector<1x16xf32> to vector<16xf32>
        %parallel_loop3A_288 = arith.constant 11.3137083 : f32
        %parallel_loop3A_289 = vector.broadcast %parallel_loop3A_288 : f32 to vector<16xf32>
        %parallel_loop3A_290 = arith.mulf %parallel_loop3A_287, %parallel_loop3A_289 : vector<16xf32>
        %parallel_loop3A_291 = arith.index_cast %parallel_loop3A_215 : i32 to index
        %parallel_loop3A_292 = arith.constant 64 : index
        %parallel_loop3A_293 = tpu.vector_load %arg7[%parallel_loop3A_291, %parallel_loop3A_292] {strides = array<i32>} : memref<200x128xf32, #tpu.memory_space<vmem>>, vector<1x16xf32>,
        %parallel_loop3A_294 = vector.shape_cast %parallel_loop3A_293 : vector<1x16xf32> to vector<16xf32>
        %parallel_loop3A_295 = arith.addf %parallel_loop3A_290, %parallel_loop3A_294 : vector<16xf32>
        %parallel_loop3A_296 = arith.index_cast %parallel_loop3A_209 : i32 to index
        %parallel_loop3A_297 = arith.constant 64 : index
        %parallel_loop3A_298 = tpu.vector_load %arg11[%parallel_loop3A_296, %parallel_loop3A_297] {strides = array<i32>} : memref<128x128xf32, #tpu.memory_space<vmem>>, vector<1x16xf32>,
        %parallel_loop3A_299 = vector.shape_cast %parallel_loop3A_298 : vector<1x16xf32> to vector<16xf32>
        %parallel_loop3A_300 = vector.shape_cast %parallel_loop3A_295 : vector<16xf32> to vector<1x16xf32>
        tpu.vector_store %arg11[%parallel_loop3A_296, %parallel_loop3A_297], %parallel_loop3A_300 {strides = array<i32>} : memref<128x128xf32, #tpu.memory_space<vmem>>, vector<1x16xf32>,
        %parallel_loop3A_301 = arith.index_cast %parallel_loop3A_209 : i32 to index
        %parallel_loop3A_302 = arith.constant 80 : index
        %parallel_loop3A_303 = tpu.vector_load %arg11[%parallel_loop3A_301, %parallel_loop3A_302] {strides = array<i32>} : memref<128x128xf32, #tpu.memory_space<vmem>>, vector<1x16xf32>,
        %parallel_loop3A_304 = vector.shape_cast %parallel_loop3A_303 : vector<1x16xf32> to vector<16xf32>
        %parallel_loop3A_305 = arith.constant 11.3137083 : f32
        %parallel_loop3A_306 = vector.broadcast %parallel_loop3A_305 : f32 to vector<16xf32>
        %parallel_loop3A_307 = arith.mulf %parallel_loop3A_304, %parallel_loop3A_306 : vector<16xf32>
        %parallel_loop3A_308 = arith.index_cast %parallel_loop3A_215 : i32 to index
        %parallel_loop3A_309 = arith.constant 80 : index
        %parallel_loop3A_310 = tpu.vector_load %arg7[%parallel_loop3A_308, %parallel_loop3A_309] {strides = array<i32>} : memref<200x128xf32, #tpu.memory_space<vmem>>, vector<1x16xf32>,
        %parallel_loop3A_311 = vector.shape_cast %parallel_loop3A_310 : vector<1x16xf32> to vector<16xf32>
        %parallel_loop3A_312 = arith.addf %parallel_loop3A_307, %parallel_loop3A_311 : vector<16xf32>
        %parallel_loop3A_313 = arith.index_cast %parallel_loop3A_209 : i32 to index
        %parallel_loop3A_314 = arith.constant 80 : index
        %parallel_loop3A_315 = tpu.vector_load %arg11[%parallel_loop3A_313, %parallel_loop3A_314] {strides = array<i32>} : memref<128x128xf32, #tpu.memory_space<vmem>>, vector<1x16xf32>,
        %parallel_loop3A_316 = vector.shape_cast %parallel_loop3A_315 : vector<1x16xf32> to vector<16xf32>
        %parallel_loop3A_317 = vector.shape_cast %parallel_loop3A_312 : vector<16xf32> to vector<1x16xf32>
        tpu.vector_store %arg11[%parallel_loop3A_313, %parallel_loop3A_314], %parallel_loop3A_317 {strides = array<i32>} : memref<128x128xf32, #tpu.memory_space<vmem>>, vector<1x16xf32>,
        %parallel_loop3A_318 = arith.index_cast %parallel_loop3A_209 : i32 to index
        %parallel_loop3A_319 = arith.constant 96 : index
        %parallel_loop3A_320 = tpu.vector_load %arg11[%parallel_loop3A_318, %parallel_loop3A_319] {strides = array<i32>} : memref<128x128xf32, #tpu.memory_space<vmem>>, vector<1x16xf32>,
        %parallel_loop3A_321 = vector.shape_cast %parallel_loop3A_320 : vector<1x16xf32> to vector<16xf32>
        %parallel_loop3A_322 = arith.constant 11.3137083 : f32
        %parallel_loop3A_323 = vector.broadcast %parallel_loop3A_322 : f32 to vector<16xf32>
        %parallel_loop3A_324 = arith.mulf %parallel_loop3A_321, %parallel_loop3A_323 : vector<16xf32>
        %parallel_loop3A_325 = arith.index_cast %parallel_loop3A_215 : i32 to index
        %parallel_loop3A_326 = arith.constant 96 : index
        %parallel_loop3A_327 = tpu.vector_load %arg7[%parallel_loop3A_325, %parallel_loop3A_326] {strides = array<i32>} : memref<200x128xf32, #tpu.memory_space<vmem>>, vector<1x16xf32>,
        %parallel_loop3A_328 = vector.shape_cast %parallel_loop3A_327 : vector<1x16xf32> to vector<16xf32>
        %parallel_loop3A_329 = arith.addf %parallel_loop3A_324, %parallel_loop3A_328 : vector<16xf32>
        %parallel_loop3A_330 = arith.index_cast %parallel_loop3A_209 : i32 to index
        %parallel_loop3A_331 = arith.constant 96 : index
        %parallel_loop3A_332 = tpu.vector_load %arg11[%parallel_loop3A_330, %parallel_loop3A_331] {strides = array<i32>} : memref<128x128xf32, #tpu.memory_space<vmem>>, vector<1x16xf32>,
        %parallel_loop3A_333 = vector.shape_cast %parallel_loop3A_332 : vector<1x16xf32> to vector<16xf32>
        %parallel_loop3A_334 = vector.shape_cast %parallel_loop3A_329 : vector<16xf32> to vector<1x16xf32>
        tpu.vector_store %arg11[%parallel_loop3A_330, %parallel_loop3A_331], %parallel_loop3A_334 {strides = array<i32>} : memref<128x128xf32, #tpu.memory_space<vmem>>, vector<1x16xf32>,
        %parallel_loop3A_335 = arith.index_cast %parallel_loop3A_209 : i32 to index
        %parallel_loop3A_336 = arith.constant 112 : index
        %parallel_loop3A_337 = tpu.vector_load %arg11[%parallel_loop3A_335, %parallel_loop3A_336] {strides = array<i32>} : memref<128x128xf32, #tpu.memory_space<vmem>>, vector<1x16xf32>,
        %parallel_loop3A_338 = vector.shape_cast %parallel_loop3A_337 : vector<1x16xf32> to vector<16xf32>
        %parallel_loop3A_339 = arith.constant 11.3137083 : f32
        %parallel_loop3A_340 = vector.broadcast %parallel_loop3A_339 : f32 to vector<16xf32>
        %parallel_loop3A_341 = arith.mulf %parallel_loop3A_338, %parallel_loop3A_340 : vector<16xf32>
        %parallel_loop3A_342 = arith.index_cast %parallel_loop3A_215 : i32 to index
        %parallel_loop3A_343 = arith.constant 112 : index
        %parallel_loop3A_344 = tpu.vector_load %arg7[%parallel_loop3A_342, %parallel_loop3A_343] {strides = array<i32>} : memref<200x128xf32, #tpu.memory_space<vmem>>, vector<1x16xf32>,
        %parallel_loop3A_345 = vector.shape_cast %parallel_loop3A_344 : vector<1x16xf32> to vector<16xf32>
        %parallel_loop3A_346 = arith.addf %parallel_loop3A_341, %parallel_loop3A_345 : vector<16xf32>
        %parallel_loop3A_347 = arith.index_cast %parallel_loop3A_209 : i32 to index
        %parallel_loop3A_348 = arith.constant 112 : index
        %parallel_loop3A_349 = tpu.vector_load %arg11[%parallel_loop3A_347, %parallel_loop3A_348] {strides = array<i32>} : memref<128x128xf32, #tpu.memory_space<vmem>>, vector<1x16xf32>,
        %parallel_loop3A_350 = vector.shape_cast %parallel_loop3A_349 : vector<1x16xf32> to vector<16xf32>
        %parallel_loop3A_351 = vector.shape_cast %parallel_loop3A_346 : vector<16xf32> to vector<1x16xf32>
        tpu.vector_store %arg11[%parallel_loop3A_347, %parallel_loop3A_348], %parallel_loop3A_351 {strides = array<i32>} : memref<128x128xf32, #tpu.memory_space<vmem>>, vector<1x16xf32>,
      } {sc.loop_unroll_factor = 2 : i64, sc.parallel_access}
      %ge3A_151 = arith.constant 1 : i32
      %ge3A_152 = arith.cmpi sge, %add3A_138, %ge3A_151 : i32
      %convert_element_type3A_153 = arith.extui %ge3A_152 : i1 to i32
      %cond3A_154 = arith.constant 0 : i32
      %cond3A_155 = arith.cmpi ne, %convert_element_type3A_153, %cond3A_154 : i32
      scf.if %cond3A_155 {
        %dma_wait3A_209 = arith.constant 0 : i32
        %dma_wait3A_210 = tpu.memref_slice %arg5[%mul3A_2, %dma_wait3A_209] : memref<204800x128xf32, #tpu.memory_space<hbm>> -> memref<128x128xf32, #tpu.memory_space<hbm>>
        %dma_wait3A_211 = arith.constant 0 : i32
        %dma_wait3A_212 = tpu.memref_slice %arg5[%mul3A_2, %dma_wait3A_211] : memref<204800x128xf32, #tpu.memory_space<hbm>> -> memref<128x128xf32, #tpu.memory_space<hbm>>
        tpu.wait_dma2 semaphore(%arg20 : memref<!tpu.dma_semaphore, #tpu.memory_space<semaphore_mem>>) src(%arg10 : memref<128x128xf32, #tpu.memory_space<vmem>>) dst(%dma_wait3A_212 : memref<128x128xf32, #tpu.memory_space<hbm>>)
      } else {
      }
      %add3A_156 = arith.constant 5 : i32
      %add3A_157 = arith.addi %add3A_138, %add3A_156 : i32
      %sub3A_158 = arith.constant 1 : i32
      %sub3A_159 = arith.subi %add3A_157, %sub3A_158 : i32
      %lt3A_160 = arith.constant 50 : i32
      %lt3A_161 = arith.cmpi slt, %sub3A_159, %lt3A_160 : i32
      %convert_element_type3A_162 = arith.extui %lt3A_161 : i1 to i32
      %cond3A_163 = arith.constant 0 : i32
      %cond3A_164 = arith.cmpi ne, %convert_element_type3A_162, %cond3A_163 : i32
      scf.if %cond3A_164 {
        %add3A_209 = arith.constant 5 : i32
        %add3A_210 = arith.addi %add3A_138, %add3A_209 : i32
        %sub3A_211 = arith.constant 1 : i32
        %sub3A_212 = arith.subi %add3A_210, %sub3A_211 : i32
        %mul3A_213 = arith.constant 128 : i32
        %mul3A_214 = arith.muli %sub3A_212, %mul3A_213 : i32
        %dma_start3A_215 = tpu.memref_slice %arg6[%mul3A_214] : memref<6400xi32, #tpu.memory_space<vmem>> -> memref<128xi32, #tpu.memory_space<vmem>>
        %dma_start3A_216 = arith.constant 0 : i32
        %dma_start3A_217 = arith.constant 0 : i32
        %dma_start3A_218 = tpu.memref_slice %arg3[%dma_start3A_216, %dma_start3A_217] : memref<100000x128xf32, #tpu.memory_space<hbm>> -> memref<100000x128xf32, #tpu.memory_space<hbm>>
        tpu.enqueue_indirect_dma source(%dma_start3A_218 : memref<100000x128xf32, #tpu.memory_space<hbm>>) target(%arg10 : memref<128x128xf32, #tpu.memory_space<vmem>>) offsets(%dma_start3A_215 : memref<128xi32, #tpu.memory_space<vmem>>) semaphore(%arg15 : memref<!tpu.dma_semaphore, #tpu.memory_space<semaphore_mem>>)
      } else {
      }
      %mul3A_165 = arith.constant 128 : i32
      %mul3A_166 = arith.muli %add3A_138, %mul3A_165 : i32
      %add3A_167 = arith.addi %mul3A_2, %mul3A_166 : i32
      %dma_start3A_168 = arith.constant 0 : i32
      %dma_start3A_169 = tpu.memref_slice %arg5[%add3A_167, %dma_start3A_168] : memref<204800x128xf32, #tpu.memory_space<hbm>> -> memref<128x128xf32, #tpu.memory_space<hbm>>
      %dma_start3A_170 = arith.constant 0 : i32
      %dma_start3A_171 = tpu.memref_slice %arg5[%add3A_167, %dma_start3A_170] : memref<204800x128xf32, #tpu.memory_space<hbm>> -> memref<128x128xf32, #tpu.memory_space<hbm>>
      tpu.enqueue_dma source(%arg11 : memref<128x128xf32, #tpu.memory_space<vmem>>) target(%dma_start3A_171 : memref<128x128xf32, #tpu.memory_space<hbm>>) target_semaphore(%arg21 : memref<!tpu.dma_semaphore, #tpu.memory_space<semaphore_mem>>)
      %mul3A_172 = arith.constant 5 : i32
      %mul3A_173 = arith.muli %scan3A_30, %mul3A_172 : i32
      %add3A_174 = arith.constant 4 : i32
      %add3A_175 = arith.addi %mul3A_173, %add3A_174 : i32
      %dma_wait3A_176 = arith.constant 0 : i32
      %dma_wait3A_177 = tpu.memref_slice %arg6[%dma_wait3A_176] : memref<6400xi32, #tpu.memory_space<vmem>> -> memref<128xi32, #tpu.memory_space<vmem>>
      %dma_wait3A_178 = arith.constant 0 : i32
      %dma_wait3A_179 = arith.constant 0 : i32
      %dma_wait3A_180 = tpu.memref_slice %arg3[%dma_wait3A_178, %dma_wait3A_179] : memref<100000x128xf32, #tpu.memory_space<hbm>> -> memref<100000x128xf32, #tpu.memory_space<hbm>>
      tpu.wait_indirect_dma semaphore(%arg17 : memref<!tpu.dma_semaphore, #tpu.memory_space<semaphore_mem>>) src(%dma_wait3A_180 : memref<100000x128xf32, #tpu.memory_space<hbm>>) dst(%arg12 : memref<128x128xf32, #tpu.memory_space<vmem>>)
      %mul3A_181 = arith.constant 128 : i32
      %mul3A_182 = arith.muli %add3A_175, %mul3A_181 : i32
      %rem3A_183 = arith.constant 200 : i32
      %rem3A_184 = arith.remsi %mul3A_182, %rem3A_183 : i32
      %parallel_loop3A_185 = arith.constant 0 : i32
      %parallel_loop3A_186 = arith.constant 128 : i32
      %parallel_loop3A_187 = arith.constant 1 : i32
      scf.for %parallel_loop3A_209 = %parallel_loop3A_185 to %parallel_loop3A_186 step %parallel_loop3A_187  : i32 {
        %parallel_loop3A_210 = arith.addi %rem3A_184, %parallel_loop3A_209 : i32
        %parallel_loop3A_211 = arith.constant 200 : i32
        %parallel_loop3A_212 = arith.cmpi sge, %parallel_loop3A_210, %parallel_loop3A_211 : i32
        %parallel_loop3A_213 = arith.constant 200 : i32
        %parallel_loop3A_214 = arith.subi %parallel_loop3A_210, %parallel_loop3A_213 : i32
        %parallel_loop3A_215 = arith.select %parallel_loop3A_212, %parallel_loop3A_214, %parallel_loop3A_210 : i32
        %parallel_loop3A_216 = arith.index_cast %parallel_loop3A_209 : i32 to index
        %parallel_loop3A_217 = arith.constant 0 : index
        %parallel_loop3A_218 = tpu.vector_load %arg12[%parallel_loop3A_216, %parallel_loop3A_217] {strides = array<i32>} : memref<128x128xf32, #tpu.memory_space<vmem>>, vector<1x16xf32>,
        %parallel_loop3A_219 = vector.shape_cast %parallel_loop3A_218 : vector<1x16xf32> to vector<16xf32>
        %parallel_loop3A_220 = arith.constant 11.3137083 : f32
        %parallel_loop3A_221 = vector.broadcast %parallel_loop3A_220 : f32 to vector<16xf32>
        %parallel_loop3A_222 = arith.mulf %parallel_loop3A_219, %parallel_loop3A_221 : vector<16xf32>
        %parallel_loop3A_223 = arith.index_cast %parallel_loop3A_215 : i32 to index
        %parallel_loop3A_224 = arith.constant 0 : index
        %parallel_loop3A_225 = tpu.vector_load %arg7[%parallel_loop3A_223, %parallel_loop3A_224] {strides = array<i32>} : memref<200x128xf32, #tpu.memory_space<vmem>>, vector<1x16xf32>,
        %parallel_loop3A_226 = vector.shape_cast %parallel_loop3A_225 : vector<1x16xf32> to vector<16xf32>
        %parallel_loop3A_227 = arith.addf %parallel_loop3A_222, %parallel_loop3A_226 : vector<16xf32>
        %parallel_loop3A_228 = arith.index_cast %parallel_loop3A_209 : i32 to index
        %parallel_loop3A_229 = arith.constant 0 : index
        %parallel_loop3A_230 = tpu.vector_load %arg12[%parallel_loop3A_228, %parallel_loop3A_229] {strides = array<i32>} : memref<128x128xf32, #tpu.memory_space<vmem>>, vector<1x16xf32>,
        %parallel_loop3A_231 = vector.shape_cast %parallel_loop3A_230 : vector<1x16xf32> to vector<16xf32>
        %parallel_loop3A_232 = vector.shape_cast %parallel_loop3A_227 : vector<16xf32> to vector<1x16xf32>
        tpu.vector_store %arg12[%parallel_loop3A_228, %parallel_loop3A_229], %parallel_loop3A_232 {strides = array<i32>} : memref<128x128xf32, #tpu.memory_space<vmem>>, vector<1x16xf32>,
        %parallel_loop3A_233 = arith.index_cast %parallel_loop3A_209 : i32 to index
        %parallel_loop3A_234 = arith.constant 16 : index
        %parallel_loop3A_235 = tpu.vector_load %arg12[%parallel_loop3A_233, %parallel_loop3A_234] {strides = array<i32>} : memref<128x128xf32, #tpu.memory_space<vmem>>, vector<1x16xf32>,
        %parallel_loop3A_236 = vector.shape_cast %parallel_loop3A_235 : vector<1x16xf32> to vector<16xf32>
        %parallel_loop3A_237 = arith.constant 11.3137083 : f32
        %parallel_loop3A_238 = vector.broadcast %parallel_loop3A_237 : f32 to vector<16xf32>
        %parallel_loop3A_239 = arith.mulf %parallel_loop3A_236, %parallel_loop3A_238 : vector<16xf32>
        %parallel_loop3A_240 = arith.index_cast %parallel_loop3A_215 : i32 to index
        %parallel_loop3A_241 = arith.constant 16 : index
        %parallel_loop3A_242 = tpu.vector_load %arg7[%parallel_loop3A_240, %parallel_loop3A_241] {strides = array<i32>} : memref<200x128xf32, #tpu.memory_space<vmem>>, vector<1x16xf32>,
        %parallel_loop3A_243 = vector.shape_cast %parallel_loop3A_242 : vector<1x16xf32> to vector<16xf32>
        %parallel_loop3A_244 = arith.addf %parallel_loop3A_239, %parallel_loop3A_243 : vector<16xf32>
        %parallel_loop3A_245 = arith.index_cast %parallel_loop3A_209 : i32 to index
        %parallel_loop3A_246 = arith.constant 16 : index
        %parallel_loop3A_247 = tpu.vector_load %arg12[%parallel_loop3A_245, %parallel_loop3A_246] {strides = array<i32>} : memref<128x128xf32, #tpu.memory_space<vmem>>, vector<1x16xf32>,
        %parallel_loop3A_248 = vector.shape_cast %parallel_loop3A_247 : vector<1x16xf32> to vector<16xf32>
        %parallel_loop3A_249 = vector.shape_cast %parallel_loop3A_244 : vector<16xf32> to vector<1x16xf32>
        tpu.vector_store %arg12[%parallel_loop3A_245, %parallel_loop3A_246], %parallel_loop3A_249 {strides = array<i32>} : memref<128x128xf32, #tpu.memory_space<vmem>>, vector<1x16xf32>,
        %parallel_loop3A_250 = arith.index_cast %parallel_loop3A_209 : i32 to index
        %parallel_loop3A_251 = arith.constant 32 : index
        %parallel_loop3A_252 = tpu.vector_load %arg12[%parallel_loop3A_250, %parallel_loop3A_251] {strides = array<i32>} : memref<128x128xf32, #tpu.memory_space<vmem>>, vector<1x16xf32>,
        %parallel_loop3A_253 = vector.shape_cast %parallel_loop3A_252 : vector<1x16xf32> to vector<16xf32>
        %parallel_loop3A_254 = arith.constant 11.3137083 : f32
        %parallel_loop3A_255 = vector.broadcast %parallel_loop3A_254 : f32 to vector<16xf32>
        %parallel_loop3A_256 = arith.mulf %parallel_loop3A_253, %parallel_loop3A_255 : vector<16xf32>
        %parallel_loop3A_257 = arith.index_cast %parallel_loop3A_215 : i32 to index
        %parallel_loop3A_258 = arith.constant 32 : index
        %parallel_loop3A_259 = tpu.vector_load %arg7[%parallel_loop3A_257, %parallel_loop3A_258] {strides = array<i32>} : memref<200x128xf32, #tpu.memory_space<vmem>>, vector<1x16xf32>,
        %parallel_loop3A_260 = vector.shape_cast %parallel_loop3A_259 : vector<1x16xf32> to vector<16xf32>
        %parallel_loop3A_261 = arith.addf %parallel_loop3A_256, %parallel_loop3A_260 : vector<16xf32>
        %parallel_loop3A_262 = arith.index_cast %parallel_loop3A_209 : i32 to index
        %parallel_loop3A_263 = arith.constant 32 : index
        %parallel_loop3A_264 = tpu.vector_load %arg12[%parallel_loop3A_262, %parallel_loop3A_263] {strides = array<i32>} : memref<128x128xf32, #tpu.memory_space<vmem>>, vector<1x16xf32>,
        %parallel_loop3A_265 = vector.shape_cast %parallel_loop3A_264 : vector<1x16xf32> to vector<16xf32>
        %parallel_loop3A_266 = vector.shape_cast %parallel_loop3A_261 : vector<16xf32> to vector<1x16xf32>
        tpu.vector_store %arg12[%parallel_loop3A_262, %parallel_loop3A_263], %parallel_loop3A_266 {strides = array<i32>} : memref<128x128xf32, #tpu.memory_space<vmem>>, vector<1x16xf32>,
        %parallel_loop3A_267 = arith.index_cast %parallel_loop3A_209 : i32 to index
        %parallel_loop3A_268 = arith.constant 48 : index
        %parallel_loop3A_269 = tpu.vector_load %arg12[%parallel_loop3A_267, %parallel_loop3A_268] {strides = array<i32>} : memref<128x128xf32, #tpu.memory_space<vmem>>, vector<1x16xf32>,
        %parallel_loop3A_270 = vector.shape_cast %parallel_loop3A_269 : vector<1x16xf32> to vector<16xf32>
        %parallel_loop3A_271 = arith.constant 11.3137083 : f32
        %parallel_loop3A_272 = vector.broadcast %parallel_loop3A_271 : f32 to vector<16xf32>
        %parallel_loop3A_273 = arith.mulf %parallel_loop3A_270, %parallel_loop3A_272 : vector<16xf32>
        %parallel_loop3A_274 = arith.index_cast %parallel_loop3A_215 : i32 to index
        %parallel_loop3A_275 = arith.constant 48 : index
        %parallel_loop3A_276 = tpu.vector_load %arg7[%parallel_loop3A_274, %parallel_loop3A_275] {strides = array<i32>} : memref<200x128xf32, #tpu.memory_space<vmem>>, vector<1x16xf32>,
        %parallel_loop3A_277 = vector.shape_cast %parallel_loop3A_276 : vector<1x16xf32> to vector<16xf32>
        %parallel_loop3A_278 = arith.addf %parallel_loop3A_273, %parallel_loop3A_277 : vector<16xf32>
        %parallel_loop3A_279 = arith.index_cast %parallel_loop3A_209 : i32 to index
        %parallel_loop3A_280 = arith.constant 48 : index
        %parallel_loop3A_281 = tpu.vector_load %arg12[%parallel_loop3A_279, %parallel_loop3A_280] {strides = array<i32>} : memref<128x128xf32, #tpu.memory_space<vmem>>, vector<1x16xf32>,
        %parallel_loop3A_282 = vector.shape_cast %parallel_loop3A_281 : vector<1x16xf32> to vector<16xf32>
        %parallel_loop3A_283 = vector.shape_cast %parallel_loop3A_278 : vector<16xf32> to vector<1x16xf32>
        tpu.vector_store %arg12[%parallel_loop3A_279, %parallel_loop3A_280], %parallel_loop3A_283 {strides = array<i32>} : memref<128x128xf32, #tpu.memory_space<vmem>>, vector<1x16xf32>,
        %parallel_loop3A_284 = arith.index_cast %parallel_loop3A_209 : i32 to index
        %parallel_loop3A_285 = arith.constant 64 : index
        %parallel_loop3A_286 = tpu.vector_load %arg12[%parallel_loop3A_284, %parallel_loop3A_285] {strides = array<i32>} : memref<128x128xf32, #tpu.memory_space<vmem>>, vector<1x16xf32>,
        %parallel_loop3A_287 = vector.shape_cast %parallel_loop3A_286 : vector<1x16xf32> to vector<16xf32>
        %parallel_loop3A_288 = arith.constant 11.3137083 : f32
        %parallel_loop3A_289 = vector.broadcast %parallel_loop3A_288 : f32 to vector<16xf32>
        %parallel_loop3A_290 = arith.mulf %parallel_loop3A_287, %parallel_loop3A_289 : vector<16xf32>
        %parallel_loop3A_291 = arith.index_cast %parallel_loop3A_215 : i32 to index
        %parallel_loop3A_292 = arith.constant 64 : index
        %parallel_loop3A_293 = tpu.vector_load %arg7[%parallel_loop3A_291, %parallel_loop3A_292] {strides = array<i32>} : memref<200x128xf32, #tpu.memory_space<vmem>>, vector<1x16xf32>,
        %parallel_loop3A_294 = vector.shape_cast %parallel_loop3A_293 : vector<1x16xf32> to vector<16xf32>
        %parallel_loop3A_295 = arith.addf %parallel_loop3A_290, %parallel_loop3A_294 : vector<16xf32>
        %parallel_loop3A_296 = arith.index_cast %parallel_loop3A_209 : i32 to index
        %parallel_loop3A_297 = arith.constant 64 : index
        %parallel_loop3A_298 = tpu.vector_load %arg12[%parallel_loop3A_296, %parallel_loop3A_297] {strides = array<i32>} : memref<128x128xf32, #tpu.memory_space<vmem>>, vector<1x16xf32>,
        %parallel_loop3A_299 = vector.shape_cast %parallel_loop3A_298 : vector<1x16xf32> to vector<16xf32>
        %parallel_loop3A_300 = vector.shape_cast %parallel_loop3A_295 : vector<16xf32> to vector<1x16xf32>
        tpu.vector_store %arg12[%parallel_loop3A_296, %parallel_loop3A_297], %parallel_loop3A_300 {strides = array<i32>} : memref<128x128xf32, #tpu.memory_space<vmem>>, vector<1x16xf32>,
        %parallel_loop3A_301 = arith.index_cast %parallel_loop3A_209 : i32 to index
        %parallel_loop3A_302 = arith.constant 80 : index
        %parallel_loop3A_303 = tpu.vector_load %arg12[%parallel_loop3A_301, %parallel_loop3A_302] {strides = array<i32>} : memref<128x128xf32, #tpu.memory_space<vmem>>, vector<1x16xf32>,
        %parallel_loop3A_304 = vector.shape_cast %parallel_loop3A_303 : vector<1x16xf32> to vector<16xf32>
        %parallel_loop3A_305 = arith.constant 11.3137083 : f32
        %parallel_loop3A_306 = vector.broadcast %parallel_loop3A_305 : f32 to vector<16xf32>
        %parallel_loop3A_307 = arith.mulf %parallel_loop3A_304, %parallel_loop3A_306 : vector<16xf32>
        %parallel_loop3A_308 = arith.index_cast %parallel_loop3A_215 : i32 to index
        %parallel_loop3A_309 = arith.constant 80 : index
        %parallel_loop3A_310 = tpu.vector_load %arg7[%parallel_loop3A_308, %parallel_loop3A_309] {strides = array<i32>} : memref<200x128xf32, #tpu.memory_space<vmem>>, vector<1x16xf32>,
        %parallel_loop3A_311 = vector.shape_cast %parallel_loop3A_310 : vector<1x16xf32> to vector<16xf32>
        %parallel_loop3A_312 = arith.addf %parallel_loop3A_307, %parallel_loop3A_311 : vector<16xf32>
        %parallel_loop3A_313 = arith.index_cast %parallel_loop3A_209 : i32 to index
        %parallel_loop3A_314 = arith.constant 80 : index
        %parallel_loop3A_315 = tpu.vector_load %arg12[%parallel_loop3A_313, %parallel_loop3A_314] {strides = array<i32>} : memref<128x128xf32, #tpu.memory_space<vmem>>, vector<1x16xf32>,
        %parallel_loop3A_316 = vector.shape_cast %parallel_loop3A_315 : vector<1x16xf32> to vector<16xf32>
        %parallel_loop3A_317 = vector.shape_cast %parallel_loop3A_312 : vector<16xf32> to vector<1x16xf32>
        tpu.vector_store %arg12[%parallel_loop3A_313, %parallel_loop3A_314], %parallel_loop3A_317 {strides = array<i32>} : memref<128x128xf32, #tpu.memory_space<vmem>>, vector<1x16xf32>,
        %parallel_loop3A_318 = arith.index_cast %parallel_loop3A_209 : i32 to index
        %parallel_loop3A_319 = arith.constant 96 : index
        %parallel_loop3A_320 = tpu.vector_load %arg12[%parallel_loop3A_318, %parallel_loop3A_319] {strides = array<i32>} : memref<128x128xf32, #tpu.memory_space<vmem>>, vector<1x16xf32>,
        %parallel_loop3A_321 = vector.shape_cast %parallel_loop3A_320 : vector<1x16xf32> to vector<16xf32>
        %parallel_loop3A_322 = arith.constant 11.3137083 : f32
        %parallel_loop3A_323 = vector.broadcast %parallel_loop3A_322 : f32 to vector<16xf32>
        %parallel_loop3A_324 = arith.mulf %parallel_loop3A_321, %parallel_loop3A_323 : vector<16xf32>
        %parallel_loop3A_325 = arith.index_cast %parallel_loop3A_215 : i32 to index
        %parallel_loop3A_326 = arith.constant 96 : index
        %parallel_loop3A_327 = tpu.vector_load %arg7[%parallel_loop3A_325, %parallel_loop3A_326] {strides = array<i32>} : memref<200x128xf32, #tpu.memory_space<vmem>>, vector<1x16xf32>,
        %parallel_loop3A_328 = vector.shape_cast %parallel_loop3A_327 : vector<1x16xf32> to vector<16xf32>
        %parallel_loop3A_329 = arith.addf %parallel_loop3A_324, %parallel_loop3A_328 : vector<16xf32>
        %parallel_loop3A_330 = arith.index_cast %parallel_loop3A_209 : i32 to index
        %parallel_loop3A_331 = arith.constant 96 : index
        %parallel_loop3A_332 = tpu.vector_load %arg12[%parallel_loop3A_330, %parallel_loop3A_331] {strides = array<i32>} : memref<128x128xf32, #tpu.memory_space<vmem>>, vector<1x16xf32>,
        %parallel_loop3A_333 = vector.shape_cast %parallel_loop3A_332 : vector<1x16xf32> to vector<16xf32>
        %parallel_loop3A_334 = vector.shape_cast %parallel_loop3A_329 : vector<16xf32> to vector<1x16xf32>
        tpu.vector_store %arg12[%parallel_loop3A_330, %parallel_loop3A_331], %parallel_loop3A_334 {strides = array<i32>} : memref<128x128xf32, #tpu.memory_space<vmem>>, vector<1x16xf32>,
        %parallel_loop3A_335 = arith.index_cast %parallel_loop3A_209 : i32 to index
        %parallel_loop3A_336 = arith.constant 112 : index
        %parallel_loop3A_337 = tpu.vector_load %arg12[%parallel_loop3A_335, %parallel_loop3A_336] {strides = array<i32>} : memref<128x128xf32, #tpu.memory_space<vmem>>, vector<1x16xf32>,
        %parallel_loop3A_338 = vector.shape_cast %parallel_loop3A_337 : vector<1x16xf32> to vector<16xf32>
        %parallel_loop3A_339 = arith.constant 11.3137083 : f32
        %parallel_loop3A_340 = vector.broadcast %parallel_loop3A_339 : f32 to vector<16xf32>
        %parallel_loop3A_341 = arith.mulf %parallel_loop3A_338, %parallel_loop3A_340 : vector<16xf32>
        %parallel_loop3A_342 = arith.index_cast %parallel_loop3A_215 : i32 to index
        %parallel_loop3A_343 = arith.constant 112 : index
        %parallel_loop3A_344 = tpu.vector_load %arg7[%parallel_loop3A_342, %parallel_loop3A_343] {strides = array<i32>} : memref<200x128xf32, #tpu.memory_space<vmem>>, vector<1x16xf32>,
        %parallel_loop3A_345 = vector.shape_cast %parallel_loop3A_344 : vector<1x16xf32> to vector<16xf32>
        %parallel_loop3A_346 = arith.addf %parallel_loop3A_341, %parallel_loop3A_345 : vector<16xf32>
        %parallel_loop3A_347 = arith.index_cast %parallel_loop3A_209 : i32 to index
        %parallel_loop3A_348 = arith.constant 112 : index
        %parallel_loop3A_349 = tpu.vector_load %arg12[%parallel_loop3A_347, %parallel_loop3A_348] {strides = array<i32>} : memref<128x128xf32, #tpu.memory_space<vmem>>, vector<1x16xf32>,
        %parallel_loop3A_350 = vector.shape_cast %parallel_loop3A_349 : vector<1x16xf32> to vector<16xf32>
        %parallel_loop3A_351 = vector.shape_cast %parallel_loop3A_346 : vector<16xf32> to vector<1x16xf32>
        tpu.vector_store %arg12[%parallel_loop3A_347, %parallel_loop3A_348], %parallel_loop3A_351 {strides = array<i32>} : memref<128x128xf32, #tpu.memory_space<vmem>>, vector<1x16xf32>,
      } {sc.loop_unroll_factor = 2 : i64, sc.parallel_access}
      %ge3A_188 = arith.constant 1 : i32
      %ge3A_189 = arith.cmpi sge, %add3A_175, %ge3A_188 : i32
      %convert_element_type3A_190 = arith.extui %ge3A_189 : i1 to i32
      %cond3A_191 = arith.constant 0 : i32
      %cond3A_192 = arith.cmpi ne, %convert_element_type3A_190, %cond3A_191 : i32
      scf.if %cond3A_192 {
        %dma_wait3A_209 = arith.constant 0 : i32
        %dma_wait3A_210 = tpu.memref_slice %arg5[%mul3A_2, %dma_wait3A_209] : memref<204800x128xf32, #tpu.memory_space<hbm>> -> memref<128x128xf32, #tpu.memory_space<hbm>>
        %dma_wait3A_211 = arith.constant 0 : i32
        %dma_wait3A_212 = tpu.memref_slice %arg5[%mul3A_2, %dma_wait3A_211] : memref<204800x128xf32, #tpu.memory_space<hbm>> -> memref<128x128xf32, #tpu.memory_space<hbm>>
        tpu.wait_dma2 semaphore(%arg21 : memref<!tpu.dma_semaphore, #tpu.memory_space<semaphore_mem>>) src(%arg11 : memref<128x128xf32, #tpu.memory_space<vmem>>) dst(%dma_wait3A_212 : memref<128x128xf32, #tpu.memory_space<hbm>>)
      } else {
      }
      %add3A_193 = arith.constant 5 : i32
      %add3A_194 = arith.addi %add3A_175, %add3A_193 : i32
      %sub3A_195 = arith.constant 1 : i32
      %sub3A_196 = arith.subi %add3A_194, %sub3A_195 : i32
      %lt3A_197 = arith.constant 50 : i32
      %lt3A_198 = arith.cmpi slt, %sub3A_196, %lt3A_197 : i32
      %convert_element_type3A_199 = arith.extui %lt3A_198 : i1 to i32
      %cond3A_200 = arith.constant 0 : i32
      %cond3A_201 = arith.cmpi ne, %convert_element_type3A_199, %cond3A_200 : i32
      scf.if %cond3A_201 {
        %add3A_209 = arith.constant 5 : i32
        %add3A_210 = arith.addi %add3A_175, %add3A_209 : i32
        %sub3A_211 = arith.constant 1 : i32
        %sub3A_212 = arith.subi %add3A_210, %sub3A_211 : i32
        %mul3A_213 = arith.constant 128 : i32
        %mul3A_214 = arith.muli %sub3A_212, %mul3A_213 : i32
        %dma_start3A_215 = tpu.memref_slice %arg6[%mul3A_214] : memref<6400xi32, #tpu.memory_space<vmem>> -> memref<128xi32, #tpu.memory_space<vmem>>
        %dma_start3A_216 = arith.constant 0 : i32
        %dma_start3A_217 = arith.constant 0 : i32
        %dma_start3A_218 = tpu.memref_slice %arg3[%dma_start3A_216, %dma_start3A_217] : memref<100000x128xf32, #tpu.memory_space<hbm>> -> memref<100000x128xf32, #tpu.memory_space<hbm>>
        tpu.enqueue_indirect_dma source(%dma_start3A_218 : memref<100000x128xf32, #tpu.memory_space<hbm>>) target(%arg11 : memref<128x128xf32, #tpu.memory_space<vmem>>) offsets(%dma_start3A_215 : memref<128xi32, #tpu.memory_space<vmem>>) semaphore(%arg16 : memref<!tpu.dma_semaphore, #tpu.memory_space<semaphore_mem>>)
      } else {
      }
      %mul3A_202 = arith.constant 128 : i32
      %mul3A_203 = arith.muli %add3A_175, %mul3A_202 : i32
      %add3A_204 = arith.addi %mul3A_2, %mul3A_203 : i32
      %dma_start3A_205 = arith.constant 0 : i32
      %dma_start3A_206 = tpu.memref_slice %arg5[%add3A_204, %dma_start3A_205] : memref<204800x128xf32, #tpu.memory_space<hbm>> -> memref<128x128xf32, #tpu.memory_space<hbm>>
      %dma_start3A_207 = arith.constant 0 : i32
      %dma_start3A_208 = tpu.memref_slice %arg5[%add3A_204, %dma_start3A_207] : memref<204800x128xf32, #tpu.memory_space<hbm>> -> memref<128x128xf32, #tpu.memory_space<hbm>>
      tpu.enqueue_dma source(%arg12 : memref<128x128xf32, #tpu.memory_space<vmem>>) target(%dma_start3A_208 : memref<128x128xf32, #tpu.memory_space<hbm>>) target_semaphore(%arg22 : memref<!tpu.dma_semaphore, #tpu.memory_space<semaphore_mem>>)
    }
    %scan3A_26 = arith.constant 10 : i32
    %dma_wait3A = arith.constant 0 : i32
    %dma_wait3A_27 = tpu.memref_slice %arg5[%mul3A_2, %dma_wait3A] : memref<204800x128xf32, #tpu.memory_space<hbm>> -> memref<128x128xf32, #tpu.memory_space<hbm>>
    %dma_wait3A_28 = arith.constant 0 : i32
    %dma_wait3A_29 = tpu.memref_slice %arg5[%mul3A_2, %dma_wait3A_28] : memref<204800x128xf32, #tpu.memory_space<hbm>> -> memref<128x128xf32, #tpu.memory_space<hbm>>
    tpu.wait_dma2 semaphore(%arg22 : memref<!tpu.dma_semaphore, #tpu.memory_space<semaphore_mem>>) src(%arg12 : memref<128x128xf32, #tpu.memory_space<vmem>>) dst(%dma_wait3A_29 : memref<128x128xf32, #tpu.memory_space<hbm>>)
    return
  }
}

</mosaic_0001>

<sc_bundles>
// kernel: kernel.3.cloned.1.call-start
scs
__scs_entry_jumppad:
0x0: {  	(pc) =	sbr.rel $0x88, $3  }
0x1: {  	(tag) =	ssettag $0x0;
	lr =	simm.s32 $0x1  }
0x2: {  	[smem:$0x3F9E] =	sst lr;
	_ =	strace $0xD0000000  }
0x3: {  	_ = 	snop  }
0x4: {  	_ = 	snop  }
0x5: {  	_ = 	snop  }
0x6: {  	_ = 	snop  }
0x7: {  	_ = 	snop  }
__scs_overlays_trampoline_lowered:
0x8: {  	[smem:$0x3FAD] =	sst s0  }
0x9: {  	[smem:$0x3FAE] =	sst s1  }
0xa: {  	[smem:$0x3FAF] =	sst s2  }
0xb: {  	[smem:$0x3FB0] =	sst s3  }
0xc: {  	[smem:$0x3FB1] =	sst s4  }
0xd: {  	[smem:$0x3FB2] =	sst s5  }
0xe: {  	[smem:$0x3FB3] =	sst s6  }
0xf: {  	[smem:$0x3FB4] =	sst s7  }
0x10: {  	[smem:$0x3FB5] =	sst s8  }
0x11: {  	[smem:$0x3FB6] =	sst s9;
	s0 =	simm.s32 @!p0 $0x0  }
0x12: {  	s1 =	sld [smem:$0x3F9C];
	s0 =	simm.s32 @p0 $0x1  }
0x13: {  	[smem:$0x3FB7] =	sst s0;
	s0 =	simm.s32 @!p1 $0x0  }
0x14: {  	s2 =	sld [smem:$0x3F9B];
	s0 =	simm.s32 @p1 $0x1  }
0x15: {  	[smem:$0x3FB8] =	sst s0;
	s0 =	simm.s32 @!p2 $0x0  }
0x16: {  	s3 =	sld [smem:$0x3FDB];
	s0 =	simm.s32 @p2 $0x1  }
0x17: {  	s4 =	simm.s32 $0x1BF5;
	[smem:$0x3FBA] =	sst s0  }
0x18: {  	s0 =	sld [smem:$0x3F9D];
	_ =	swait.ge [sflag:s4], $0x0  }
0x19: {  	s7 =	sld [smem:$0x3F9E]  }
0x1a: {  	s8 =	sadd.s32 $0xFFFFE003, lr  }
0x1b: {  	s9 =	sadd.s32 $0xFFFFFEF7, lr;
	s5 =	simm.s32 $0xFFFFFFFF;
	p2 =	slt.u32 s8, $0xFFFFF086  }
0x1c: {  	p1 =	slt.u32 s9, $0xF7A;
	s5 =	simm.s32 @!p2 $0x0  }
0x1d: {  	s5 =	simm.s32 @p1 $0x1;
	p0 =	seq.s32 s7, s2  }
0x1e: {  	s7 =	smul.u32 @!p0 $0xF7A, s2;
	p2 =	seq.s32 @!p0 s5, $0x0  }
0x1f: {  	s9 =	smul.u32 $0xF7A, s1;
	s8 =	simm.s32 @!p0 $0x1BF5;
	p2 =	por !p2, p0  }
0x20: {  	[sflag:s8] =	ssyncset.s32 @!p0 $0xFFFFF086;
	s6 =	sadd.s32 @!p0 s3, s7;
	s7 =	simm.s32 @!p0 $0x108  }
0x21: {  	s3 =	sadd.s32 s3, s9;
	s6 =	sadd.s32 @!p0 $0x88, s6;
	s7 =	simm.s32 @p2 $0x1082  }
0x22: {  	[simem:s7], [sflag:s8] =	dma.local @!p0 [hbm:s6], $0xF7A  }
0x23: {  	s9 =	sor.u32 $0xD0000000, s2;
	s6 =	simm.s32 $0x108;
	_ =	swait.ge @!p0 [sflag:s8], $0x0  }
0x24: {  	s3 =	sadd.s32 $0x88, s3;
	s6 =	simm.s32 @!p1 $0x1082;
	[sflag:s4] =	ssyncset.s32 $0xFFFFF086  }
0x25: {  	[simem:s6], [sflag:s4] =	dma.local [hbm:s3], $0xF7A  }
0x26: {  	[smem:$0x3F9E] =	sst s1;
	(tag) =	ssettag s2;
	_ =	strace s9  }
0x27: {  	s1 =	sld [smem:$0x3FAE]  }
0x28: {  	s2 =	sld [smem:$0x3FAF]  }
0x29: {  	s4 =	sld [smem:$0x3FB1]  }
0x2a: {  	p0 =	seq.s32 s5, $0x0;
	s5 =	sld [smem:$0x3FB2]  }
0x2b: {  	s6 =	sld [smem:$0x3FB3]  }
0x2c: {  	s7 =	sld [smem:$0x3FB4]  }
0x2d: {  	s3 =	simm.s32 $0x108;
	s8 =	sld [smem:$0x3FB5]  }
0x2e: {  	s3 =	simm.s32 @!p0 $0x1082;
	s9 =	sld [smem:$0x3FB6]  }
0x2f: {  	lr =	sadd.s32 s0, s3;
	s0 =	sld [smem:$0x3FAD]  }
0x30: {  	s3 =	sld [smem:$0x3FB0]  }
0x31: {  	[smem:$0x3FB9] =	sst s10  }
0x32: {  	s10 =	sld [smem:$0x3FB7];
	_ =	sdelay $0x3  }
0x33: {  	p0 =	seq.s32 s10, $0x1;
	s10 =	sld [smem:$0x3FB9];
	_ =	sdelay $0x3  }
0x34: {  	[smem:$0x3FB9] =	sst s10  }
0x35: {  	s10 =	sld [smem:$0x3FB8];
	_ =	sdelay $0x3  }
0x36: {  	p1 =	seq.s32 s10, $0x1;
	s10 =	sld [smem:$0x3FB9];
	_ =	sdelay $0x3  }
0x37: {  	[smem:$0x3FB9] =	sst s10  }
0x38: {  	s10 =	sld [smem:$0x3FBA]  }
0x39: {  	_ = 	snop;
	(pc) =	sbr.ind lr, $3  }
0x3a: {  	_ = 	snop  }
0x3b: {  	_ = 	snop  }
0x3c: {  	p2 =	seq.s32 s10, $0x1;
	s10 =	sld [smem:$0x3FB9]  }
0x3d: {  	_ =	shalt  }
0x3e: {  	_ =	shalt  }
0x3f: {  	_ =	shalt  }
0x40: {  	_ =	shalt  }
0x41: {  	_ =	shalt  }
0x42: {  	_ =	shalt  }
0x43: {  	_ =	shalt  }
0x44: {  	_ =	shalt  }
0x45: {  	_ =	shalt  }
0x46: {  	_ =	shalt  }
0x47: {  	_ =	shalt  }
0x48: {  	_ =	shalt  }
0x49: {  	_ =	shalt  }
0x4a: {  	_ =	shalt  }
0x4b: {  	_ =	shalt  }
0x4c: {  	_ =	shalt  }
0x4d: {  	_ =	shalt  }
0x4e: {  	_ =	shalt  }
0x4f: {  	_ =	shalt  }
0x50: {  	_ =	shalt  }
0x51: {  	_ =	shalt  }
0x52: {  	_ =	shalt  }
0x53: {  	_ =	shalt  }
0x54: {  	_ =	shalt  }
0x55: {  	_ =	shalt  }
0x56: {  	_ =	shalt  }
0x57: {  	_ =	shalt  }
0x58: {  	_ =	shalt  }
0x59: {  	_ =	shalt  }
0x5a: {  	_ =	shalt  }
0x5b: {  	_ =	shalt  }
0x5c: {  	_ =	shalt  }
0x5d: {  	_ =	shalt  }
0x5e: {  	_ =	shalt  }
0x5f: {  	_ =	shalt  }
0x60: {  	_ =	shalt  }
0x61: {  	_ =	shalt  }
0x62: {  	_ =	shalt  }
0x63: {  	_ =	shalt  }
0x64: {  	_ =	shalt  }
0x65: {  	_ =	shalt  }
0x66: {  	_ =	shalt  }
0x67: {  	_ =	shalt  }
0x68: {  	_ =	shalt  }
0x69: {  	_ =	shalt  }
0x6a: {  	_ =	shalt  }
0x6b: {  	_ =	shalt  }
0x6c: {  	_ =	shalt  }
0x6d: {  	_ =	shalt  }
0x6e: {  	_ =	shalt  }
0x6f: {  	_ =	shalt  }
0x70: {  	_ =	shalt  }
0x71: {  	_ =	shalt  }
0x72: {  	_ =	shalt  }
0x73: {  	_ =	shalt  }
0x74: {  	_ =	shalt  }
0x75: {  	_ =	shalt  }
0x76: {  	_ =	shalt  }
0x77: {  	_ =	shalt  }
0x78: {  	_ =	shalt  }
0x79: {  	_ =	shalt  }
0x7a: {  	_ =	shalt  }
0x7b: {  	_ =	shalt  }
0x7c: {  	_ =	shalt  }
0x7d: {  	_ =	shalt  }
0x7e: {  	_ =	shalt  }
0x7f: {  	_ =	shalt  }
0x80: {  	_ =	shalt  }
0x81: {  	_ =	shalt  }
0x82: {  	_ =	shalt  }
0x83: {  	_ =	shalt  }
0x84: {  	_ =	shalt  }
0x85: {  	_ =	shalt  }
0x86: {  	_ =	shalt  }
0x87: {  	_ =	shalt  }
.Lfunc_end0:
.L_simem_size_0:
called_computation_lowered:
.L_overlay_start_0:
0x88: {  	s2 =	sld [smem:$0x3FD9]  }
0x89: {  	s3 =	sld [smem:$0x3FFE];
	_ =	sdelay $0x1  }
0x8a: {  	s1 =	srdreg.scid  }
0x8b: {  	s0 =	sand.u32 $0x1, s1  }
0x8c: {  	s17 =	sshll.u32 s0, $0xA;
	s2 =	sadd.s32 s3, s2  }
0x8d: {  	s2 =	sadd.s32 s2, s17  }
0x8e: {  	[smem:$0x3FC5] =	sst s2  }
0x8f: {  	_ = 	snop  }
0x90: {  	s2 =	sld [smem:$0x3FC8]  }
0x91: {  	s18 =	sld [smem:$0x3FD0];
	(tm) =	ssettm $0x1  }
0x92: {  	s4 =	sld [smem:$0x3FFB];
	_ =	sdelay $0x3  }
0x93: {  	_ =	strace s4  }
0x94: {  	s4 =	sld [smem:$0x3FFC];
	_ =	sdelay $0x3  }
0x95: {  	_ =	strace s4  }
0x96: {  	s4 =	sld [smem:$0x3FFD];
	_ =	sdelay $0x3  }
0x97: {  	_ =	strace s4  }
0x98: {  	_ =	strace $0x8FFFFFFF  }
0x99: {  	s19 =	sld [smem:$0x3FDB];
	_ =	sdelay $0x1  }
0x9a: {  	s5 =	simm.s32 $_scs_section_size  }
0x9b: {  	s6 =	simm.s32 $_size__tile_overlayer_lowered;
	s7 =	simm.s32 $_tile_overlayer_lowered  }
0x9c: {  	s22 =	simm.s32 $0x1BFF;
	s21 =	sshll.u32 s7, $0x1;
	s4 =	sadd.s32 s5, s19  }
0x9d: {  	s8 =	simm.s32 $0x0;
	s20 =	sshll.u32 s6, $0x1;
	s6 =	sadd.s32 s21, s4  }
0x9e: {  	[timem:s8], [sflag:s22] =	dma.local [hbm:s6], s20  }
0x9f: {  	_ =	swait.ge [sflag:s22], s20  }
0xa0: {  	s5 =	ssub.s32 $0x0, s20;
	[sflag:s22] =	ssyncset.done $0x0  }
0xa1: {  	[sflag:s22] =	ssyncadd.s32 s5;
	_ =	sdelay $0x1  }
0xa2: {  	s23 =	simm.s32 $0x1B8B  }
0xa3: {  	_ =	swait.ge [sflag:s23], $0x1  }
0xa4: {  	[sflag:s23] =	ssyncset.done $0x0  }
0xa5: {  	s25 =	simm.s32 $0x1B8E;
	s24 =	sld [smem:$0x3FFE];
	[sflag:s23] =	ssyncadd.s32 $0xFFFFFFFF  }
0xa6: {  	s26 =	simm.s32 $execute0_lowered;
	[smem:$0x3FD2] =	sst s25  }
0xa7: {  	s6 =	sshll.u32 s26, $0x1;
	_ =	strace $0x80000046;
	[dreg:$0x1] =	wrdreg $0xFFFFFFFF  }
0xa8: {  	s28 =	simm.s32 $_size_execute0_lowered;
	s4 =	sadd.s32 s4, s6;
	[dreg:$0x0] =	wrdreg $0x0  }
0xa9: {  	s6 =	sshll.u32 s28, $0x1;
	[dreg:$0x2] =	wrdreg s4  }
0xaa: {  	[dreg:$0x3] =	wrdreg s6  }
0xab: {  	[dreg:$0x4] =	wrdreg $0xC0  }
0xac: {  	_ =	task [dreg:s8], $0x5FFFF  }
0xad: {  	[dreg:$0x1] =	wrdreg $0xFFFFFFFF  }
0xae: {  	[dreg:$0x0] =	wrdreg $0x60  }
0xaf: {  	[dreg:$0x2] =	wrdreg s24  }
0xb0: {  	[dreg:$0x3] =	wrdreg s2  }
0xb1: {  	[dreg:$0x4] =	wrdreg s18  }
0xb2: {  	[dreg:$0x5] =	wrdreg $0x9  }
0xb3: {  	_ =	task.clear_ibuf [dreg:s8], $0x6FFFF;
	_ =	strace $0x90000046  }
0xb4: {  	s29 =	simm.s32 $0x9;
	_ =	strace $0x80000048  }
0xb5: {  	_ =	swait.ge [sflag:s29], $0x1  }
0xb6: {  	[sflag:s29] =	ssyncadd.s32 $0xFFFFFFFF  }
0xb7: {  	_ =	strace $0x90000048  }
0xb8: {  	_ =	sfence  }
0xb9: {  	s30 =	sld [smem:$0x0];
	_ =	sdelay $0x2  }
0xba: {  	s31 =	sshll.u32 s1, $0xD;
	s1 =	sshrl.u32 s1, $0x2  }
0xbb: {  	s3 =	sand.u32 $0x4000, s31;
	s1 =	sadd.s32 s1, s30  }
0xbc: {  	s0 =	sor.u32 s3, s0;
	s1 =	sshll.u32 s1, $0x11  }
0xbd: {  	s0 =	sor.u32 s1, s0  }
0xbe: {  	s0 =	sadd.s32 $0x8F2B, s0  }
0xbf: {  	[sflag:s0] =	ssyncadd.remote.s32 $0x1  }
0xc0: {  	_ =	sfence.sel $0xFFFF  }
0xc1: {  	[dreg:$0x0] =	wrdreg $0xFFFFFFFF;
	(pc) =	sbr.abs _section_cstart, $3  }
0xc2: {  	[dreg:$0x1] =	wrdreg $0xFFFFFFFF  }
0xc3: {  	_ =	task.clear_ibuf [dreg:s8], $0x2FFFF;
	_ =	strace $0x9FFFFFFF  }
0xc4: {  	(tm) =	ssettm $0x7FFFFFFF  }
0xc5: {  	_ =	shalt  }
tec
execute0_lowered:
.L_overlay_start_1:
0x0: {  	(tag) =	ssettag $0x1  }
0x1: {  	s1 =	srdreg.scid;
	s2 =	stileid.u32  }
0x2: {  	s0 =	rddreg [dreg:$0x0];
	s1 =	sand.u32 $0x1, s1;
	s2 =	sshll.u32 s2, $0x1  }
0x3: {  	s25 =	rddreg [dreg:$0x1];
	s2 =	sor.u32 s1, s2  }
0x4: {  	s8 =	rddreg [dreg:$0x2];
	s29 =	simm.s32 $0x0;
	s2 =	smul.u32 $0x1900, s2  }
0x5: {  	[smem:$0x7FF] =	sst s29;
	s1 =	ssub.s32 $0x2, s1  }
0x6: {  	_ =	strace $0x80000047;
	[dreg:$0x4] =	wrdreg s2;
	s2 =	sshrl.u32 s2, $0x3  }
0x7: {  	s3 =	sshrl.u32 s1, $0x1;
	s2 =	sadd.s32 s2, s0;
	s0 =	sadd.s32 $0x400, s0  }
0x8: {  	s30 =	ssub.s32 s1, s3;
	[dreg:$0x5] =	wrdreg s0;
	s31 =	sadd.s32 $0x1200, s2  }
0x9: {  	s0 =	smax.u32 s30, $0x1;
	[dreg:$0x6] =	wrdreg s31  }
0xa: {  	s2 =	simm.s32 $0x0;
	[dreg:$0x7] =	wrdreg s0  }
.LBB2_1:
0xb: {  	[dreg:$0x8] =	wrdreg s2  }
0xc: {  	s0 =	rddreg [dreg:$0x6];
	s1 =	simm.s32 $0xB  }
0xd: {  	[tilespmem:s29], [sflag:$0xB] =	stream.linear.gather [hbm4b:s0+s29], $0x1900, $0x38;
	[tilespmem:$0x1BD00] =	vst v63  }
0xe: {  	_ =	swait.ge [sflag:s1], $0x1900  }
0xf: {  	s22 =	simm.s32 $0x1900;
	[sflag:s1] =	ssyncset.done $0x0  }
0x10: {  	s23 =	simm.s32 $0x7D00;
	s21 =	rddreg [dreg:$0x5];
	[sflag:s1] =	ssyncadd.s32 $0xFFFFE700  }
0x11: {  	[tilespmem:s22], [sflag:$0xB] =	stream.linear.gather [hbm4b:s21+s29], $0x6400, $0x38;
	[tilespmem:$0x1BD00] =	vst v63  }
0x12: {  	s24 =	simm.s32 $0x80;
	s26 =	simm.s32 $0xBD00;
	_ =	swait.ge [sflag:s1], $0x6400  }
0x13: {  	s7 =	simm.s32 $0x100;
	s28 =	simm.s32 $0xFD00;
	[sflag:s1] =	ssyncset.done $0x0  }
0x14: {  	s30 =	simm.s32 $0x180;
	s31 =	simm.s32 $0x4080;
	[sflag:s1] =	ssyncadd.s32 $0xFFFF9C00  }
0x15: {  	[tilespmem:s23], [sflag:$0x1] =	stream.indirect.gather [hbm4b:s25+s24], $0x80, s29, s24, $0xb8;
	[tilespmem:$0x1BD00] =	vst v63  }
0x16: {  	s13 =	simm.s32 $0x200;
	s6 =	simm.s32 $0x10080;
	s15 =	simm.s32 $0x80  }
0x17: {  	[tilespmem:s26], [sflag:$0x2] =	stream.indirect.gather [hbm4b:s25+s24], $0x80, s24, s24, $0xb8;
	[tilespmem:$0x1BD00] =	vst v63  }
0x18: {  	s5 =	simm.s32 $0x0;
	s9 =	simm.s32 $0x0;
	s0 =	simm.s32 $0xC080  }
0x19: {  	[tilespmem:s28], [sflag:$0x3] =	stream.indirect.gather [hbm4b:s25+s24], $0x80, s7, s24, $0xb8;
	[tilespmem:$0x1BD00] =	vst v63  }
0x1a: {  	s1 =	simm.s32 $0x8080;
	s29 =	simm.s32 $0x13D00;
	s26 =	simm.s32 $0x0  }
0x1b: {  	[tilespmem:s29], [sflag:$0x4] =	stream.indirect.gather [hbm4b:s25+s24], $0x80, s30, s24, $0xb8;
	[tilespmem:$0x1BD00] =	vst v63  }
.LBB2_2:
0x1c: {  	s2 =	smulhi.u32 $0x51EB851F, s26;
	_ =	sdelay $0x1  }
0x1d: {  	s2 =	sshrl.u32 s2, $0x6  }
0x1e: {  	s3 =	smul.u32 $0xC8, s2;
	_ =	sdelay $0x1  }
0x1f: {  	s4 =	simm.s32 $0x1;
	s12 =	simm.s32 $0x7D80;
	s21 =	ssub.s32 s26, s3  }
0x20: {  	_ =	swait.ge [sflag:s4], $0x4000;
	[dreg:$0xc] =	wrdreg s5;
	s3 =	sadd.s32 $0xFFFFFFFE, s21  }
0x21: {  	[sflag:s4] =	ssyncset.done $0x0;
	s2 =	smul.u32 $0x6400, s2;
	s14 =	sadd.s32 $0x3, s3  }
0x22: {  	[sflag:s4] =	ssyncadd.s32 $0xFFFFC000;
	s4 =	simm.s32 $0xFFFF9C80;
	p0 =	sgt.u32 s14, $0xC7  }
0x23: {  	v0 =	vld [tilespmem:s12+$0x0];
	s2 =	ssub.s32 s5, s2;
	s4 =	simm.s32 @!p0 $0x80  }
0x24: {  	s11 =	sadd.s32 s4, s2  }
0x25: {  	v1 =	vld [tilespmem:s11+$0x1900];
	_ =	sdelay $0x1  }
0x26: {  	s3 =	sadd.s32 $0x2, s3  }
0x27: {  	v2 =	vld [tilespmem:s12+$0xFFFFFF80];
	s20 =	smov.u32 s2;
	p0 =	sgt.u32 s3, $0xC7;
	s3 =	sadd.s32 $0xFFFF9C00, s2;
	v0 =	vmul.f32 $1.131370830e+01, v0  }
0x28: {  	s20 =	smov.u32 @p0 s3  }
0x29: {  	v3 =	vld [tilespmem:s20+$0x1900];
	v0 =	vadd.f32 v1, v0  }
0x2a: {  	v1 =	vld [tilespmem:s12+$0x10]  }
0x2b: {  	[tilespmem:s12+$0x0] =	vst v0  }
0x2c: {  	v0 =	vmul.f32 $1.131370830e+01, v2;
	v2 =	vld [tilespmem:s11+$0x1910];
	_ =	sdelay $0x2  }
0x2d: {  	v4 =	vld [tilespmem:s12+$0xFFFFFF90];
	v0 =	vadd.f32 v3, v0;
	v1 =	vmul.f32 $1.131370830e+01, v1;
	_ =	sdelay $0x1  }
0x2e: {  	v6 =	vld [tilespmem:s12+$0x20];
	[tilespmem:s12+$0xFFFFFF80] =	vst v0;
	v1 =	vadd.f32 v2, v1  }
0x2f: {  	v0 =	vld [tilespmem:s20+$0x1910]  }
0x30: {  	[tilespmem:s12+$0x10] =	vst v1  }
0x31: {  	v1 =	vmul.f32 $1.131370830e+01, v4;
	v4 =	vld [tilespmem:s11+$0x1920]  }
0x32: {  	v5 =	vld [tilespmem:s12+$0xFFFFFFA0]  }
0x33: {  	s22 =	simm.s32 $0x7E80;
	v7 =	vld [tilespmem:s12+$0xFFFFFFC0]  }
0x34: {  	v8 =	vld [tilespmem:s22+$0x0];
	v0 =	vadd.f32 v0, v1;
	v1 =	vmul.f32 $1.131370830e+01, v6  }
0x35: {  	v12 =	vld [tilespmem:s22+$0xFFFFFF90]  }
0x36: {  	v13 =	vld [tilespmem:s22+$0xFFFFFFA0];
	s16 =	sadd.s32 $0x0, s21;
	[tilespmem:s12+$0xFFFFFF90] =	vst v0;
	v0 =	vadd.f32 v4, v1  }
0x37: {  	s29 =	smov.u32 s8;
	s5 =	simm.s32 $0xFFFF9C80;
	s17 =	sadd.s32 $0x3, s16;
	v4 =	vld [tilespmem:s12+$0x30]  }
0x38: {  	s18 =	sadd.s32 $0x100, s2;
	s19 =	sadd.s32 $0x2, s21;
	p0 =	sgt.u32 s17, $0xC7;
	v6 =	vld [tilespmem:s20+$0x1920];
	[tilespmem:s12+$0x20] =	vst v0  }
0x39: {  	s23 =	smov.u32 s18;
	s4 =	sadd.s32 $0x2, s16;
	s5 =	simm.s32 @!p0 $0x80;
	v1 =	vmul.f32 $1.131370830e+01, v5;
	v5 =	vld [tilespmem:s11+$0x1930]  }
0x3a: {  	v14 =	vld [tilespmem:s12+$0x70];
	p0 =	sgt.u32 s4, $0xC7;
	s4 =	sadd.s32 $0xFFFF9C00, s18;
	s2 =	sadd.s32 s5, s18  }
0x3b: {  	s8 =	smov.u32 s25;
	s25 =	sadd.s32 $0x3, s19;
	s23 =	smov.u32 @p0 s4;
	v9 =	vld [tilespmem:s2+$0x1900]  }
0x3c: {  	p0 =	sgt.u32 s25, $0xC7;
	s25 =	simm.s32 $0x7F80;
	v10 =	vld [tilespmem:s23+$0x1900];
	v4 =	vmul.f32 $1.131370830e+01, v4  }
0x3d: {  	v17 =	vld [tilespmem:s25+$0xFFFFFF80];
	v6 =	vadd.f32 v6, v1  }
0x3e: {  	v19 =	vld [tilespmem:s25+$0xFFFFFF90];
	v4 =	vadd.f32 v5, v4  }
0x3f: {  	[tilespmem:s12+$0xFFFFFFA0] =	vst v6;
	v6 =	vmul.f32 $1.131370830e+01, v8;
	v8 =	vld [tilespmem:s12+$0x40]  }
0x40: {  	[tilespmem:s12+$0x30] =	vst v4;
	v4 =	vld [tilespmem:s22+$0xFFFFFF80]  }
0x41: {  	v6 =	vadd.f32 v9, v6;
	v11 =	vld [tilespmem:s11+$0x1940]  }
0x42: {  	v9 =	vld [tilespmem:s22+$0x10]  }
0x43: {  	s10 =	simm.s32 $0xFFFF9C80;
	v56 =	vld [tilespmem:s25+$0x10];
	[tilespmem:s22+$0x0] =	vst v6  }
0x44: {  	s4 =	sadd.s32 $0x100, s18;
	s10 =	simm.s32 @!p0 $0x80;
	v6 =	vld [tilespmem:s2+$0x1910];
	v8 =	vmul.f32 $1.131370830e+01, v8  }
0x45: {  	s24 =	sadd.s32 s10, s4;
	s10 =	sadd.s32 $0x2, s19;
	v3 =	vld [tilespmem:s12+$0xFFFFFFB0];
	v4 =	vmul.f32 $1.131370830e+01, v4  }
0x46: {  	s5 =	sadd.s32 $0xFFFF9C00, s4;
	s3 =	smov.u32 s4;
	v15 =	vld [tilespmem:s24+$0x1900];
	p0 =	sgt.u32 s10, $0xC7;
	v8 =	vadd.f32 v11, v8  }
0x47: {  	s3 =	smov.u32 @p0 s5;
	v5 =	vld [tilespmem:s20+$0x1930];
	v9 =	vmul.f32 $1.131370830e+01, v9;
	v4 =	vadd.f32 v10, v4  }
0x48: {  	v18 =	vld [tilespmem:s3+$0x1900];
	[tilespmem:s12+$0x40] =	vst v8  }
0x49: {  	v6 =	vadd.f32 v6, v9;
	v8 =	vld [tilespmem:s22+$0x20];
	[tilespmem:s22+$0xFFFFFF80] =	vst v4  }
0x4a: {  	v3 =	vmul.f32 $1.131370830e+01, v3;
	v4 =	vld [tilespmem:s23+$0x1910]  }
0x4b: {  	v11 =	vld [tilespmem:s12+$0x50];
	[tilespmem:s22+$0x10] =	vst v6  }
0x4c: {  	v3 =	vadd.f32 v5, v3;
	v9 =	vld [tilespmem:s2+$0x1920]  }
0x4d: {  	v6 =	vmul.f32 $1.131370830e+01, v12;
	v5 =	vld [tilespmem:s11+$0x1950]  }
0x4e: {  	v2 =	vld [tilespmem:s12+$0xFFFFFFD0];
	[tilespmem:s12+$0xFFFFFFB0] =	vst v3  }
0x4f: {  	v12 =	vld [tilespmem:s20+$0x1940];
	v8 =	vmul.f32 $1.131370830e+01, v8;
	v4 =	vadd.f32 v4, v6  }
0x50: {  	v0 =	vld [tilespmem:s12+$0xFFFFFFE0];
	v11 =	vmul.f32 $1.131370830e+01, v11  }
0x51: {  	v8 =	vadd.f32 v9, v8;
	v9 =	vld [tilespmem:s22+$0x30];
	[tilespmem:s22+$0xFFFFFF90] =	vst v4  }
0x52: {  	v7 =	vmul.f32 $1.131370830e+01, v7;
	v5 =	vadd.f32 v5, v11;
	v4 =	vld [tilespmem:s23+$0x1920]  }
0x53: {  	v1 =	vld [tilespmem:s12+$0xFFFFFFF0];
	[tilespmem:s22+$0x20] =	vst v8  }
0x54: {  	[tilespmem:s12+$0x50] =	vst v5;
	v5 =	vadd.f32 v12, v7;
	v7 =	vld [tilespmem:s2+$0x1930]  }
0x55: {  	v3 =	vld [tilespmem:s22+$0xFFFFFFC0];
	v8 =	vmul.f32 $1.131370830e+01, v13  }
0x56: {  	v10 =	vld [tilespmem:s22+$0xFFFFFFB0]  }
0x57: {  	v11 =	vld [tilespmem:s12+$0x60];
	v4 =	vadd.f32 v4, v8;
	v8 =	vmul.f32 $1.131370830e+01, v9  }
0x58: {  	v6 =	vld [tilespmem:s22+$0xFFFFFFD0]  }
0x59: {  	v12 =	vld [tilespmem:s11+$0x1960];
	[tilespmem:s22+$0xFFFFFFA0] =	vst v4;
	v4 =	vadd.f32 v7, v8  }
0x5a: {  	v8 =	vld [tilespmem:s25+$0x0]  }
0x5b: {  	[tilespmem:s22+$0x30] =	vst v4;
	v4 =	vld [tilespmem:s22+$0x40]  }
0x5c: {  	v13 =	vld [tilespmem:s22+$0xFFFFFFE0]  }
0x5d: {  	[tilespmem:s12+$0xFFFFFFC0] =	vst v5;
	v11 =	vmul.f32 $1.131370830e+01, v11;
	v16 =	vld [tilespmem:s2+$0x1940]  }
0x5e: {  	v17 =	vmul.f32 $1.131370830e+01, v17;
	v5 =	vld [tilespmem:s20+$0x1950]  }
0x5f: {  	v11 =	vadd.f32 v12, v11;
	v9 =	vld [tilespmem:s22+$0xFFFFFFF0];
	v8 =	vmul.f32 $1.131370830e+01, v8  }
0x60: {  	v12 =	vadd.f32 v18, v17;
	v7 =	vld [tilespmem:s23+$0x1930];
	v4 =	vmul.f32 $1.131370830e+01, v4  }
0x61: {  	[tilespmem:s12+$0x60] =	vst v11;
	v11 =	vld [tilespmem:s25+$0xFFFFFFB0];
	v8 =	vadd.f32 v15, v8  }
0x62: {  	[tilespmem:s25+$0xFFFFFF80] =	vst v12;
	v12 =	vld [tilespmem:s25+$0xFFFFFFC0];
	v4 =	vadd.f32 v16, v4  }
0x63: {  	v10 =	vmul.f32 $1.131370830e+01, v10;
	[tilespmem:s25+$0x0] =	vst v8;
	v8 =	vld [tilespmem:s22+$0x50]  }
0x64: {  	[tilespmem:s22+$0x40] =	vst v4;
	v4 =	vld [tilespmem:s24+$0x1910]  }
0x65: {  	v58 =	vld [tilespmem:s11+$0x1970];
	v7 =	vadd.f32 v7, v10  }
0x66: {  	v57 =	vld [tilespmem:s2+$0x1950]  }
0x67: {  	v2 =	vmul.f32 $1.131370830e+01, v2;
	v10 =	vmul.f32 $1.131370830e+01, v56;
	[tilespmem:s22+$0xFFFFFFB0] =	vst v7;
	v7 =	vld [tilespmem:s3+$0x1910]  }
0x68: {  	v15 =	vld [tilespmem:s25+$0xFFFFFFA0]  }
0x69: {  	v2 =	vadd.f32 v5, v2;
	v8 =	vmul.f32 $1.131370830e+01, v8;
	v4 =	vadd.f32 v4, v10;
	v10 =	vld [tilespmem:s23+$0x1940];
	[dreg:$0xa] =	wrdreg s13  }
0x6a: {  	v60 =	vmul.f32 $1.131370830e+01, v19;
	v59 =	vld [tilespmem:s25+$0x20]  }
0x6b: {  	s14 =	smulhi.u32 $0x51EB851F, s30;
	v8 =	vadd.f32 v57, v8;
	[tilespmem:s12+$0xFFFFFFD0] =	vst v2;
	v61 =	vld [tilespmem:s25+$0xFFFFFFD0]  }
0x6c: {  	s17 =	smulhi.u32 $0x51EB851F, s15;
	v7 =	vadd.f32 v7, v60;
	[tilespmem:s25+$0x10] =	vst v4;
	v4 =	vld [tilespmem:s22+$0x60]  }
0x6d: {  	s16 =	sshrl.u32 s14, $0x6;
	s14 =	smulhi.u32 $0x51EB851F, s7;
	v3 =	vmul.f32 $1.131370830e+01, v3;
	[tilespmem:s22+$0x50] =	vst v8;
	v5 =	vld [tilespmem:s24+$0x1920]  }
0x6e: {  	s19 =	sshrl.u32 s17, $0x6;
	s10 =	smul.u32 $0xC8, s16;
	[tilespmem:s25+$0xFFFFFF90] =	vst v7;
	v8 =	vld [tilespmem:s2+$0x1960]  }
0x6f: {  	s17 =	smul.u32 $0xC8, s19;
	v2 =	vadd.f32 v10, v3;
	v3 =	vld [tilespmem:s20+$0x1960];
	[dreg:$0x9] =	wrdreg s7  }
0x70: {  	s13 =	smulhi.u32 $0x51EB851F, s13;
	v62 =	vld [tilespmem:s25+$0xFFFFFFE0];
	v7 =	vmul.f32 $1.131370830e+01, v59;
	[dreg:$0xb] =	wrdreg s15  }
0x71: {  	s19 =	smul.u32 $0xFFFF9C00, s19;
	[tilespmem:s22+$0xFFFFFFC0] =	vst v2;
	v63 =	vld [tilespmem:s3+$0x1920];
	v2 =	vmul.f32 $1.131370830e+01, v4  }
0x72: {  	v14 =	vmul.f32 $1.131370830e+01, v14;
	s18 =	sshrl.u32 s14, $0x6;
	v21 =	vmul.f32 $1.131370830e+01, v6;
	s5 =	sshrl.u32 s13, $0x6;
	s13 =	smul.u32 $0xFFFF9C00, s16;
	v5 =	vadd.f32 v5, v7;
	v20 =	vld [tilespmem:s23+$0x1950]  }
0x73: {  	s16 =	smul.u32 $0xC8, s18;
	v4 =	vmul.f32 $1.131370830e+01, v0;
	v0 =	vmul.f32 $1.131370830e+01, v1;
	v10 =	vld [tilespmem:s25+$0x30];
	v6 =	vadd.f32 v8, v2  }
0x74: {  	s11 =	smul.u32 $0xC8, s5;
	v7 =	vld [tilespmem:s22+$0x70];
	v8 =	vadd.f32 v58, v14;
	v2 =	vmul.f32 $1.131370830e+01, v13;
	v13 =	vmul.f32 $1.131370830e+01, v15;
	[tilespmem:s25+$0x20] =	vst v5  }
0x75: {  	s14 =	ssub.s32 s26, s10;
	s17 =	ssub.s32 s26, s17;
	s28 =	smul.u32 $0xFFFF9C00, s5;
	v1 =	vmul.f32 $1.131370830e+01, v9;
	v9 =	vadd.f32 v3, v4;
	v5 =	vmul.f32 $1.131370830e+01, v11;
	[tilespmem:s22+$0x60] =	vst v6;
	v11 =	vld [tilespmem:s24+$0x1930]  }
0x76: {  	s5 =	simm.s32 $0x4;
	s11 =	ssub.s32 s26, s11;
	s15 =	smul.u32 $0xFFFF9C00, s18;
	v4 =	vmul.f32 $1.131370830e+01, v12;
	[tilespmem:s12+$0x70] =	vst v8;
	v8 =	vld [tilespmem:s2+$0x1970];
	v13 =	vadd.f32 v63, v13  }
0x77: {  	s18 =	ssub.s32 s26, s16;
	s16 =	smul.u32 $0x280, s9;
	v3 =	vmul.f32 $1.131370830e+01, v61;
	v6 =	vmul.f32 $1.131370830e+01, v62;
	[tilespmem:s12+$0xFFFFFFE0] =	vst v9;
	v9 =	vld [tilespmem:s25+$0xFFFFFFF0];
	s2 =	simm.s32 $0x7F80;
	v12 =	vadd.f32 v20, v21  }
.LBB2_3:
0x78: {  	s10 =	sadd.s32 s5, s21;
	[tilespmem:s25+$0xFFFFFFA0] =	vst v13;
	v13 =	vld [tilespmem:s20+$0x1970];
	s20 =	smov.u32 s23  }
0x79: {  	v10 =	vmul.f32 $1.131370830e+01, v10;
	s23 =	smov.u32 s3;
	s5 =	sadd.s32 $0x2, s5;
	s25 =	sadd.s32 $0x100, s25  }
0x7a: {  	s3 =	sadd.s32 $0x2, s10;
	s10 =	sadd.s32 $0x3, s10;
	v14 =	vld [tilespmem:s23+$0x1930];
	[tilespmem:s22+$0xFFFFFFD0] =	vst v12;
	v7 =	vmul.f32 $1.131370830e+01, v7;
	p0 =	slt.u32 s5, $0x7E  }
0x7b: {  	p1 =	sgt.u32 s10, $0xC7;
	v10 =	vadd.f32 v11, v10;
	v11 =	vld [tilespmem:s20+$0x1960];
	p2 =	sgt.u32 s3, $0xC7;
	s3 =	simm.s32 $0xFFFF9C80  }
0x7c: {  	s4 =	sadd.s32 $0x100, s4;
	v12 =	vld [tilespmem:s25+$0x0];
	s3 =	simm.s32 @!p1 $0x80;
	v7 =	vadd.f32 v8, v7  }
0x7d: {  	s7 =	sadd.s32 $0xFFFF9C00, s4;
	s10 =	sadd.s32 s3, s4;
	v8 =	vmul.f32 $1.131370830e+01, v9;
	[tilespmem:s2+$0x30] =	vst v10;
	v9 =	vld [tilespmem:s2+$0x40];
	s3 =	smov.u32 s4  }
0x7e: {  	s3 =	smov.u32 @p2 s7;
	v10 =	vld [tilespmem:s10+$0x1900];
	[tilespmem:s22+$0x70] =	vst v7;
	v7 =	vadd.f32 v13, v0;
	v0 =	vmov v1  }
0x7f: {  	v5 =	vadd.f32 v14, v5;
	v13 =	vld [tilespmem:s24+$0x1940];
	v1 =	vmov v8  }
0x80: {  	v8 =	vld [tilespmem:s25+$0xFFFFFF80];
	v11 =	vadd.f32 v11, v2;
	[tilespmem:s12+$0xFFFFFFF0] =	vst v7;
	v2 =	vmov v6;
	s12 =	smov.u32 s22;
	s22 =	smov.u32 s2;
	s2 =	smov.u32 s25  }
0x81: {  	v6 =	vld [tilespmem:s3+$0x1900];
	v7 =	vmul.f32 $1.131370830e+01, v12;
	[tilespmem:s22+$0xFFFFFFB0] =	vst v5  }
0x82: {  	v5 =	vld [tilespmem:s25+$0xFFFFFF90];
	v9 =	vmul.f32 $1.131370830e+01, v9;
	[tilespmem:s12+$0xFFFFFFE0] =	vst v11  }
0x83: {  	v11 =	vld [tilespmem:s25+$0xFFFFFFA0];
	v7 =	vadd.f32 v10, v7  }
0x84: {  	v10 =	vld [tilespmem:s25+$0x10];
	v9 =	vadd.f32 v13, v9  }
0x85: {  	v8 =	vmul.f32 $1.131370830e+01, v8;
	[tilespmem:s25+$0x0] =	vst v7;
	v7 =	vld [tilespmem:s22+$0x50]  }
0x86: {  	v12 =	vld [tilespmem:s10+$0x1910];
	[tilespmem:s22+$0x40] =	vst v9  }
0x87: {  	v6 =	vadd.f32 v6, v8;
	v8 =	vmul.f32 $1.131370830e+01, v5;
	v5 =	vld [tilespmem:s24+$0x1950]  }
0x88: {  	v9 =	vmul.f32 $1.131370830e+01, v11;
	v11 =	vld [tilespmem:s25+$0xFFFFFFB0]  }
0x89: {  	[tilespmem:s25+$0xFFFFFF80] =	vst v6;
	v6 =	vld [tilespmem:s25+$0xFFFFFFC0];
	v10 =	vmul.f32 $1.131370830e+01, v10  }
0x8a: {  	v13 =	vld [tilespmem:s3+$0x1910];
	v7 =	vmul.f32 $1.131370830e+01, v7  }
0x8b: {  	v10 =	vadd.f32 v12, v10;
	v12 =	vld [tilespmem:s23+$0x1940]  }
0x8c: {  	v14 =	vld [tilespmem:s25+$0x20];
	v7 =	vadd.f32 v5, v7  }
0x8d: {  	v5 =	vmul.f32 $1.131370830e+01, v11;
	[tilespmem:s25+$0x10] =	vst v10;
	v10 =	vld [tilespmem:s22+$0x60]  }
0x8e: {  	v6 =	vmul.f32 $1.131370830e+01, v6;
	v11 =	vld [tilespmem:s10+$0x1920];
	[tilespmem:s22+$0x50] =	vst v7  }
0x8f: {  	v7 =	vadd.f32 v13, v8;
	v8 =	vld [tilespmem:s24+$0x1960]  }
0x90: {  	v13 =	vld [tilespmem:s25+$0xFFFFFFD0];
	v12 =	vadd.f32 v12, v4;
	v4 =	vmov v6  }
0x91: {  	[tilespmem:s25+$0xFFFFFF90] =	vst v7;
	v6 =	vld [tilespmem:s25+$0xFFFFFFE0];
	v7 =	vmul.f32 $1.131370830e+01, v14  }
0x92: {  	v14 =	vld [tilespmem:s3+$0x1920];
	[tilespmem:s22+$0xFFFFFFC0] =	vst v12;
	v12 =	vmul.f32 $1.131370830e+01, v10  }
0x93: {  	v7 =	vadd.f32 v11, v7;
	v15 =	vld [tilespmem:s23+$0x1950]  }
.Ltmp0:
0x94: {  	v10 =	vld [tilespmem:s25+$0x30];
	v8 =	vadd.f32 v8, v12;
	(pc) =	sbr.rel @p0 .LBB2_3-.Ltmp0, $4  }
0x95: {  	v16 =	vmul.f32 $1.131370830e+01, v13;
	[tilespmem:s25+$0x20] =	vst v7;
	v7 =	vld [tilespmem:s22+$0x70]  }
0x96: {  	v6 =	vmul.f32 $1.131370830e+01, v6;
	v11 =	vld [tilespmem:s10+$0x1930];
	[tilespmem:s22+$0x60] =	vst v8  }
0x97: {  	v13 =	vadd.f32 v14, v9;
	v8 =	vld [tilespmem:s24+$0x1970];
	s24 =	smov.u32 s10  }
0x98: {  	v9 =	vld [tilespmem:s25+$0xFFFFFFF0];
	v12 =	vadd.f32 v15, v3;
	v3 =	vmov v16  }
0x99: {  	[tilespmem:s25+$0xFFFFFFA0] =	vst v13  }
0x9a: {  	v10 =	vmul.f32 $1.131370830e+01, v10;
	v13 =	vld [tilespmem:s3+$0x1930];
	_ =	sdelay $0x1  }
0x9b: {  	v10 =	vadd.f32 v11, v10;
	_ =	sdelay $0x1  }
0x9c: {  	[tilespmem:s2+$0x30] =	vst v10;
	v10 =	vld [tilespmem:s2+$0x40]  }
0x9d: {  	v5 =	vadd.f32 v13, v5  }
0x9e: {  	v11 =	vld [tilespmem:s24+$0x1940]  }
0x9f: {  	[tilespmem:s2+$0xFFFFFFB0] =	vst v5  }
0xa0: {  	v5 =	vld [tilespmem:s3+$0x1940]  }
0xa1: {  	v10 =	vmul.f32 $1.131370830e+01, v10;
	_ =	sdelay $0x1  }
0xa2: {  	v10 =	vadd.f32 v11, v10  }
0xa3: {  	v11 =	vld [tilespmem:s2+$0x50]  }
0xa4: {  	[tilespmem:s2+$0x40] =	vst v10;
	v4 =	vadd.f32 v5, v4  }
0xa5: {  	v5 =	vld [tilespmem:s24+$0x1950]  }
0xa6: {  	[tilespmem:s2+$0xFFFFFFC0] =	vst v4  }
0xa7: {  	v4 =	vld [tilespmem:s3+$0x1950]  }
0xa8: {  	v10 =	vmul.f32 $1.131370830e+01, v11;
	_ =	sdelay $0x1  }
0xa9: {  	v5 =	vadd.f32 v5, v10  }
0xaa: {  	v10 =	vld [tilespmem:s2+$0x60]  }
0xab: {  	[tilespmem:s2+$0x50] =	vst v5;
	v3 =	vadd.f32 v4, v3  }
0xac: {  	[tilespmem:s22+$0xFFFFFFD0] =	vst v12;
	v4 =	vld [tilespmem:s24+$0x1960]  }
0xad: {  	v5 =	vld [tilespmem:s23+$0x1960];
	[tilespmem:s2+$0xFFFFFFD0] =	vst v3  }
0xae: {  	v3 =	vld [tilespmem:s3+$0x1960]  }
0xaf: {  	v10 =	vmul.f32 $1.131370830e+01, v10;
	_ =	sdelay $0x1  }
0xb0: {  	v4 =	vadd.f32 v4, v10  }
0xb1: {  	v2 =	vadd.f32 v5, v2;
	v5 =	vld [tilespmem:s2+$0x70]  }
0xb2: {  	v10 =	vld [tilespmem:s20+$0x1970];
	[tilespmem:s2+$0x60] =	vst v4;
	v3 =	vadd.f32 v3, v6  }
0xb3: {  	[tilespmem:s22+$0xFFFFFFE0] =	vst v2;
	v2 =	vld [tilespmem:s24+$0x1970]  }
0xb4: {  	v4 =	vmul.f32 $1.131370830e+01, v7;
	v6 =	vld [tilespmem:s23+$0x1970];
	[tilespmem:s2+$0xFFFFFFE0] =	vst v3  }
0xb5: {  	v3 =	vld [tilespmem:s3+$0x1970]  }
0xb6: {  	v4 =	vadd.f32 v8, v4;
	v5 =	vmul.f32 $1.131370830e+01, v5  }
0xb7: {  	v0 =	vadd.f32 v10, v0  }
0xb8: {  	v7 =	vmul.f32 $1.131370830e+01, v9;
	[tilespmem:s22+$0x70] =	vst v4;
	v2 =	vadd.f32 v2, v5  }
0xb9: {  	[tilespmem:s12+$0xFFFFFFF0] =	vst v0;
	v0 =	vadd.f32 v6, v1  }
0xba: {  	s20 =	smul.u32 $0x5, s9;
	[tilespmem:s2+$0x70] =	vst v2;
	v1 =	vadd.f32 v3, v7  }
0xbb: {  	p0 =	seq.s32 s9, $0x0;
	[tilespmem:s22+$0xFFFFFFF0] =	vst v0  }
0xbc: {  	s3 =	sadd.s32 $0x4, s20;
	[tilespmem:s2+$0xFFFFFFF0] =	vst v1;
	s2 =	simm.s32 @!p0 $0xA  }
0xbd: {  	s4 =	simm.s32 $0x17D00;
	s3 =	sshll.u32 s3, $0x7;
	_ =	swait.ge @!p0 [sflag:s2], $0x4000  }
0xbe: {  	s21 =	sand.u32 $0x3FFFFF80, s3;
	[sflag:s2] =	ssyncset.done @!p0 $0x0;
	s23 =	rddreg [dreg:$0x4]  }
0xbf: {  	s22 =	simm.s32 $0x80;
	[sflag:s2] =	ssyncadd.s32 @!p0 $0xFFFFC000;
	s2 =	sadd.s32 s23, s16  }
0xc0: {  	[tilespmem:s4], [sflag:$0x5] =	stream.indirect.gather [hbm4b:s8+s22], $0x80, s21, s22, $0xb8;
	[tilespmem:$0x1BD00] =	vst v63  }
0xc1: {  	s25 =	simm.s32 $0x7D00;
	s24 =	simm.s32 $0x0;
	s2 =	sshll.u32 s2, $0x4  }
0xc2: {  	[dreg:$0xd] =	wrdreg s3;
	s4 =	simm.s32 $0x2;
	s2 =	sadd.s32 s29, s2  }
0xc3: {  	[hbm4b:s2+s24] =	stream.linear.scatter [tilespmem:s25], [sflag:$0x6], $0x4000, $0x38;
	[tilespmem:$0x1BD00] =	vst v63  }
0xc4: {  	s5 =	sadd.s32 $0xFFFFFFFE, s17;
	_ =	swait.ge [sflag:s4], $0x4000  }
0xc5: {  	s7 =	sadd.s32 $0x82, s5;
	s20 =	simm.s32 $0xBD80;
	[sflag:s4] =	ssyncset.done $0x0  }
0xc6: {  	s3 =	simm.s32 $0xFFFF9B80;
	p0 =	sgt.u32 s7, $0xC7;
	[sflag:s4] =	ssyncadd.s32 $0xFFFFC000  }
0xc7: {  	s21 =	sadd.s32 s31, s19;
	s3 =	simm.s32 @!p0 $0xFFFFFF80;
	v0 =	vld [tilespmem:s20+$0xFFFFFF80]  }
0xc8: {  	s12 =	sadd.s32 s3, s21  }
0xc9: {  	v1 =	vld [tilespmem:s12+$0x1900];
	_ =	sdelay $0x1  }
0xca: {  	s2 =	sadd.s32 $0x83, s5  }
0xcb: {  	p0 =	sgt.u32 s2, $0xC7;
	s2 =	sadd.s32 $0xFFFF9C00, s21;
	v2 =	vld [tilespmem:s20+$0x0];
	v0 =	vmul.f32 $1.131370830e+01, v0  }
0xcc: {  	s21 =	smov.u32 @p0 s2  }
0xcd: {  	v3 =	vld [tilespmem:s21+$0x1900];
	v0 =	vadd.f32 v1, v0  }
0xce: {  	v1 =	vld [tilespmem:s20+$0xFFFFFF90]  }
0xcf: {  	[tilespmem:s20+$0xFFFFFF80] =	vst v0  }
0xd0: {  	v0 =	vmul.f32 $1.131370830e+01, v2;
	v2 =	vld [tilespmem:s12+$0x1910];
	_ =	sdelay $0x2  }
0xd1: {  	v4 =	vld [tilespmem:s20+$0x10];
	v0 =	vadd.f32 v3, v0;
	v1 =	vmul.f32 $1.131370830e+01, v1;
	_ =	sdelay $0x1  }
0xd2: {  	v6 =	vld [tilespmem:s20+$0xFFFFFFA0];
	[tilespmem:s20+$0x0] =	vst v0;
	v1 =	vadd.f32 v2, v1  }
0xd3: {  	v0 =	vld [tilespmem:s21+$0x1910]  }
0xd4: {  	v5 =	vld [tilespmem:s20+$0x20];
	[tilespmem:s20+$0xFFFFFF90] =	vst v1  }
0xd5: {  	v1 =	vmul.f32 $1.131370830e+01, v4;
	v4 =	vld [tilespmem:s12+$0x1920]  }
0xd6: {  	s22 =	simm.s32 $0xBE80;
	v7 =	vld [tilespmem:s20+$0x40]  }
0xd7: {  	v8 =	vld [tilespmem:s22+$0xFFFFFF80]  }
0xd8: {  	v12 =	vld [tilespmem:s22+$0x10];
	v0 =	vadd.f32 v0, v1;
	v1 =	vmul.f32 $1.131370830e+01, v6  }
0xd9: {  	v13 =	vld [tilespmem:s22+$0x20]  }
0xda: {  	s10 =	sadd.s32 $0x0, s17;
	v14 =	vld [tilespmem:s20+$0xFFFFFFF0];
	[tilespmem:s20+$0x10] =	vst v0;
	v0 =	vadd.f32 v4, v1  }
0xdb: {  	s24 =	sadd.s32 $0x82, s10;
	v4 =	vld [tilespmem:s20+$0xFFFFFFB0]  }
0xdc: {  	s25 =	sadd.s32 $0x100, s31;
	p0 =	sgt.u32 s24, $0xC7;
	s2 =	simm.s32 $0xFFFF9B80;
	v6 =	vld [tilespmem:s21+$0x1920];
	[tilespmem:s20+$0xFFFFFFA0] =	vst v0  }
0xdd: {  	s23 =	sadd.s32 s25, s19;
	s2 =	simm.s32 @!p0 $0xFFFFFF80;
	s4 =	sadd.s32 $0x83, s10;
	v1 =	vmul.f32 $1.131370830e+01, v5;
	v5 =	vld [tilespmem:s12+$0x1930]  }
0xde: {  	s2 =	sadd.s32 s2, s23;
	p0 =	sgt.u32 s4, $0xC7;
	s4 =	sadd.s32 $0xFFFF9C00, s23;
	v58 =	vld [tilespmem:s22+$0xFFFFFFD0]  }
0xdf: {  	v9 =	vld [tilespmem:s2+$0x1900];
	s23 =	smov.u32 @p0 s4  }
0xe0: {  	s4 =	sadd.s32 $0x100, s25;
	s25 =	simm.s32 $0xBF80;
	v10 =	vld [tilespmem:s23+$0x1900];
	v4 =	vmul.f32 $1.131370830e+01, v4  }
0xe1: {  	v17 =	vld [tilespmem:s25+$0x0];
	v6 =	vadd.f32 v6, v1  }
0xe2: {  	v19 =	vld [tilespmem:s25+$0x10];
	v4 =	vadd.f32 v5, v4  }
0xe3: {  	[tilespmem:s20+$0x20] =	vst v6;
	v6 =	vmul.f32 $1.131370830e+01, v8;
	v8 =	vld [tilespmem:s20+$0xFFFFFFC0]  }
0xe4: {  	[tilespmem:s20+$0xFFFFFFB0] =	vst v4;
	v4 =	vld [tilespmem:s22+$0x0]  }
0xe5: {  	v6 =	vadd.f32 v9, v6;
	v11 =	vld [tilespmem:s12+$0x1940]  }
0xe6: {  	v9 =	vld [tilespmem:s22+$0xFFFFFF90]  }
0xe7: {  	v57 =	vld [tilespmem:s25+$0xFFFFFF90];
	[tilespmem:s22+$0xFFFFFF80] =	vst v6  }
0xe8: {  	v6 =	vld [tilespmem:s2+$0x1910];
	v8 =	vmul.f32 $1.131370830e+01, v8  }
0xe9: {  	v3 =	vld [tilespmem:s20+$0x30];
	v4 =	vmul.f32 $1.131370830e+01, v4  }
0xea: {  	v59 =	vld [tilespmem:s25+$0x30];
	v8 =	vadd.f32 v11, v8  }
0xeb: {  	v5 =	vld [tilespmem:s21+$0x1930];
	v9 =	vmul.f32 $1.131370830e+01, v9;
	v4 =	vadd.f32 v10, v4  }
0xec: {  	v60 =	vld [tilespmem:s25+$0x40];
	[tilespmem:s20+$0xFFFFFFC0] =	vst v8  }
0xed: {  	v6 =	vadd.f32 v6, v9;
	v8 =	vld [tilespmem:s22+$0xFFFFFFA0];
	[tilespmem:s22+$0x0] =	vst v4  }
0xee: {  	v3 =	vmul.f32 $1.131370830e+01, v3;
	v4 =	vld [tilespmem:s23+$0x1910]  }
0xef: {  	s5 =	sadd.s32 $0x2, s17;
	v11 =	vld [tilespmem:s20+$0xFFFFFFD0];
	[tilespmem:s22+$0xFFFFFF90] =	vst v6  }
0xf0: {  	s7 =	sadd.s32 $0x82, s5;
	v3 =	vadd.f32 v5, v3;
	v9 =	vld [tilespmem:s2+$0x1920]  }
0xf1: {  	p0 =	sgt.u32 s7, $0xC7;
	s7 =	simm.s32 $0xFFFF9B80;
	v6 =	vmul.f32 $1.131370830e+01, v12;
	v5 =	vld [tilespmem:s12+$0x1950]  }
0xf2: {  	s3 =	sadd.s32 s4, s19;
	s7 =	simm.s32 @!p0 $0xFFFFFF80;
	v62 =	vld [tilespmem:s25+$0x50];
	[tilespmem:s20+$0x30] =	vst v3  }
0xf3: {  	s24 =	sadd.s32 s7, s3;
	v12 =	vld [tilespmem:s21+$0x1940];
	v8 =	vmul.f32 $1.131370830e+01, v8;
	v4 =	vadd.f32 v4, v6  }
0xf4: {  	s5 =	sadd.s32 $0x83, s5;
	v15 =	vld [tilespmem:s24+$0x1900];
	v11 =	vmul.f32 $1.131370830e+01, v11  }
0xf5: {  	p0 =	sgt.u32 s5, $0xC7;
	s5 =	sadd.s32 $0xFFFF9C00, s3;
	v8 =	vadd.f32 v9, v8;
	v9 =	vld [tilespmem:s22+$0xFFFFFFB0];
	[tilespmem:s22+$0x10] =	vst v4  }
0xf6: {  	s3 =	smov.u32 @p0 s5;
	v7 =	vmul.f32 $1.131370830e+01, v7;
	v5 =	vadd.f32 v5, v11;
	v4 =	vld [tilespmem:s23+$0x1920]  }
0xf7: {  	v18 =	vld [tilespmem:s3+$0x1900];
	[tilespmem:s22+$0xFFFFFFA0] =	vst v8  }
0xf8: {  	[tilespmem:s20+$0xFFFFFFD0] =	vst v5;
	v5 =	vadd.f32 v12, v7;
	v7 =	vld [tilespmem:s2+$0x1930]  }
0xf9: {  	v2 =	vld [tilespmem:s20+$0x50];
	v8 =	vmul.f32 $1.131370830e+01, v13  }
0xfa: {  	v0 =	vld [tilespmem:s20+$0x60]  }
0xfb: {  	v1 =	vld [tilespmem:s20+$0x70];
	v4 =	vadd.f32 v4, v8;
	v8 =	vmul.f32 $1.131370830e+01, v9  }
0xfc: {  	v3 =	vld [tilespmem:s22+$0x40]  }
0xfd: {  	v10 =	vld [tilespmem:s22+$0x30];
	[tilespmem:s22+$0x20] =	vst v4;
	v4 =	vadd.f32 v7, v8  }
0xfe: {  	v8 =	vld [tilespmem:s25+$0xFFFFFF80]  }
0xff: {  	[tilespmem:s22+$0xFFFFFFB0] =	vst v4;
	v4 =	vld [tilespmem:s22+$0xFFFFFFC0]  }
0x100: {  	v11 =	vld [tilespmem:s20+$0xFFFFFFE0]  }
0x101: {  	v16 =	vld [tilespmem:s2+$0x1940]  }
0x102: {  	v12 =	vld [tilespmem:s12+$0x1960]  }
0x103: {  	v6 =	vld [tilespmem:s22+$0x50];
	v8 =	vmul.f32 $1.131370830e+01, v8  }
0x104: {  	v13 =	vld [tilespmem:s22+$0x60];
	v4 =	vmul.f32 $1.131370830e+01, v4  }
0x105: {  	[tilespmem:s20+$0x40] =	vst v5;
	v11 =	vmul.f32 $1.131370830e+01, v11;
	v7 =	vld [tilespmem:s23+$0x1930];
	v8 =	vadd.f32 v15, v8  }
0x106: {  	v5 =	vld [tilespmem:s21+$0x1950];
	v4 =	vadd.f32 v16, v4  }
0x107: {  	v11 =	vadd.f32 v12, v11;
	v9 =	vld [tilespmem:s22+$0x70];
	[tilespmem:s25+$0xFFFFFF80] =	vst v8;
	v8 =	vmul.f32 $1.131370830e+01, v17  }
0x108: {  	v10 =	vmul.f32 $1.131370830e+01, v10;
	[tilespmem:s22+$0xFFFFFFC0] =	vst v4;
	v4 =	vld [tilespmem:s24+$0x1910]  }
0x109: {  	[tilespmem:s20+$0xFFFFFFE0] =	vst v11;
	v8 =	vadd.f32 v18, v8;
	v12 =	vld [tilespmem:s2+$0x1950]  }
0x10a: {  	v7 =	vadd.f32 v7, v10;
	v10 =	vld [tilespmem:s12+$0x1970]  }
0x10b: {  	v15 =	vld [tilespmem:s25+$0x20];
	[tilespmem:s25+$0x0] =	vst v8;
	v8 =	vmul.f32 $1.131370830e+01, v57  }
0x10c: {  	v11 =	vmul.f32 $1.131370830e+01, v58;
	[tilespmem:s22+$0x30] =	vst v7;
	v7 =	vld [tilespmem:s3+$0x1910]  }
0x10d: {  	v2 =	vmul.f32 $1.131370830e+01, v2;
	v4 =	vadd.f32 v4, v8;
	v8 =	vld [tilespmem:s23+$0x1940]  }
0x10e: {  	v11 =	vadd.f32 v12, v11;
	v12 =	vld [tilespmem:s25+$0xFFFFFFA0]  }
0x10f: {  	v61 =	vmul.f32 $1.131370830e+01, v19;
	v2 =	vadd.f32 v5, v2;
	[tilespmem:s25+$0xFFFFFF90] =	vst v4;
	v4 =	vld [tilespmem:s22+$0xFFFFFFE0]  }
0x110: {  	v3 =	vmul.f32 $1.131370830e+01, v3;
	[tilespmem:s22+$0xFFFFFFD0] =	vst v11;
	v5 =	vld [tilespmem:s24+$0x1920]  }
0x111: {  	[tilespmem:s20+$0x50] =	vst v2;
	v7 =	vadd.f32 v7, v61;
	v11 =	vld [tilespmem:s2+$0x1960]  }
0x112: {  	v2 =	vadd.f32 v8, v3;
	v3 =	vld [tilespmem:s21+$0x1960]  }
0x113: {  	[tilespmem:s25+$0x10] =	vst v7;
	v7 =	vmul.f32 $1.131370830e+01, v12;
	v12 =	vld [tilespmem:s25+$0x60]  }
0x114: {  	v8 =	vmul.f32 $1.131370830e+01, v14;
	v63 =	vld [tilespmem:s3+$0x1920];
	[tilespmem:s22+$0x40] =	vst v2  }
0x115: {  	v2 =	vmul.f32 $1.131370830e+01, v4;
	v4 =	vmul.f32 $1.131370830e+01, v0;
	v5 =	vadd.f32 v5, v7;
	v14 =	vld [tilespmem:s23+$0x1950]  }
0x116: {  	v0 =	vmul.f32 $1.131370830e+01, v1;
	v1 =	vmul.f32 $1.131370830e+01, v9;
	v9 =	vld [tilespmem:s22+$0xFFFFFFF0];
	v7 =	vadd.f32 v10, v8  }
0x117: {  	v20 =	vmul.f32 $1.131370830e+01, v6;
	v15 =	vmul.f32 $1.131370830e+01, v15;
	v6 =	vadd.f32 v11, v2;
	v11 =	vld [tilespmem:s25+$0xFFFFFFB0];
	[tilespmem:s25+$0xFFFFFFA0] =	vst v5  }
0x118: {  	v2 =	vmul.f32 $1.131370830e+01, v13;
	v13 =	vadd.f32 v3, v4;
	v5 =	vmul.f32 $1.131370830e+01, v59;
	[tilespmem:s20+$0xFFFFFFF0] =	vst v7;
	v7 =	vld [tilespmem:s25+$0x70]  }
0x119: {  	v4 =	vmul.f32 $1.131370830e+01, v60;
	v3 =	vmul.f32 $1.131370830e+01, v62;
	[tilespmem:s22+$0xFFFFFFE0] =	vst v6;
	v10 =	vld [tilespmem:s24+$0x1930]  }
0x11a: {  	s5 =	simm.s32 $0x4;
	s12 =	simm.s32 $0xBF80;
	v6 =	vmul.f32 $1.131370830e+01, v12;
	v8 =	vld [tilespmem:s2+$0x1970];
	[tilespmem:s20+$0x60] =	vst v13;
	s2 =	sadd.s32 $0x80, s16;
	v13 =	vadd.f32 v63, v15;
	v12 =	vadd.f32 v14, v20  }
.LBB2_5:
0x11b: {  	s7 =	sadd.s32 s5, s17  }
0x11c: {  	v11 =	vmul.f32 $1.131370830e+01, v11;
	[tilespmem:s25+$0x20] =	vst v13;
	v13 =	vld [tilespmem:s21+$0x1970];
	s21 =	smov.u32 s23;
	s23 =	smov.u32 s3;
	s5 =	sadd.s32 $0x2, s5  }
0x11d: {  	s4 =	sadd.s32 $0x100, s4;
	s25 =	sadd.s32 $0x100, s25;
	s3 =	sadd.s32 $0x82, s7;
	v14 =	vld [tilespmem:s23+$0x1930];
	v9 =	vmul.f32 $1.131370830e+01, v9;
	[tilespmem:s22+$0x50] =	vst v12  }
0x11e: {  	s10 =	simm.s32 $0xFFFF9B80;
	p0 =	slt.u32 s5, $0x7E;
	p1 =	sgt.u32 s3, $0xC7;
	v10 =	vadd.f32 v10, v11;
	v11 =	vld [tilespmem:s21+$0x1960]  }
0x11f: {  	s7 =	sadd.s32 $0x83, s7;
	s3 =	sadd.s32 s4, s19;
	v12 =	vld [tilespmem:s25+$0xFFFFFF80];
	s10 =	simm.s32 @!p1 $0xFFFFFF80;
	v8 =	vadd.f32 v8, v9  }
0x120: {  	p1 =	sgt.u32 s7, $0xC7;
	s7 =	sadd.s32 $0xFFFF9C00, s3;
	s10 =	sadd.s32 s10, s3;
	[tilespmem:s12+$0xFFFFFFB0] =	vst v10;
	v9 =	vld [tilespmem:s12+$0xFFFFFFC0];
	v7 =	vmul.f32 $1.131370830e+01, v7  }
0x121: {  	s3 =	smov.u32 @p1 s7;
	v10 =	vld [tilespmem:s10+$0x1900];
	[tilespmem:s22+$0xFFFFFFF0] =	vst v8;
	v8 =	vadd.f32 v13, v0;
	v0 =	vmov v1  }
0x122: {  	v13 =	vld [tilespmem:s24+$0x1940];
	v5 =	vadd.f32 v14, v5;
	v1 =	vmov v7  }
0x123: {  	v7 =	vld [tilespmem:s25+$0x0];
	v11 =	vadd.f32 v11, v2;
	[tilespmem:s20+$0x70] =	vst v8;
	v2 =	vmov v6;
	s20 =	smov.u32 s22;
	s22 =	smov.u32 s12;
	s12 =	smov.u32 s25  }
0x124: {  	v6 =	vmul.f32 $1.131370830e+01, v12;
	v8 =	vld [tilespmem:s3+$0x1900];
	[tilespmem:s22+$0x30] =	vst v5  }
0x125: {  	v5 =	vld [tilespmem:s25+$0x10];
	v9 =	vmul.f32 $1.131370830e+01, v9;
	[tilespmem:s20+$0x60] =	vst v11  }
0x126: {  	v6 =	vadd.f32 v10, v6;
	v10 =	vld [tilespmem:s25+$0x20]  }
0x127: {  	v11 =	vld [tilespmem:s25+$0xFFFFFF90];
	v9 =	vadd.f32 v13, v9  }
0x128: {  	[tilespmem:s25+$0xFFFFFF80] =	vst v6;
	v6 =	vmul.f32 $1.131370830e+01, v7;
	v7 =	vld [tilespmem:s22+$0xFFFFFFD0]  }
0x129: {  	v12 =	vld [tilespmem:s10+$0x1910];
	[tilespmem:s22+$0xFFFFFFC0] =	vst v9  }
0x12a: {  	v6 =	vadd.f32 v8, v6;
	v8 =	vmul.f32 $1.131370830e+01, v5;
	v5 =	vld [tilespmem:s24+$0x1950]  }
0x12b: {  	v13 =	vmul.f32 $1.131370830e+01, v10;
	v9 =	vld [tilespmem:s25+$0x30]  }
0x12c: {  	v10 =	vmul.f32 $1.131370830e+01, v11;
	[tilespmem:s25+$0x0] =	vst v6;
	v6 =	vld [tilespmem:s25+$0x40]  }
0x12d: {  	v11 =	vld [tilespmem:s3+$0x1910];
	v7 =	vmul.f32 $1.131370830e+01, v7  }
0x12e: {  	v10 =	vadd.f32 v12, v10;
	v12 =	vld [tilespmem:s23+$0x1940]  }
0x12f: {  	v14 =	vld [tilespmem:s25+$0xFFFFFFA0];
	v7 =	vadd.f32 v5, v7  }
0x130: {  	[tilespmem:s25+$0xFFFFFF90] =	vst v10;
	v5 =	vmul.f32 $1.131370830e+01, v9;
	v9 =	vld [tilespmem:s22+$0xFFFFFFE0]  }
0x131: {  	v10 =	vld [tilespmem:s10+$0x1920];
	v6 =	vmul.f32 $1.131370830e+01, v6;
	[tilespmem:s22+$0xFFFFFFD0] =	vst v7  }
0x132: {  	v7 =	vadd.f32 v11, v8;
	v8 =	vld [tilespmem:s24+$0x1960]  }
0x133: {  	v15 =	vld [tilespmem:s25+$0x50];
	v11 =	vadd.f32 v12, v4;
	v4 =	vmov v6  }
0x134: {  	v6 =	vmul.f32 $1.131370830e+01, v14;
	[tilespmem:s25+$0x10] =	vst v7;
	v7 =	vld [tilespmem:s25+$0x60]  }
0x135: {  	v12 =	vld [tilespmem:s3+$0x1920];
	v9 =	vmul.f32 $1.131370830e+01, v9;
	[tilespmem:s22+$0x40] =	vst v11  }
0x136: {  	v6 =	vadd.f32 v10, v6;
	v14 =	vld [tilespmem:s23+$0x1950]  }
.Ltmp1:
0x137: {  	v11 =	vld [tilespmem:s25+$0xFFFFFFB0];
	v8 =	vadd.f32 v8, v9;
	(pc) =	sbr.rel @p0 .LBB2_5-.Ltmp1, $4  }
0x138: {  	[tilespmem:s25+$0xFFFFFFA0] =	vst v6;
	v15 =	vmul.f32 $1.131370830e+01, v15;
	v9 =	vld [tilespmem:s22+$0xFFFFFFF0]  }
0x139: {  	v10 =	vld [tilespmem:s10+$0x1930];
	v6 =	vmul.f32 $1.131370830e+01, v7;
	[tilespmem:s22+$0xFFFFFFE0] =	vst v8  }
0x13a: {  	v13 =	vadd.f32 v12, v13;
	v8 =	vld [tilespmem:s24+$0x1970];
	s24 =	smov.u32 s10  }
0x13b: {  	v7 =	vld [tilespmem:s25+$0x70];
	v12 =	vadd.f32 v14, v3;
	v3 =	vmov v15  }
0x13c: {  	[tilespmem:s25+$0x20] =	vst v13  }
0x13d: {  	v11 =	vmul.f32 $1.131370830e+01, v11;
	v13 =	vld [tilespmem:s3+$0x1930];
	_ =	sdelay $0x1  }
0x13e: {  	v10 =	vadd.f32 v10, v11;
	_ =	sdelay $0x1  }
0x13f: {  	[tilespmem:s12+$0xFFFFFFB0] =	vst v10;
	v10 =	vld [tilespmem:s12+$0xFFFFFFC0]  }
0x140: {  	v5 =	vadd.f32 v13, v5  }
0x141: {  	v11 =	vld [tilespmem:s24+$0x1940]  }
0x142: {  	[tilespmem:s12+$0x30] =	vst v5  }
0x143: {  	v5 =	vld [tilespmem:s3+$0x1940]  }
0x144: {  	v10 =	vmul.f32 $1.131370830e+01, v10;
	_ =	sdelay $0x1  }
0x145: {  	v10 =	vadd.f32 v11, v10  }
0x146: {  	v11 =	vld [tilespmem:s12+$0xFFFFFFD0]  }
0x147: {  	[tilespmem:s12+$0xFFFFFFC0] =	vst v10;
	v4 =	vadd.f32 v5, v4  }
0x148: {  	v5 =	vld [tilespmem:s24+$0x1950]  }
0x149: {  	[tilespmem:s12+$0x40] =	vst v4  }
0x14a: {  	v4 =	vld [tilespmem:s3+$0x1950]  }
0x14b: {  	v10 =	vmul.f32 $1.131370830e+01, v11;
	_ =	sdelay $0x1  }
0x14c: {  	v5 =	vadd.f32 v5, v10  }
0x14d: {  	v10 =	vld [tilespmem:s12+$0xFFFFFFE0]  }
0x14e: {  	[tilespmem:s12+$0xFFFFFFD0] =	vst v5;
	v3 =	vadd.f32 v4, v3  }
0x14f: {  	[tilespmem:s22+$0x50] =	vst v12;
	v4 =	vld [tilespmem:s24+$0x1960]  }
0x150: {  	v5 =	vld [tilespmem:s23+$0x1960];
	[tilespmem:s12+$0x50] =	vst v3  }
0x151: {  	v3 =	vld [tilespmem:s3+$0x1960]  }
0x152: {  	v10 =	vmul.f32 $1.131370830e+01, v10;
	_ =	sdelay $0x1  }
0x153: {  	v4 =	vadd.f32 v4, v10  }
0x154: {  	v2 =	vadd.f32 v5, v2;
	v5 =	vld [tilespmem:s12+$0xFFFFFFF0]  }
0x155: {  	v10 =	vld [tilespmem:s21+$0x1970];
	[tilespmem:s12+$0xFFFFFFE0] =	vst v4;
	v3 =	vadd.f32 v3, v6  }
0x156: {  	[tilespmem:s22+$0x60] =	vst v2;
	v2 =	vld [tilespmem:s24+$0x1970]  }
0x157: {  	v4 =	vmul.f32 $1.131370830e+01, v9;
	v6 =	vld [tilespmem:s23+$0x1970];
	[tilespmem:s12+$0x60] =	vst v3  }
0x158: {  	v3 =	vld [tilespmem:s3+$0x1970]  }
0x159: {  	v4 =	vadd.f32 v8, v4;
	v5 =	vmul.f32 $1.131370830e+01, v5  }
0x15a: {  	v0 =	vadd.f32 v10, v0  }
0x15b: {  	v7 =	vmul.f32 $1.131370830e+01, v7;
	[tilespmem:s22+$0xFFFFFFF0] =	vst v4;
	v2 =	vadd.f32 v2, v5  }
0x15c: {  	[tilespmem:s20+$0x70] =	vst v0;
	v0 =	vadd.f32 v6, v1  }
0x15d: {  	p0 =	seq.s32 s9, $0x9;
	[tilespmem:s12+$0xFFFFFFF0] =	vst v2;
	v1 =	vadd.f32 v3, v7  }
0x15e: {  	s3 =	smul.u32 @!p0 $0xA00, s9;
	[tilespmem:s22+$0x70] =	vst v0  }
0x15f: {  	s4 =	simm.s32 $0x6;
	s25 =	smov.u32 s8;
	s5 =	simm.s32 @!p0 $0x7D00;
	[tilespmem:s12+$0x70] =	vst v1  }
0x160: {  	s21 =	simm.s32 $0x3;
	s17 =	sshra.s32 @!p0 s3, $0x2;
	_ =	swait.ge [sflag:s4], $0x4000  }
0x161: {  	s3 =	sadd.s32 @!p0 $0x280, s17;
	[sflag:s4] =	ssyncset.done $0x0;
	s19 =	rddreg [dreg:$0x4]  }
0x162: {  	[sflag:s4] =	ssyncadd.s32 $0xFFFFC000;
	s4 =	simm.s32 @!p0 $0x80;
	s2 =	sadd.s32 s19, s2  }
0x163: {  	[tilespmem:s5], [sflag:$0x1] =	stream.indirect.gather @!p0 [hbm4b:s8+s4], $0x80, s3, s4, $0xb8;
	[tilespmem:$0x1BD00] =	vst v63  }
0x164: {  	s20 =	simm.s32 $0xBD00;
	s22 =	sadd.s32 $0xFFFFFFFE, s18;
	s2 =	sshll.u32 s2, $0x4  }
0x165: {  	s8 =	smov.u32 s29;
	s2 =	sadd.s32 s29, s2;
	s29 =	simm.s32 $0x0  }
0x166: {  	[hbm4b:s2+s29] =	stream.linear.scatter [tilespmem:s20], [sflag:$0x7], $0x4000, $0x38;
	[tilespmem:$0x1BD00] =	vst v63  }
0x167: {  	s23 =	sadd.s32 $0x102, s22;
	_ =	swait.ge [sflag:s21], $0x4000  }
0x168: {  	p1 =	sgt.u32 s23, $0xC7;
	[sflag:s21] =	ssyncset.done $0x0  }
0x169: {  	s19 =	simm.s32 $0xFD80;
	s3 =	simm.s32 $0xFFFF9B80;
	[sflag:s21] =	ssyncadd.s32 $0xFFFFC000  }
0x16a: {  	s3 =	simm.s32 @!p1 $0xFFFFFF80;
	s20 =	sadd.s32 s1, s15;
	v0 =	vld [tilespmem:s19+$0xFFFFFF80]  }
0x16b: {  	s12 =	sadd.s32 s3, s20  }
0x16c: {  	v1 =	vld [tilespmem:s12+$0x1900];
	_ =	sdelay $0x1  }
0x16d: {  	s2 =	sadd.s32 $0x103, s22  }
0x16e: {  	p1 =	sgt.u32 s2, $0xC7;
	s2 =	sadd.s32 $0xFFFF9C00, s20;
	v2 =	vld [tilespmem:s19+$0x0];
	v0 =	vmul.f32 $1.131370830e+01, v0  }
0x16f: {  	s20 =	smov.u32 @p1 s2  }
0x170: {  	v3 =	vld [tilespmem:s20+$0x1900];
	v0 =	vadd.f32 v1, v0  }
0x171: {  	v1 =	vld [tilespmem:s19+$0xFFFFFF90]  }
0x172: {  	[tilespmem:s19+$0xFFFFFF80] =	vst v0  }
0x173: {  	v0 =	vmul.f32 $1.131370830e+01, v2;
	v2 =	vld [tilespmem:s12+$0x1910];
	_ =	sdelay $0x2  }
0x174: {  	v4 =	vld [tilespmem:s19+$0x10];
	v0 =	vadd.f32 v3, v0;
	v1 =	vmul.f32 $1.131370830e+01, v1;
	_ =	sdelay $0x1  }
0x175: {  	v6 =	vld [tilespmem:s19+$0xFFFFFFA0];
	[tilespmem:s19+$0x0] =	vst v0;
	v1 =	vadd.f32 v2, v1  }
0x176: {  	v0 =	vld [tilespmem:s20+$0x1910]  }
0x177: {  	v5 =	vld [tilespmem:s19+$0x20];
	[tilespmem:s19+$0xFFFFFF90] =	vst v1  }
0x178: {  	v1 =	vmul.f32 $1.131370830e+01, v4;
	v4 =	vld [tilespmem:s12+$0x1920]  }
0x179: {  	s21 =	simm.s32 $0xFE80;
	v7 =	vld [tilespmem:s19+$0x40]  }
0x17a: {  	v8 =	vld [tilespmem:s21+$0xFFFFFF80]  }
0x17b: {  	v12 =	vld [tilespmem:s21+$0x10];
	v0 =	vadd.f32 v0, v1;
	v1 =	vmul.f32 $1.131370830e+01, v6  }
0x17c: {  	v13 =	vld [tilespmem:s21+$0x20]  }
0x17d: {  	v14 =	vld [tilespmem:s19+$0xFFFFFFF0];
	[tilespmem:s19+$0x10] =	vst v0;
	v0 =	vadd.f32 v4, v1  }
0x17e: {  	s24 =	sadd.s32 $0x0, s18;
	v4 =	vld [tilespmem:s19+$0xFFFFFFB0]  }
0x17f: {  	s4 =	sadd.s32 $0x103, s24;
	s3 =	sadd.s32 $0x102, s24;
	s24 =	simm.s32 $0xFF80;
	v6 =	vld [tilespmem:s20+$0x1920];
	[tilespmem:s19+$0xFFFFFFA0] =	vst v0  }
0x180: {  	s5 =	sadd.s32 $0x100, s1;
	p1 =	sgt.u32 s3, $0xC7;
	s2 =	simm.s32 $0xFFFF9B80;
	v1 =	vmul.f32 $1.131370830e+01, v5;
	v5 =	vld [tilespmem:s12+$0x1930]  }
0x181: {  	s22 =	sadd.s32 s5, s15;
	s2 =	simm.s32 @!p1 $0xFFFFFF80;
	v17 =	vld [tilespmem:s24+$0x0]  }
0x182: {  	s2 =	sadd.s32 s2, s22;
	v19 =	vld [tilespmem:s24+$0x10]  }
0x183: {  	p1 =	sgt.u32 s4, $0xC7;
	s4 =	sadd.s32 $0xFFFF9C00, s22;
	v9 =	vld [tilespmem:s2+$0x1900];
	v4 =	vmul.f32 $1.131370830e+01, v4  }
0x184: {  	s22 =	smov.u32 @p1 s4;
	v57 =	vld [tilespmem:s24+$0xFFFFFF90];
	v6 =	vadd.f32 v6, v1  }
0x185: {  	v10 =	vld [tilespmem:s22+$0x1900];
	v4 =	vadd.f32 v5, v4  }
0x186: {  	[tilespmem:s19+$0x20] =	vst v6;
	v6 =	vmul.f32 $1.131370830e+01, v8;
	v8 =	vld [tilespmem:s19+$0xFFFFFFC0]  }
0x187: {  	[tilespmem:s19+$0xFFFFFFB0] =	vst v4;
	v4 =	vld [tilespmem:s21+$0x0]  }
0x188: {  	v6 =	vadd.f32 v9, v6;
	v11 =	vld [tilespmem:s12+$0x1940]  }
0x189: {  	v9 =	vld [tilespmem:s21+$0xFFFFFF90]  }
0x18a: {  	v58 =	vld [tilespmem:s21+$0xFFFFFFD0];
	[tilespmem:s21+$0xFFFFFF80] =	vst v6  }
0x18b: {  	v6 =	vld [tilespmem:s2+$0x1910];
	v8 =	vmul.f32 $1.131370830e+01, v8  }
0x18c: {  	v3 =	vld [tilespmem:s19+$0x30];
	v4 =	vmul.f32 $1.131370830e+01, v4  }
0x18d: {  	v59 =	vld [tilespmem:s24+$0x30];
	v8 =	vadd.f32 v11, v8  }
0x18e: {  	v5 =	vld [tilespmem:s20+$0x1930];
	v9 =	vmul.f32 $1.131370830e+01, v9;
	v4 =	vadd.f32 v10, v4  }
0x18f: {  	v60 =	vld [tilespmem:s24+$0x40];
	[tilespmem:s19+$0xFFFFFFC0] =	vst v8  }
0x190: {  	v6 =	vadd.f32 v6, v9;
	v8 =	vld [tilespmem:s21+$0xFFFFFFA0];
	[tilespmem:s21+$0x0] =	vst v4  }
0x191: {  	v3 =	vmul.f32 $1.131370830e+01, v3;
	v4 =	vld [tilespmem:s22+$0x1910]  }
0x192: {  	s10 =	sadd.s32 $0x2, s18;
	v11 =	vld [tilespmem:s19+$0xFFFFFFD0];
	[tilespmem:s21+$0xFFFFFF90] =	vst v6  }
0x193: {  	s7 =	sadd.s32 $0x102, s10;
	v3 =	vadd.f32 v5, v3;
	v9 =	vld [tilespmem:s2+$0x1920]  }
0x194: {  	s4 =	sadd.s32 $0x100, s5;
	p1 =	sgt.u32 s7, $0xC7;
	s7 =	simm.s32 $0xFFFF9B80;
	v6 =	vmul.f32 $1.131370830e+01, v12;
	v5 =	vld [tilespmem:s12+$0x1950]  }
0x195: {  	v62 =	vld [tilespmem:s24+$0x50];
	s3 =	sadd.s32 s4, s15;
	s7 =	simm.s32 @!p1 $0xFFFFFF80;
	[tilespmem:s19+$0x30] =	vst v3  }
0x196: {  	s23 =	sadd.s32 s7, s3;
	v12 =	vld [tilespmem:s20+$0x1940];
	v8 =	vmul.f32 $1.131370830e+01, v8;
	v4 =	vadd.f32 v4, v6  }
0x197: {  	s5 =	sadd.s32 $0x103, s10;
	v15 =	vld [tilespmem:s23+$0x1900];
	v11 =	vmul.f32 $1.131370830e+01, v11  }
0x198: {  	p1 =	sgt.u32 s5, $0xC7;
	s5 =	sadd.s32 $0xFFFF9C00, s3;
	v8 =	vadd.f32 v9, v8;
	v9 =	vld [tilespmem:s21+$0xFFFFFFB0];
	[tilespmem:s21+$0x10] =	vst v4  }
0x199: {  	s3 =	smov.u32 @p1 s5;
	v7 =	vmul.f32 $1.131370830e+01, v7;
	v5 =	vadd.f32 v5, v11;
	v4 =	vld [tilespmem:s22+$0x1920]  }
0x19a: {  	v18 =	vld [tilespmem:s3+$0x1900];
	[tilespmem:s21+$0xFFFFFFA0] =	vst v8  }
0x19b: {  	[tilespmem:s19+$0xFFFFFFD0] =	vst v5;
	v5 =	vadd.f32 v12, v7;
	v7 =	vld [tilespmem:s2+$0x1930]  }
0x19c: {  	v2 =	vld [tilespmem:s19+$0x50];
	v8 =	vmul.f32 $1.131370830e+01, v13  }
0x19d: {  	v0 =	vld [tilespmem:s19+$0x60]  }
0x19e: {  	v1 =	vld [tilespmem:s19+$0x70];
	v4 =	vadd.f32 v4, v8;
	v8 =	vmul.f32 $1.131370830e+01, v9  }
0x19f: {  	v3 =	vld [tilespmem:s21+$0x40]  }
0x1a0: {  	v10 =	vld [tilespmem:s21+$0x30];
	[tilespmem:s21+$0x20] =	vst v4;
	v4 =	vadd.f32 v7, v8  }
0x1a1: {  	v8 =	vld [tilespmem:s24+$0xFFFFFF80]  }
0x1a2: {  	[tilespmem:s21+$0xFFFFFFB0] =	vst v4;
	v4 =	vld [tilespmem:s21+$0xFFFFFFC0]  }
0x1a3: {  	v11 =	vld [tilespmem:s19+$0xFFFFFFE0]  }
0x1a4: {  	v16 =	vld [tilespmem:s2+$0x1940]  }
0x1a5: {  	v12 =	vld [tilespmem:s12+$0x1960]  }
0x1a6: {  	v6 =	vld [tilespmem:s21+$0x50];
	v8 =	vmul.f32 $1.131370830e+01, v8  }
0x1a7: {  	v13 =	vld [tilespmem:s21+$0x60];
	v4 =	vmul.f32 $1.131370830e+01, v4  }
0x1a8: {  	[tilespmem:s19+$0x40] =	vst v5;
	v11 =	vmul.f32 $1.131370830e+01, v11;
	v7 =	vld [tilespmem:s22+$0x1930];
	v8 =	vadd.f32 v15, v8  }
0x1a9: {  	v5 =	vld [tilespmem:s20+$0x1950];
	v4 =	vadd.f32 v16, v4  }
0x1aa: {  	v11 =	vadd.f32 v12, v11;
	v9 =	vld [tilespmem:s21+$0x70];
	[tilespmem:s24+$0xFFFFFF80] =	vst v8;
	v8 =	vmul.f32 $1.131370830e+01, v17  }
0x1ab: {  	v10 =	vmul.f32 $1.131370830e+01, v10;
	[tilespmem:s21+$0xFFFFFFC0] =	vst v4;
	v4 =	vld [tilespmem:s23+$0x1910]  }
0x1ac: {  	[tilespmem:s19+$0xFFFFFFE0] =	vst v11;
	v8 =	vadd.f32 v18, v8;
	v12 =	vld [tilespmem:s2+$0x1950]  }
0x1ad: {  	v7 =	vadd.f32 v7, v10;
	v10 =	vld [tilespmem:s12+$0x1970]  }
0x1ae: {  	v15 =	vld [tilespmem:s24+$0x20];
	[tilespmem:s24+$0x0] =	vst v8;
	v8 =	vmul.f32 $1.131370830e+01, v57  }
0x1af: {  	v11 =	vmul.f32 $1.131370830e+01, v58;
	[tilespmem:s21+$0x30] =	vst v7;
	v7 =	vld [tilespmem:s3+$0x1910]  }
0x1b0: {  	v2 =	vmul.f32 $1.131370830e+01, v2;
	v4 =	vadd.f32 v4, v8;
	v8 =	vld [tilespmem:s22+$0x1940]  }
0x1b1: {  	v11 =	vadd.f32 v12, v11;
	v12 =	vld [tilespmem:s24+$0xFFFFFFA0]  }
0x1b2: {  	v61 =	vmul.f32 $1.131370830e+01, v19;
	v2 =	vadd.f32 v5, v2;
	[tilespmem:s24+$0xFFFFFF90] =	vst v4;
	v4 =	vld [tilespmem:s21+$0xFFFFFFE0]  }
0x1b3: {  	v3 =	vmul.f32 $1.131370830e+01, v3;
	[tilespmem:s21+$0xFFFFFFD0] =	vst v11;
	v5 =	vld [tilespmem:s23+$0x1920]  }
0x1b4: {  	[tilespmem:s19+$0x50] =	vst v2;
	v7 =	vadd.f32 v7, v61;
	v11 =	vld [tilespmem:s2+$0x1960]  }
0x1b5: {  	v2 =	vadd.f32 v8, v3;
	v3 =	vld [tilespmem:s20+$0x1960]  }
0x1b6: {  	[tilespmem:s24+$0x10] =	vst v7;
	v7 =	vmul.f32 $1.131370830e+01, v12;
	v12 =	vld [tilespmem:s24+$0x60]  }
0x1b7: {  	v8 =	vmul.f32 $1.131370830e+01, v14;
	v63 =	vld [tilespmem:s3+$0x1920];
	[tilespmem:s21+$0x40] =	vst v2  }
0x1b8: {  	v2 =	vmul.f32 $1.131370830e+01, v4;
	v4 =	vmul.f32 $1.131370830e+01, v0;
	v5 =	vadd.f32 v5, v7;
	v14 =	vld [tilespmem:s22+$0x1950]  }
0x1b9: {  	v0 =	vmul.f32 $1.131370830e+01, v1;
	v1 =	vmul.f32 $1.131370830e+01, v9;
	v9 =	vld [tilespmem:s21+$0xFFFFFFF0];
	v7 =	vadd.f32 v10, v8  }
0x1ba: {  	v20 =	vmul.f32 $1.131370830e+01, v6;
	v15 =	vmul.f32 $1.131370830e+01, v15;
	v6 =	vadd.f32 v11, v2;
	v11 =	vld [tilespmem:s24+$0xFFFFFFB0];
	[tilespmem:s24+$0xFFFFFFA0] =	vst v5  }
0x1bb: {  	v2 =	vmul.f32 $1.131370830e+01, v13;
	v13 =	vadd.f32 v3, v4;
	v5 =	vmul.f32 $1.131370830e+01, v59;
	[tilespmem:s19+$0xFFFFFFF0] =	vst v7;
	v7 =	vld [tilespmem:s24+$0x70]  }
0x1bc: {  	v4 =	vmul.f32 $1.131370830e+01, v60;
	v3 =	vmul.f32 $1.131370830e+01, v62;
	[tilespmem:s21+$0xFFFFFFE0] =	vst v6;
	v10 =	vld [tilespmem:s23+$0x1930]  }
0x1bd: {  	s5 =	simm.s32 $0x4;
	s12 =	simm.s32 $0xFF80;
	v6 =	vmul.f32 $1.131370830e+01, v12;
	v8 =	vld [tilespmem:s2+$0x1970];
	[tilespmem:s19+$0x60] =	vst v13;
	s2 =	sadd.s32 $0x100, s16;
	v13 =	vadd.f32 v63, v15;
	v12 =	vadd.f32 v14, v20  }
.LBB2_7:
0x1be: {  	s7 =	sadd.s32 s5, s18  }
0x1bf: {  	v11 =	vmul.f32 $1.131370830e+01, v11;
	[tilespmem:s24+$0x20] =	vst v13;
	v13 =	vld [tilespmem:s20+$0x1970];
	s20 =	smov.u32 s22;
	s22 =	smov.u32 s3;
	s5 =	sadd.s32 $0x2, s5  }
0x1c0: {  	s4 =	sadd.s32 $0x100, s4;
	s24 =	sadd.s32 $0x100, s24;
	s3 =	sadd.s32 $0x102, s7;
	v14 =	vld [tilespmem:s22+$0x1930];
	v9 =	vmul.f32 $1.131370830e+01, v9;
	[tilespmem:s21+$0x50] =	vst v12  }
0x1c1: {  	s10 =	simm.s32 $0xFFFF9B80;
	p1 =	slt.u32 s5, $0x7E;
	p2 =	sgt.u32 s3, $0xC7;
	v10 =	vadd.f32 v10, v11;
	v11 =	vld [tilespmem:s20+$0x1960]  }
0x1c2: {  	s7 =	sadd.s32 $0x103, s7;
	s3 =	sadd.s32 s4, s15;
	v12 =	vld [tilespmem:s24+$0xFFFFFF80];
	s10 =	simm.s32 @!p2 $0xFFFFFF80;
	v8 =	vadd.f32 v8, v9  }
0x1c3: {  	p2 =	sgt.u32 s7, $0xC7;
	s7 =	sadd.s32 $0xFFFF9C00, s3;
	s10 =	sadd.s32 s10, s3;
	[tilespmem:s12+$0xFFFFFFB0] =	vst v10;
	v9 =	vld [tilespmem:s12+$0xFFFFFFC0];
	v7 =	vmul.f32 $1.131370830e+01, v7  }
0x1c4: {  	s3 =	smov.u32 @p2 s7;
	v10 =	vld [tilespmem:s10+$0x1900];
	[tilespmem:s21+$0xFFFFFFF0] =	vst v8;
	v8 =	vadd.f32 v13, v0;
	v0 =	vmov v1  }
0x1c5: {  	v13 =	vld [tilespmem:s23+$0x1940];
	v5 =	vadd.f32 v14, v5;
	v1 =	vmov v7  }
0x1c6: {  	v7 =	vld [tilespmem:s24+$0x0];
	v11 =	vadd.f32 v11, v2;
	[tilespmem:s19+$0x70] =	vst v8;
	v2 =	vmov v6;
	s19 =	smov.u32 s21;
	s21 =	smov.u32 s12;
	s12 =	smov.u32 s24  }
0x1c7: {  	v6 =	vmul.f32 $1.131370830e+01, v12;
	v8 =	vld [tilespmem:s3+$0x1900];
	[tilespmem:s21+$0x30] =	vst v5  }
0x1c8: {  	v5 =	vld [tilespmem:s24+$0x10];
	v9 =	vmul.f32 $1.131370830e+01, v9;
	[tilespmem:s19+$0x60] =	vst v11  }
0x1c9: {  	v6 =	vadd.f32 v10, v6;
	v10 =	vld [tilespmem:s24+$0x20]  }
0x1ca: {  	v11 =	vld [tilespmem:s24+$0xFFFFFF90];
	v9 =	vadd.f32 v13, v9  }
0x1cb: {  	[tilespmem:s24+$0xFFFFFF80] =	vst v6;
	v6 =	vmul.f32 $1.131370830e+01, v7;
	v7 =	vld [tilespmem:s21+$0xFFFFFFD0]  }
0x1cc: {  	v12 =	vld [tilespmem:s10+$0x1910];
	[tilespmem:s21+$0xFFFFFFC0] =	vst v9  }
0x1cd: {  	v6 =	vadd.f32 v8, v6;
	v8 =	vmul.f32 $1.131370830e+01, v5;
	v5 =	vld [tilespmem:s23+$0x1950]  }
0x1ce: {  	v13 =	vmul.f32 $1.131370830e+01, v10;
	v9 =	vld [tilespmem:s24+$0x30]  }
0x1cf: {  	v10 =	vmul.f32 $1.131370830e+01, v11;
	[tilespmem:s24+$0x0] =	vst v6;
	v6 =	vld [tilespmem:s24+$0x40]  }
0x1d0: {  	v11 =	vld [tilespmem:s3+$0x1910];
	v7 =	vmul.f32 $1.131370830e+01, v7  }
0x1d1: {  	v10 =	vadd.f32 v12, v10;
	v12 =	vld [tilespmem:s22+$0x1940]  }
0x1d2: {  	v14 =	vld [tilespmem:s24+$0xFFFFFFA0];
	v7 =	vadd.f32 v5, v7  }
0x1d3: {  	[tilespmem:s24+$0xFFFFFF90] =	vst v10;
	v5 =	vmul.f32 $1.131370830e+01, v9;
	v9 =	vld [tilespmem:s21+$0xFFFFFFE0]  }
0x1d4: {  	v10 =	vld [tilespmem:s10+$0x1920];
	v6 =	vmul.f32 $1.131370830e+01, v6;
	[tilespmem:s21+$0xFFFFFFD0] =	vst v7  }
0x1d5: {  	v7 =	vadd.f32 v11, v8;
	v8 =	vld [tilespmem:s23+$0x1960]  }
0x1d6: {  	v15 =	vld [tilespmem:s24+$0x50];
	v11 =	vadd.f32 v12, v4;
	v4 =	vmov v6  }
0x1d7: {  	v6 =	vmul.f32 $1.131370830e+01, v14;
	[tilespmem:s24+$0x10] =	vst v7;
	v7 =	vld [tilespmem:s24+$0x60]  }
0x1d8: {  	v12 =	vld [tilespmem:s3+$0x1920];
	v9 =	vmul.f32 $1.131370830e+01, v9;
	[tilespmem:s21+$0x40] =	vst v11  }
0x1d9: {  	v6 =	vadd.f32 v10, v6;
	v14 =	vld [tilespmem:s22+$0x1950]  }
.Ltmp2:
0x1da: {  	v11 =	vld [tilespmem:s24+$0xFFFFFFB0];
	v8 =	vadd.f32 v8, v9;
	(pc) =	sbr.rel @p1 .LBB2_7-.Ltmp2, $4  }
0x1db: {  	[tilespmem:s24+$0xFFFFFFA0] =	vst v6;
	v15 =	vmul.f32 $1.131370830e+01, v15;
	v9 =	vld [tilespmem:s21+$0xFFFFFFF0]  }
0x1dc: {  	v10 =	vld [tilespmem:s10+$0x1930];
	v6 =	vmul.f32 $1.131370830e+01, v7;
	[tilespmem:s21+$0xFFFFFFE0] =	vst v8  }
0x1dd: {  	v13 =	vadd.f32 v12, v13;
	v8 =	vld [tilespmem:s23+$0x1970];
	s23 =	smov.u32 s10  }
0x1de: {  	v7 =	vld [tilespmem:s24+$0x70];
	v12 =	vadd.f32 v14, v3;
	v3 =	vmov v15  }
0x1df: {  	[tilespmem:s24+$0x20] =	vst v13  }
0x1e0: {  	v11 =	vmul.f32 $1.131370830e+01, v11;
	v13 =	vld [tilespmem:s3+$0x1930];
	_ =	sdelay $0x1  }
0x1e1: {  	v10 =	vadd.f32 v10, v11;
	_ =	sdelay $0x1  }
0x1e2: {  	[tilespmem:s12+$0xFFFFFFB0] =	vst v10;
	v10 =	vld [tilespmem:s12+$0xFFFFFFC0]  }
0x1e3: {  	v5 =	vadd.f32 v13, v5  }
0x1e4: {  	v11 =	vld [tilespmem:s23+$0x1940]  }
0x1e5: {  	[tilespmem:s12+$0x30] =	vst v5  }
0x1e6: {  	v5 =	vld [tilespmem:s3+$0x1940]  }
0x1e7: {  	v10 =	vmul.f32 $1.131370830e+01, v10;
	_ =	sdelay $0x1  }
0x1e8: {  	v10 =	vadd.f32 v11, v10  }
0x1e9: {  	v11 =	vld [tilespmem:s12+$0xFFFFFFD0]  }
0x1ea: {  	[tilespmem:s12+$0xFFFFFFC0] =	vst v10;
	v4 =	vadd.f32 v5, v4  }
0x1eb: {  	v5 =	vld [tilespmem:s23+$0x1950]  }
0x1ec: {  	[tilespmem:s12+$0x40] =	vst v4  }
0x1ed: {  	v4 =	vld [tilespmem:s3+$0x1950]  }
0x1ee: {  	v10 =	vmul.f32 $1.131370830e+01, v11;
	_ =	sdelay $0x1  }
0x1ef: {  	v5 =	vadd.f32 v5, v10  }
0x1f0: {  	v10 =	vld [tilespmem:s12+$0xFFFFFFE0]  }
0x1f1: {  	[tilespmem:s12+$0xFFFFFFD0] =	vst v5;
	v3 =	vadd.f32 v4, v3  }
0x1f2: {  	[tilespmem:s21+$0x50] =	vst v12;
	v4 =	vld [tilespmem:s23+$0x1960]  }
0x1f3: {  	v5 =	vld [tilespmem:s22+$0x1960];
	[tilespmem:s12+$0x50] =	vst v3  }
0x1f4: {  	v3 =	vld [tilespmem:s3+$0x1960]  }
0x1f5: {  	v10 =	vmul.f32 $1.131370830e+01, v10;
	_ =	sdelay $0x1  }
0x1f6: {  	v4 =	vadd.f32 v4, v10  }
0x1f7: {  	v2 =	vadd.f32 v5, v2;
	v5 =	vld [tilespmem:s12+$0xFFFFFFF0]  }
0x1f8: {  	v10 =	vld [tilespmem:s20+$0x1970];
	[tilespmem:s12+$0xFFFFFFE0] =	vst v4;
	v3 =	vadd.f32 v3, v6  }
0x1f9: {  	[tilespmem:s21+$0x60] =	vst v2;
	v2 =	vld [tilespmem:s23+$0x1970]  }
0x1fa: {  	v4 =	vmul.f32 $1.131370830e+01, v9;
	v6 =	vld [tilespmem:s22+$0x1970];
	[tilespmem:s12+$0x60] =	vst v3  }
0x1fb: {  	v3 =	vld [tilespmem:s3+$0x1970]  }
0x1fc: {  	v4 =	vadd.f32 v8, v4;
	v5 =	vmul.f32 $1.131370830e+01, v5  }
0x1fd: {  	v0 =	vadd.f32 v10, v0  }
0x1fe: {  	v7 =	vmul.f32 $1.131370830e+01, v7;
	[tilespmem:s21+$0xFFFFFFF0] =	vst v4;
	v2 =	vadd.f32 v2, v5  }
0x1ff: {  	[tilespmem:s19+$0x70] =	vst v0;
	v0 =	vadd.f32 v6, v1  }
0x200: {  	[tilespmem:s12+$0xFFFFFFF0] =	vst v2;
	v1 =	vadd.f32 v3, v7  }
0x201: {  	[tilespmem:s21+$0x70] =	vst v0  }
0x202: {  	s22 =	simm.s32 $0x7;
	[tilespmem:s12+$0x70] =	vst v1  }
0x203: {  	s4 =	simm.s32 @!p0 $0x80;
	_ =	swait.ge [sflag:s22], $0x4000  }
0x204: {  	s5 =	simm.s32 @!p0 $0xBD00;
	[sflag:s22] =	ssyncset.done $0x0;
	s23 =	rddreg [dreg:$0x4]  }
0x205: {  	s3 =	sadd.s32 @!p0 $0x300, s17;
	[sflag:s22] =	ssyncadd.s32 $0xFFFFC000;
	s2 =	sadd.s32 s23, s2  }
0x206: {  	[tilespmem:s5], [sflag:$0x2] =	stream.indirect.gather @!p0 [hbm4b:s25+s4], $0x80, s3, s4, $0xb8;
	[tilespmem:$0x1BD00] =	vst v63  }
0x207: {  	s2 =	sshll.u32 s2, $0x4  }
0x208: {  	s24 =	simm.s32 $0xFD00;
	s4 =	simm.s32 $0x4;
	s2 =	sadd.s32 s8, s2  }
0x209: {  	[hbm4b:s2+s29] =	stream.linear.scatter [tilespmem:s24], [sflag:$0x8], $0x4000, $0x38;
	[tilespmem:$0x1BD00] =	vst v63  }
0x20a: {  	s5 =	sadd.s32 $0xFFFFFFFE, s14;
	_ =	swait.ge [sflag:s4], $0x4000  }
0x20b: {  	s15 =	simm.s32 $0x13D80;
	s7 =	sadd.s32 $0x182, s5;
	[sflag:s4] =	ssyncset.done $0x0  }
0x20c: {  	s3 =	simm.s32 $0xFFFF9B80;
	p1 =	sgt.u32 s7, $0xC7;
	[sflag:s4] =	ssyncadd.s32 $0xFFFFC000  }
0x20d: {  	s18 =	sadd.s32 s0, s13;
	s3 =	simm.s32 @!p1 $0xFFFFFF80;
	v0 =	vld [tilespmem:s15+$0xFFFFFF80]  }
0x20e: {  	s10 =	sadd.s32 s3, s18  }
0x20f: {  	v1 =	vld [tilespmem:s10+$0x1900];
	_ =	sdelay $0x1  }
0x210: {  	s2 =	sadd.s32 $0x183, s5  }
0x211: {  	p1 =	sgt.u32 s2, $0xC7;
	s2 =	sadd.s32 $0xFFFF9C00, s18;
	v2 =	vld [tilespmem:s15+$0x0];
	v0 =	vmul.f32 $1.131370830e+01, v0  }
0x212: {  	s18 =	smov.u32 @p1 s2  }
0x213: {  	v3 =	vld [tilespmem:s18+$0x1900];
	v0 =	vadd.f32 v1, v0  }
0x214: {  	v1 =	vld [tilespmem:s15+$0xFFFFFF90]  }
0x215: {  	[tilespmem:s15+$0xFFFFFF80] =	vst v0  }
0x216: {  	v0 =	vmul.f32 $1.131370830e+01, v2;
	v2 =	vld [tilespmem:s10+$0x1910];
	_ =	sdelay $0x2  }
0x217: {  	v4 =	vld [tilespmem:s15+$0x10];
	v0 =	vadd.f32 v3, v0;
	v1 =	vmul.f32 $1.131370830e+01, v1;
	_ =	sdelay $0x1  }
0x218: {  	v6 =	vld [tilespmem:s15+$0xFFFFFFA0];
	[tilespmem:s15+$0x0] =	vst v0;
	v1 =	vadd.f32 v2, v1  }
0x219: {  	v0 =	vld [tilespmem:s18+$0x1910]  }
0x21a: {  	v5 =	vld [tilespmem:s15+$0x20];
	[tilespmem:s15+$0xFFFFFF90] =	vst v1  }
0x21b: {  	v1 =	vmul.f32 $1.131370830e+01, v4;
	v4 =	vld [tilespmem:s10+$0x1920]  }
0x21c: {  	s19 =	simm.s32 $0x13E80;
	v7 =	vld [tilespmem:s15+$0x40]  }
0x21d: {  	v8 =	vld [tilespmem:s19+$0xFFFFFF80]  }
0x21e: {  	v12 =	vld [tilespmem:s19+$0x10];
	v0 =	vadd.f32 v0, v1;
	v1 =	vmul.f32 $1.131370830e+01, v6  }
0x21f: {  	v13 =	vld [tilespmem:s19+$0x20]  }
0x220: {  	s21 =	sadd.s32 $0x0, s14;
	v14 =	vld [tilespmem:s15+$0xFFFFFFF0];
	[tilespmem:s15+$0x10] =	vst v0;
	v0 =	vadd.f32 v4, v1  }
0x221: {  	s22 =	sadd.s32 $0x182, s21;
	v4 =	vld [tilespmem:s15+$0xFFFFFFB0]  }
0x222: {  	p1 =	sgt.u32 s22, $0xC7;
	v6 =	vld [tilespmem:s18+$0x1920];
	[tilespmem:s15+$0xFFFFFFA0] =	vst v0  }
0x223: {  	s23 =	sadd.s32 $0x100, s0;
	s2 =	simm.s32 $0xFFFF9B80;
	s22 =	simm.s32 $0x13F80;
	v1 =	vmul.f32 $1.131370830e+01, v5;
	v5 =	vld [tilespmem:s10+$0x1930]  }
0x224: {  	s20 =	sadd.s32 s23, s13;
	s2 =	simm.s32 @!p1 $0xFFFFFF80;
	v17 =	vld [tilespmem:s22+$0x0]  }
0x225: {  	s4 =	sadd.s32 $0x183, s21;
	s2 =	sadd.s32 s2, s20;
	v19 =	vld [tilespmem:s22+$0x10]  }
0x226: {  	p1 =	sgt.u32 s4, $0xC7;
	s4 =	sadd.s32 $0xFFFF9C00, s20;
	v9 =	vld [tilespmem:s2+$0x1900];
	v4 =	vmul.f32 $1.131370830e+01, v4  }
0x227: {  	v57 =	vld [tilespmem:s22+$0xFFFFFF90];
	s20 =	smov.u32 @p1 s4;
	v6 =	vadd.f32 v6, v1  }
0x228: {  	v10 =	vld [tilespmem:s20+$0x1900];
	v4 =	vadd.f32 v5, v4  }
0x229: {  	[tilespmem:s15+$0x20] =	vst v6;
	v6 =	vmul.f32 $1.131370830e+01, v8;
	v8 =	vld [tilespmem:s15+$0xFFFFFFC0]  }
0x22a: {  	[tilespmem:s15+$0xFFFFFFB0] =	vst v4;
	v4 =	vld [tilespmem:s19+$0x0]  }
0x22b: {  	v6 =	vadd.f32 v9, v6;
	v11 =	vld [tilespmem:s10+$0x1940]  }
0x22c: {  	v9 =	vld [tilespmem:s19+$0xFFFFFF90]  }
0x22d: {  	v58 =	vld [tilespmem:s19+$0xFFFFFFD0];
	[tilespmem:s19+$0xFFFFFF80] =	vst v6  }
0x22e: {  	v6 =	vld [tilespmem:s2+$0x1910];
	v8 =	vmul.f32 $1.131370830e+01, v8  }
0x22f: {  	v3 =	vld [tilespmem:s15+$0x30];
	v4 =	vmul.f32 $1.131370830e+01, v4  }
0x230: {  	v59 =	vld [tilespmem:s22+$0x30];
	v8 =	vadd.f32 v11, v8  }
0x231: {  	v5 =	vld [tilespmem:s18+$0x1930];
	v9 =	vmul.f32 $1.131370830e+01, v9;
	v4 =	vadd.f32 v10, v4  }
0x232: {  	v60 =	vld [tilespmem:s22+$0x40];
	[tilespmem:s15+$0xFFFFFFC0] =	vst v8  }
0x233: {  	v6 =	vadd.f32 v6, v9;
	v8 =	vld [tilespmem:s19+$0xFFFFFFA0];
	[tilespmem:s19+$0x0] =	vst v4  }
0x234: {  	v3 =	vmul.f32 $1.131370830e+01, v3;
	v4 =	vld [tilespmem:s20+$0x1910]  }
0x235: {  	s24 =	sadd.s32 $0x2, s14;
	v11 =	vld [tilespmem:s15+$0xFFFFFFD0];
	[tilespmem:s19+$0xFFFFFF90] =	vst v6  }
0x236: {  	s7 =	sadd.s32 $0x182, s24;
	v3 =	vadd.f32 v5, v3;
	v9 =	vld [tilespmem:s2+$0x1920]  }
0x237: {  	s4 =	sadd.s32 $0x100, s23;
	p1 =	sgt.u32 s7, $0xC7;
	s7 =	simm.s32 $0xFFFF9B80;
	v6 =	vmul.f32 $1.131370830e+01, v12;
	v5 =	vld [tilespmem:s10+$0x1950]  }
0x238: {  	v62 =	vld [tilespmem:s22+$0x50];
	s3 =	sadd.s32 s4, s13;
	s7 =	simm.s32 @!p1 $0xFFFFFF80;
	[tilespmem:s15+$0x30] =	vst v3  }
0x239: {  	s21 =	sadd.s32 s7, s3;
	v12 =	vld [tilespmem:s18+$0x1940];
	v8 =	vmul.f32 $1.131370830e+01, v8;
	v4 =	vadd.f32 v4, v6  }
0x23a: {  	s5 =	sadd.s32 $0x183, s24;
	v15 =	vld [tilespmem:s21+$0x1900];
	v11 =	vmul.f32 $1.131370830e+01, v11  }
0x23b: {  	p1 =	sgt.u32 s5, $0xC7;
	s5 =	sadd.s32 $0xFFFF9C00, s3;
	v8 =	vadd.f32 v9, v8;
	v9 =	vld [tilespmem:s19+$0xFFFFFFB0];
	[tilespmem:s19+$0x10] =	vst v4  }
0x23c: {  	s3 =	smov.u32 @p1 s5;
	v7 =	vmul.f32 $1.131370830e+01, v7;
	v5 =	vadd.f32 v5, v11;
	v4 =	vld [tilespmem:s20+$0x1920]  }
0x23d: {  	v18 =	vld [tilespmem:s3+$0x1900];
	[tilespmem:s19+$0xFFFFFFA0] =	vst v8  }
0x23e: {  	[tilespmem:s15+$0xFFFFFFD0] =	vst v5;
	v5 =	vadd.f32 v12, v7;
	v7 =	vld [tilespmem:s2+$0x1930]  }
0x23f: {  	v2 =	vld [tilespmem:s15+$0x50];
	v8 =	vmul.f32 $1.131370830e+01, v13  }
0x240: {  	v0 =	vld [tilespmem:s15+$0x60]  }
0x241: {  	v1 =	vld [tilespmem:s15+$0x70];
	v4 =	vadd.f32 v4, v8;
	v8 =	vmul.f32 $1.131370830e+01, v9  }
0x242: {  	v3 =	vld [tilespmem:s19+$0x40]  }
0x243: {  	v10 =	vld [tilespmem:s19+$0x30];
	[tilespmem:s19+$0x20] =	vst v4;
	v4 =	vadd.f32 v7, v8  }
0x244: {  	v8 =	vld [tilespmem:s22+$0xFFFFFF80]  }
0x245: {  	[tilespmem:s19+$0xFFFFFFB0] =	vst v4;
	v4 =	vld [tilespmem:s19+$0xFFFFFFC0]  }
0x246: {  	v11 =	vld [tilespmem:s15+$0xFFFFFFE0]  }
0x247: {  	v16 =	vld [tilespmem:s2+$0x1940]  }
0x248: {  	v12 =	vld [tilespmem:s10+$0x1960]  }
0x249: {  	v6 =	vld [tilespmem:s19+$0x50];
	v8 =	vmul.f32 $1.131370830e+01, v8  }
0x24a: {  	v13 =	vld [tilespmem:s19+$0x60];
	v4 =	vmul.f32 $1.131370830e+01, v4  }
0x24b: {  	[tilespmem:s15+$0x40] =	vst v5;
	v11 =	vmul.f32 $1.131370830e+01, v11;
	v7 =	vld [tilespmem:s20+$0x1930];
	v8 =	vadd.f32 v15, v8  }
0x24c: {  	v5 =	vld [tilespmem:s18+$0x1950];
	v4 =	vadd.f32 v16, v4  }
0x24d: {  	v11 =	vadd.f32 v12, v11;
	v9 =	vld [tilespmem:s19+$0x70];
	[tilespmem:s22+$0xFFFFFF80] =	vst v8;
	v8 =	vmul.f32 $1.131370830e+01, v17  }
0x24e: {  	v10 =	vmul.f32 $1.131370830e+01, v10;
	[tilespmem:s19+$0xFFFFFFC0] =	vst v4;
	v4 =	vld [tilespmem:s21+$0x1910]  }
0x24f: {  	[tilespmem:s15+$0xFFFFFFE0] =	vst v11;
	v8 =	vadd.f32 v18, v8;
	v12 =	vld [tilespmem:s2+$0x1950]  }
0x250: {  	v7 =	vadd.f32 v7, v10;
	v10 =	vld [tilespmem:s10+$0x1970]  }
0x251: {  	v15 =	vld [tilespmem:s22+$0x20];
	[tilespmem:s22+$0x0] =	vst v8;
	v8 =	vmul.f32 $1.131370830e+01, v57  }
0x252: {  	v11 =	vmul.f32 $1.131370830e+01, v58;
	[tilespmem:s19+$0x30] =	vst v7;
	v7 =	vld [tilespmem:s3+$0x1910]  }
0x253: {  	v2 =	vmul.f32 $1.131370830e+01, v2;
	v4 =	vadd.f32 v4, v8;
	v8 =	vld [tilespmem:s20+$0x1940]  }
0x254: {  	v11 =	vadd.f32 v12, v11;
	v12 =	vld [tilespmem:s22+$0xFFFFFFA0]  }
0x255: {  	v61 =	vmul.f32 $1.131370830e+01, v19;
	v2 =	vadd.f32 v5, v2;
	[tilespmem:s22+$0xFFFFFF90] =	vst v4;
	v4 =	vld [tilespmem:s19+$0xFFFFFFE0]  }
0x256: {  	v3 =	vmul.f32 $1.131370830e+01, v3;
	[tilespmem:s19+$0xFFFFFFD0] =	vst v11;
	v5 =	vld [tilespmem:s21+$0x1920]  }
0x257: {  	[tilespmem:s15+$0x50] =	vst v2;
	v7 =	vadd.f32 v7, v61;
	v11 =	vld [tilespmem:s2+$0x1960]  }
0x258: {  	v2 =	vadd.f32 v8, v3;
	v3 =	vld [tilespmem:s18+$0x1960]  }
0x259: {  	[tilespmem:s22+$0x10] =	vst v7;
	v7 =	vmul.f32 $1.131370830e+01, v12;
	v12 =	vld [tilespmem:s22+$0x60]  }
0x25a: {  	v8 =	vmul.f32 $1.131370830e+01, v14;
	v63 =	vld [tilespmem:s3+$0x1920];
	[tilespmem:s19+$0x40] =	vst v2  }
0x25b: {  	v2 =	vmul.f32 $1.131370830e+01, v4;
	v4 =	vmul.f32 $1.131370830e+01, v0;
	v5 =	vadd.f32 v5, v7;
	v14 =	vld [tilespmem:s20+$0x1950]  }
0x25c: {  	v0 =	vmul.f32 $1.131370830e+01, v1;
	v1 =	vmul.f32 $1.131370830e+01, v9;
	v9 =	vld [tilespmem:s19+$0xFFFFFFF0];
	v7 =	vadd.f32 v10, v8  }
0x25d: {  	v20 =	vmul.f32 $1.131370830e+01, v6;
	v15 =	vmul.f32 $1.131370830e+01, v15;
	v6 =	vadd.f32 v11, v2;
	v11 =	vld [tilespmem:s22+$0xFFFFFFB0];
	[tilespmem:s22+$0xFFFFFFA0] =	vst v5  }
0x25e: {  	v2 =	vmul.f32 $1.131370830e+01, v13;
	v13 =	vadd.f32 v3, v4;
	v5 =	vmul.f32 $1.131370830e+01, v59;
	[tilespmem:s15+$0xFFFFFFF0] =	vst v7;
	v7 =	vld [tilespmem:s22+$0x70]  }
0x25f: {  	v4 =	vmul.f32 $1.131370830e+01, v60;
	v3 =	vmul.f32 $1.131370830e+01, v62;
	[tilespmem:s19+$0xFFFFFFE0] =	vst v6;
	v10 =	vld [tilespmem:s21+$0x1930]  }
0x260: {  	s12 =	simm.s32 $0x13F80;
	s5 =	simm.s32 $0x4;
	v6 =	vmul.f32 $1.131370830e+01, v12;
	v8 =	vld [tilespmem:s2+$0x1970];
	[tilespmem:s15+$0x60] =	vst v13;
	s2 =	sadd.s32 $0x180, s16;
	v13 =	vadd.f32 v63, v15;
	v12 =	vadd.f32 v14, v20  }
.LBB2_9:
0x261: {  	s7 =	sadd.s32 s5, s14  }
0x262: {  	v11 =	vmul.f32 $1.131370830e+01, v11;
	[tilespmem:s22+$0x20] =	vst v13;
	v13 =	vld [tilespmem:s18+$0x1970];
	s18 =	smov.u32 s20;
	s20 =	smov.u32 s3;
	s5 =	sadd.s32 $0x2, s5  }
0x263: {  	s4 =	sadd.s32 $0x100, s4;
	s22 =	sadd.s32 $0x100, s22;
	s3 =	sadd.s32 $0x182, s7;
	v14 =	vld [tilespmem:s20+$0x1930];
	v9 =	vmul.f32 $1.131370830e+01, v9;
	[tilespmem:s19+$0x50] =	vst v12  }
0x264: {  	s10 =	simm.s32 $0xFFFF9B80;
	p1 =	slt.u32 s5, $0x7E;
	p2 =	sgt.u32 s3, $0xC7;
	v10 =	vadd.f32 v10, v11;
	v11 =	vld [tilespmem:s18+$0x1960]  }
0x265: {  	s7 =	sadd.s32 $0x183, s7;
	s3 =	sadd.s32 s4, s13;
	v12 =	vld [tilespmem:s22+$0xFFFFFF80];
	s10 =	simm.s32 @!p2 $0xFFFFFF80;
	v8 =	vadd.f32 v8, v9  }
0x266: {  	p2 =	sgt.u32 s7, $0xC7;
	s7 =	sadd.s32 $0xFFFF9C00, s3;
	s10 =	sadd.s32 s10, s3;
	[tilespmem:s12+$0xFFFFFFB0] =	vst v10;
	v9 =	vld [tilespmem:s12+$0xFFFFFFC0];
	v7 =	vmul.f32 $1.131370830e+01, v7  }
0x267: {  	s3 =	smov.u32 @p2 s7;
	v10 =	vld [tilespmem:s10+$0x1900];
	[tilespmem:s19+$0xFFFFFFF0] =	vst v8;
	v8 =	vadd.f32 v13, v0;
	v0 =	vmov v1  }
0x268: {  	v13 =	vld [tilespmem:s21+$0x1940];
	v5 =	vadd.f32 v14, v5;
	v1 =	vmov v7  }
0x269: {  	v7 =	vld [tilespmem:s22+$0x0];
	v11 =	vadd.f32 v11, v2;
	[tilespmem:s15+$0x70] =	vst v8;
	v2 =	vmov v6;
	s15 =	smov.u32 s19;
	s19 =	smov.u32 s12;
	s12 =	smov.u32 s22  }
0x26a: {  	v6 =	vmul.f32 $1.131370830e+01, v12;
	v8 =	vld [tilespmem:s3+$0x1900];
	[tilespmem:s19+$0x30] =	vst v5  }
0x26b: {  	v5 =	vld [tilespmem:s22+$0x10];
	v9 =	vmul.f32 $1.131370830e+01, v9;
	[tilespmem:s15+$0x60] =	vst v11  }
0x26c: {  	v6 =	vadd.f32 v10, v6;
	v10 =	vld [tilespmem:s22+$0x20]  }
0x26d: {  	v11 =	vld [tilespmem:s22+$0xFFFFFF90];
	v9 =	vadd.f32 v13, v9  }
0x26e: {  	[tilespmem:s22+$0xFFFFFF80] =	vst v6;
	v6 =	vmul.f32 $1.131370830e+01, v7;
	v7 =	vld [tilespmem:s19+$0xFFFFFFD0]  }
0x26f: {  	v12 =	vld [tilespmem:s10+$0x1910];
	[tilespmem:s19+$0xFFFFFFC0] =	vst v9  }
0x270: {  	v6 =	vadd.f32 v8, v6;
	v8 =	vmul.f32 $1.131370830e+01, v5;
	v5 =	vld [tilespmem:s21+$0x1950]  }
0x271: {  	v13 =	vmul.f32 $1.131370830e+01, v10;
	v9 =	vld [tilespmem:s22+$0x30]  }
0x272: {  	v10 =	vmul.f32 $1.131370830e+01, v11;
	[tilespmem:s22+$0x0] =	vst v6;
	v6 =	vld [tilespmem:s22+$0x40]  }
0x273: {  	v11 =	vld [tilespmem:s3+$0x1910];
	v7 =	vmul.f32 $1.131370830e+01, v7  }
0x274: {  	v10 =	vadd.f32 v12, v10;
	v12 =	vld [tilespmem:s20+$0x1940]  }
0x275: {  	v14 =	vld [tilespmem:s22+$0xFFFFFFA0];
	v7 =	vadd.f32 v5, v7  }
0x276: {  	[tilespmem:s22+$0xFFFFFF90] =	vst v10;
	v5 =	vmul.f32 $1.131370830e+01, v9;
	v9 =	vld [tilespmem:s19+$0xFFFFFFE0]  }
0x277: {  	v10 =	vld [tilespmem:s10+$0x1920];
	v6 =	vmul.f32 $1.131370830e+01, v6;
	[tilespmem:s19+$0xFFFFFFD0] =	vst v7  }
0x278: {  	v7 =	vadd.f32 v11, v8;
	v8 =	vld [tilespmem:s21+$0x1960]  }
0x279: {  	v15 =	vld [tilespmem:s22+$0x50];
	v11 =	vadd.f32 v12, v4;
	v4 =	vmov v6  }
0x27a: {  	v6 =	vmul.f32 $1.131370830e+01, v14;
	[tilespmem:s22+$0x10] =	vst v7;
	v7 =	vld [tilespmem:s22+$0x60]  }
0x27b: {  	v12 =	vld [tilespmem:s3+$0x1920];
	v9 =	vmul.f32 $1.131370830e+01, v9;
	[tilespmem:s19+$0x40] =	vst v11  }
0x27c: {  	v6 =	vadd.f32 v10, v6;
	v14 =	vld [tilespmem:s20+$0x1950]  }
.Ltmp3:
0x27d: {  	v11 =	vld [tilespmem:s22+$0xFFFFFFB0];
	v8 =	vadd.f32 v8, v9;
	(pc) =	sbr.rel @p1 .LBB2_9-.Ltmp3, $4  }
0x27e: {  	[tilespmem:s22+$0xFFFFFFA0] =	vst v6;
	v15 =	vmul.f32 $1.131370830e+01, v15;
	v9 =	vld [tilespmem:s19+$0xFFFFFFF0]  }
0x27f: {  	v10 =	vld [tilespmem:s10+$0x1930];
	v6 =	vmul.f32 $1.131370830e+01, v7;
	[tilespmem:s19+$0xFFFFFFE0] =	vst v8  }
0x280: {  	v13 =	vadd.f32 v12, v13;
	v8 =	vld [tilespmem:s21+$0x1970];
	s21 =	smov.u32 s10  }
0x281: {  	v7 =	vld [tilespmem:s22+$0x70];
	v12 =	vadd.f32 v14, v3;
	v3 =	vmov v15  }
0x282: {  	[tilespmem:s22+$0x20] =	vst v13  }
0x283: {  	v11 =	vmul.f32 $1.131370830e+01, v11;
	v13 =	vld [tilespmem:s3+$0x1930];
	_ =	sdelay $0x1  }
0x284: {  	v10 =	vadd.f32 v10, v11;
	_ =	sdelay $0x1  }
0x285: {  	[tilespmem:s12+$0xFFFFFFB0] =	vst v10;
	v10 =	vld [tilespmem:s12+$0xFFFFFFC0]  }
0x286: {  	v5 =	vadd.f32 v13, v5  }
0x287: {  	v11 =	vld [tilespmem:s21+$0x1940]  }
0x288: {  	[tilespmem:s12+$0x30] =	vst v5  }
0x289: {  	v5 =	vld [tilespmem:s3+$0x1940]  }
0x28a: {  	v10 =	vmul.f32 $1.131370830e+01, v10;
	_ =	sdelay $0x1  }
0x28b: {  	v10 =	vadd.f32 v11, v10  }
0x28c: {  	v11 =	vld [tilespmem:s12+$0xFFFFFFD0]  }
0x28d: {  	[tilespmem:s12+$0xFFFFFFC0] =	vst v10;
	v4 =	vadd.f32 v5, v4  }
0x28e: {  	v5 =	vld [tilespmem:s21+$0x1950]  }
0x28f: {  	[tilespmem:s12+$0x40] =	vst v4  }
0x290: {  	v4 =	vld [tilespmem:s3+$0x1950]  }
0x291: {  	v10 =	vmul.f32 $1.131370830e+01, v11;
	_ =	sdelay $0x1  }
0x292: {  	v5 =	vadd.f32 v5, v10  }
0x293: {  	v10 =	vld [tilespmem:s12+$0xFFFFFFE0]  }
0x294: {  	[tilespmem:s12+$0xFFFFFFD0] =	vst v5;
	v3 =	vadd.f32 v4, v3  }
0x295: {  	[tilespmem:s19+$0x50] =	vst v12;
	v4 =	vld [tilespmem:s21+$0x1960]  }
0x296: {  	v5 =	vld [tilespmem:s20+$0x1960];
	[tilespmem:s12+$0x50] =	vst v3  }
0x297: {  	v3 =	vld [tilespmem:s3+$0x1960]  }
0x298: {  	v10 =	vmul.f32 $1.131370830e+01, v10;
	_ =	sdelay $0x1  }
0x299: {  	v4 =	vadd.f32 v4, v10  }
0x29a: {  	v2 =	vadd.f32 v5, v2;
	v5 =	vld [tilespmem:s12+$0xFFFFFFF0]  }
0x29b: {  	v10 =	vld [tilespmem:s18+$0x1970];
	[tilespmem:s12+$0xFFFFFFE0] =	vst v4;
	v3 =	vadd.f32 v3, v6  }
0x29c: {  	[tilespmem:s19+$0x60] =	vst v2;
	v2 =	vld [tilespmem:s21+$0x1970]  }
0x29d: {  	v4 =	vmul.f32 $1.131370830e+01, v9;
	v6 =	vld [tilespmem:s20+$0x1970];
	[tilespmem:s12+$0x60] =	vst v3  }
0x29e: {  	v3 =	vld [tilespmem:s3+$0x1970]  }
0x29f: {  	v4 =	vadd.f32 v8, v4;
	v5 =	vmul.f32 $1.131370830e+01, v5  }
0x2a0: {  	v0 =	vadd.f32 v10, v0  }
0x2a1: {  	v7 =	vmul.f32 $1.131370830e+01, v7;
	[tilespmem:s19+$0xFFFFFFF0] =	vst v4;
	v2 =	vadd.f32 v2, v5  }
0x2a2: {  	[tilespmem:s15+$0x70] =	vst v0;
	v0 =	vadd.f32 v6, v1  }
0x2a3: {  	[tilespmem:s12+$0xFFFFFFF0] =	vst v2;
	v1 =	vadd.f32 v3, v7  }
0x2a4: {  	[tilespmem:s19+$0x70] =	vst v0  }
0x2a5: {  	s13 =	simm.s32 $0x8;
	[tilespmem:s12+$0x70] =	vst v1  }
0x2a6: {  	s4 =	simm.s32 @!p0 $0x80;
	_ =	swait.ge [sflag:s13], $0x4000  }
0x2a7: {  	s5 =	simm.s32 @!p0 $0xFD00;
	[sflag:s13] =	ssyncset.done $0x0;
	s14 =	rddreg [dreg:$0x4]  }
0x2a8: {  	s3 =	sadd.s32 @!p0 $0x380, s17;
	[sflag:s13] =	ssyncadd.s32 $0xFFFFC000;
	s2 =	sadd.s32 s14, s2  }
0x2a9: {  	[tilespmem:s5], [sflag:$0x3] =	stream.indirect.gather @!p0 [hbm4b:s25+s4], $0x80, s3, s4, $0xb8;
	[tilespmem:$0x1BD00] =	vst v63  }
0x2aa: {  	s16 =	simm.s32 $0x5;
	s2 =	sshll.u32 s2, $0x4  }
0x2ab: {  	s18 =	sadd.s32 $0xFFFFFFFE, s11;
	s15 =	simm.s32 $0x13D00;
	s2 =	sadd.s32 s8, s2  }
0x2ac: {  	[hbm4b:s2+s29] =	stream.linear.scatter [tilespmem:s15], [sflag:$0x9], $0x4000, $0x38;
	[tilespmem:$0x1BD00] =	vst v63  }
0x2ad: {  	s19 =	sadd.s32 $0x202, s18;
	_ =	swait.ge [sflag:s16], $0x4000  }
0x2ae: {  	p1 =	sgt.u32 s19, $0xC7;
	[sflag:s16] =	ssyncset.done $0x0  }
0x2af: {  	s13 =	simm.s32 $0x17D80;
	s3 =	simm.s32 $0xFFFF9B80;
	[sflag:s16] =	ssyncadd.s32 $0xFFFFC000  }
0x2b0: {  	s14 =	sadd.s32 s6, s28;
	s3 =	simm.s32 @!p1 $0xFFFFFF80;
	v0 =	vld [tilespmem:s13+$0xFFFFFF80]  }
0x2b1: {  	s20 =	sadd.s32 s3, s14  }
0x2b2: {  	v1 =	vld [tilespmem:s20+$0x1900];
	_ =	sdelay $0x1  }
0x2b3: {  	s2 =	sadd.s32 $0x203, s18  }
0x2b4: {  	p1 =	sgt.u32 s2, $0xC7;
	s2 =	sadd.s32 $0xFFFF9C00, s14;
	v2 =	vld [tilespmem:s13+$0x0];
	v0 =	vmul.f32 $1.131370830e+01, v0  }
0x2b5: {  	s14 =	smov.u32 @p1 s2  }
0x2b6: {  	v3 =	vld [tilespmem:s14+$0x1900];
	v0 =	vadd.f32 v1, v0  }
0x2b7: {  	v1 =	vld [tilespmem:s13+$0xFFFFFF90]  }
0x2b8: {  	[tilespmem:s13+$0xFFFFFF80] =	vst v0  }
0x2b9: {  	v0 =	vmul.f32 $1.131370830e+01, v2;
	v2 =	vld [tilespmem:s20+$0x1910];
	_ =	sdelay $0x2  }
0x2ba: {  	v4 =	vld [tilespmem:s13+$0x10];
	v0 =	vadd.f32 v3, v0;
	v1 =	vmul.f32 $1.131370830e+01, v1;
	_ =	sdelay $0x1  }
0x2bb: {  	v6 =	vld [tilespmem:s13+$0xFFFFFFA0];
	[tilespmem:s13+$0x0] =	vst v0;
	v1 =	vadd.f32 v2, v1  }
0x2bc: {  	v0 =	vld [tilespmem:s14+$0x1910]  }
0x2bd: {  	v5 =	vld [tilespmem:s13+$0x20];
	[tilespmem:s13+$0xFFFFFF90] =	vst v1  }
0x2be: {  	v1 =	vmul.f32 $1.131370830e+01, v4;
	v4 =	vld [tilespmem:s20+$0x1920]  }
0x2bf: {  	s15 =	simm.s32 $0x17E80;
	v7 =	vld [tilespmem:s13+$0x40]  }
0x2c0: {  	v8 =	vld [tilespmem:s15+$0xFFFFFF80]  }
0x2c1: {  	v12 =	vld [tilespmem:s15+$0x10];
	v0 =	vadd.f32 v0, v1;
	v1 =	vmul.f32 $1.131370830e+01, v6  }
0x2c2: {  	v13 =	vld [tilespmem:s15+$0x20]  }
0x2c3: {  	v14 =	vld [tilespmem:s13+$0xFFFFFFF0];
	[tilespmem:s13+$0x10] =	vst v0;
	v0 =	vadd.f32 v4, v1  }
0x2c4: {  	s21 =	sadd.s32 $0x0, s11;
	v4 =	vld [tilespmem:s13+$0xFFFFFFB0]  }
0x2c5: {  	s22 =	sadd.s32 $0x202, s21;
	s19 =	simm.s32 $0x17F80;
	v6 =	vld [tilespmem:s14+$0x1920];
	[tilespmem:s13+$0xFFFFFFA0] =	vst v0  }
0x2c6: {  	s23 =	sadd.s32 $0x100, s6;
	p1 =	sgt.u32 s22, $0xC7;
	s2 =	simm.s32 $0xFFFF9B80;
	v1 =	vmul.f32 $1.131370830e+01, v5;
	v5 =	vld [tilespmem:s20+$0x1930]  }
0x2c7: {  	s16 =	sadd.s32 s23, s28;
	s2 =	simm.s32 @!p1 $0xFFFFFF80;
	v17 =	vld [tilespmem:s19+$0x0]  }
0x2c8: {  	s4 =	sadd.s32 $0x203, s21;
	s2 =	sadd.s32 s2, s16;
	v19 =	vld [tilespmem:s19+$0x10]  }
0x2c9: {  	p1 =	sgt.u32 s4, $0xC7;
	s4 =	sadd.s32 $0xFFFF9C00, s16;
	v9 =	vld [tilespmem:s2+$0x1900];
	v4 =	vmul.f32 $1.131370830e+01, v4  }
0x2ca: {  	v57 =	vld [tilespmem:s19+$0xFFFFFF90];
	s16 =	smov.u32 @p1 s4;
	v6 =	vadd.f32 v6, v1  }
0x2cb: {  	v10 =	vld [tilespmem:s16+$0x1900];
	v4 =	vadd.f32 v5, v4  }
0x2cc: {  	[tilespmem:s13+$0x20] =	vst v6;
	v6 =	vmul.f32 $1.131370830e+01, v8;
	v8 =	vld [tilespmem:s13+$0xFFFFFFC0]  }
0x2cd: {  	[tilespmem:s13+$0xFFFFFFB0] =	vst v4;
	v4 =	vld [tilespmem:s15+$0x0]  }
0x2ce: {  	v6 =	vadd.f32 v9, v6;
	v11 =	vld [tilespmem:s20+$0x1940]  }
0x2cf: {  	v9 =	vld [tilespmem:s15+$0xFFFFFF90]  }
0x2d0: {  	v58 =	vld [tilespmem:s15+$0xFFFFFFD0];
	[tilespmem:s15+$0xFFFFFF80] =	vst v6  }
0x2d1: {  	v6 =	vld [tilespmem:s2+$0x1910];
	v8 =	vmul.f32 $1.131370830e+01, v8  }
0x2d2: {  	v3 =	vld [tilespmem:s13+$0x30];
	v4 =	vmul.f32 $1.131370830e+01, v4  }
0x2d3: {  	v60 =	vld [tilespmem:s19+$0x40];
	v8 =	vadd.f32 v11, v8  }
0x2d4: {  	v5 =	vld [tilespmem:s14+$0x1930];
	v9 =	vmul.f32 $1.131370830e+01, v9;
	v4 =	vadd.f32 v10, v4  }
0x2d5: {  	v62 =	vld [tilespmem:s19+$0x50];
	[tilespmem:s13+$0xFFFFFFC0] =	vst v8  }
0x2d6: {  	s24 =	sadd.s32 $0x2, s11;
	v6 =	vadd.f32 v6, v9;
	v8 =	vld [tilespmem:s15+$0xFFFFFFA0];
	[tilespmem:s15+$0x0] =	vst v4  }
0x2d7: {  	s7 =	sadd.s32 $0x202, s24;
	v3 =	vmul.f32 $1.131370830e+01, v3;
	v4 =	vld [tilespmem:s16+$0x1910]  }
0x2d8: {  	s4 =	sadd.s32 $0x100, s23;
	p1 =	sgt.u32 s7, $0xC7;
	s7 =	simm.s32 $0xFFFF9B80;
	v11 =	vld [tilespmem:s13+$0xFFFFFFD0];
	[tilespmem:s15+$0xFFFFFF90] =	vst v6  }
0x2d9: {  	s3 =	sadd.s32 s4, s28;
	s7 =	simm.s32 @!p1 $0xFFFFFF80;
	v3 =	vadd.f32 v5, v3;
	v9 =	vld [tilespmem:s2+$0x1920]  }
0x2da: {  	s5 =	sadd.s32 $0x203, s24;
	s18 =	sadd.s32 s7, s3;
	v6 =	vmul.f32 $1.131370830e+01, v12;
	v5 =	vld [tilespmem:s20+$0x1950]  }
0x2db: {  	p1 =	sgt.u32 s5, $0xC7;
	s5 =	sadd.s32 $0xFFFF9C00, s3;
	v15 =	vld [tilespmem:s18+$0x1900];
	[tilespmem:s13+$0x30] =	vst v3  }
0x2dc: {  	s3 =	smov.u32 @p1 s5;
	v12 =	vld [tilespmem:s14+$0x1940];
	v8 =	vmul.f32 $1.131370830e+01, v8;
	v4 =	vadd.f32 v4, v6  }
0x2dd: {  	v18 =	vld [tilespmem:s3+$0x1900];
	v11 =	vmul.f32 $1.131370830e+01, v11  }
0x2de: {  	v8 =	vadd.f32 v9, v8;
	v9 =	vld [tilespmem:s15+$0xFFFFFFB0];
	[tilespmem:s15+$0x10] =	vst v4  }
0x2df: {  	v7 =	vmul.f32 $1.131370830e+01, v7;
	v5 =	vadd.f32 v5, v11;
	v4 =	vld [tilespmem:s16+$0x1920]  }
0x2e0: {  	v2 =	vld [tilespmem:s13+$0x50];
	[tilespmem:s15+$0xFFFFFFA0] =	vst v8  }
0x2e1: {  	[tilespmem:s13+$0xFFFFFFD0] =	vst v5;
	v5 =	vadd.f32 v12, v7;
	v7 =	vld [tilespmem:s2+$0x1930]  }
0x2e2: {  	v0 =	vld [tilespmem:s13+$0x60];
	v8 =	vmul.f32 $1.131370830e+01, v13  }
0x2e3: {  	v1 =	vld [tilespmem:s13+$0x70]  }
0x2e4: {  	v3 =	vld [tilespmem:s15+$0x40];
	v4 =	vadd.f32 v4, v8;
	v8 =	vmul.f32 $1.131370830e+01, v9  }
0x2e5: {  	v11 =	vld [tilespmem:s13+$0xFFFFFFE0]  }
0x2e6: {  	v12 =	vld [tilespmem:s20+$0x1960];
	[tilespmem:s15+$0x20] =	vst v4;
	v4 =	vadd.f32 v7, v8  }
0x2e7: {  	v8 =	vld [tilespmem:s19+$0xFFFFFF80]  }
0x2e8: {  	[tilespmem:s15+$0xFFFFFFB0] =	vst v4;
	v4 =	vld [tilespmem:s15+$0xFFFFFFC0]  }
0x2e9: {  	v10 =	vld [tilespmem:s15+$0x30]  }
0x2ea: {  	v16 =	vld [tilespmem:s2+$0x1940]  }
0x2eb: {  	v6 =	vld [tilespmem:s15+$0x50];
	v11 =	vmul.f32 $1.131370830e+01, v11  }
0x2ec: {  	v13 =	vld [tilespmem:s15+$0x60];
	[tilespmem:s13+$0x40] =	vst v5;
	v8 =	vmul.f32 $1.131370830e+01, v8  }
0x2ed: {  	v5 =	vld [tilespmem:s14+$0x1950];
	v11 =	vadd.f32 v12, v11;
	v4 =	vmul.f32 $1.131370830e+01, v4  }
0x2ee: {  	v7 =	vld [tilespmem:s16+$0x1930];
	v8 =	vadd.f32 v15, v8  }
0x2ef: {  	v9 =	vld [tilespmem:s15+$0x70];
	[tilespmem:s13+$0xFFFFFFE0] =	vst v11;
	v4 =	vadd.f32 v16, v4  }
0x2f0: {  	v11 =	vld [tilespmem:s19+$0x30];
	[tilespmem:s19+$0xFFFFFF80] =	vst v8;
	v8 =	vmul.f32 $1.131370830e+01, v17  }
0x2f1: {  	v10 =	vmul.f32 $1.131370830e+01, v10;
	[tilespmem:s15+$0xFFFFFFC0] =	vst v4;
	v4 =	vld [tilespmem:s18+$0x1910]  }
0x2f2: {  	v8 =	vadd.f32 v18, v8;
	v12 =	vld [tilespmem:s2+$0x1950]  }
0x2f3: {  	v59 =	vld [tilespmem:s20+$0x1970];
	v7 =	vadd.f32 v7, v10  }
0x2f4: {  	v15 =	vld [tilespmem:s19+$0x20];
	[tilespmem:s19+$0x0] =	vst v8;
	v8 =	vmul.f32 $1.131370830e+01, v57  }
0x2f5: {  	v10 =	vmul.f32 $1.131370830e+01, v58;
	[tilespmem:s15+$0x30] =	vst v7;
	v7 =	vld [tilespmem:s3+$0x1910]  }
0x2f6: {  	v2 =	vmul.f32 $1.131370830e+01, v2;
	v4 =	vadd.f32 v4, v8;
	v8 =	vld [tilespmem:s16+$0x1940]  }
0x2f7: {  	v10 =	vadd.f32 v12, v10;
	v12 =	vld [tilespmem:s19+$0xFFFFFFA0]  }
0x2f8: {  	v61 =	vmul.f32 $1.131370830e+01, v19;
	v2 =	vadd.f32 v5, v2;
	[tilespmem:s19+$0xFFFFFF90] =	vst v4;
	v4 =	vld [tilespmem:s15+$0xFFFFFFE0]  }
0x2f9: {  	v3 =	vmul.f32 $1.131370830e+01, v3;
	[tilespmem:s15+$0xFFFFFFD0] =	vst v10;
	v5 =	vld [tilespmem:s18+$0x1920]  }
0x2fa: {  	[tilespmem:s13+$0x50] =	vst v2;
	v7 =	vadd.f32 v7, v61;
	v10 =	vld [tilespmem:s2+$0x1960]  }
0x2fb: {  	v2 =	vadd.f32 v8, v3;
	v3 =	vld [tilespmem:s14+$0x1960]  }
0x2fc: {  	[tilespmem:s19+$0x10] =	vst v7;
	v7 =	vmul.f32 $1.131370830e+01, v12;
	v12 =	vld [tilespmem:s19+$0x60]  }
0x2fd: {  	v8 =	vmul.f32 $1.131370830e+01, v14;
	v63 =	vld [tilespmem:s3+$0x1920];
	[tilespmem:s15+$0x40] =	vst v2  }
0x2fe: {  	v2 =	vmul.f32 $1.131370830e+01, v4;
	v4 =	vmul.f32 $1.131370830e+01, v0;
	v5 =	vadd.f32 v5, v7;
	v14 =	vld [tilespmem:s16+$0x1950]  }
0x2ff: {  	v0 =	vmul.f32 $1.131370830e+01, v1;
	v1 =	vmul.f32 $1.131370830e+01, v9;
	v9 =	vld [tilespmem:s15+$0xFFFFFFF0];
	v7 =	vadd.f32 v59, v8  }
0x300: {  	v20 =	vmul.f32 $1.131370830e+01, v6;
	v15 =	vmul.f32 $1.131370830e+01, v15;
	v6 =	vadd.f32 v10, v2;
	v10 =	vld [tilespmem:s19+$0xFFFFFFB0];
	[tilespmem:s19+$0xFFFFFFA0] =	vst v5  }
0x301: {  	v2 =	vmul.f32 $1.131370830e+01, v13;
	v13 =	vadd.f32 v3, v4;
	v5 =	vmul.f32 $1.131370830e+01, v11;
	[tilespmem:s13+$0xFFFFFFF0] =	vst v7;
	v7 =	vld [tilespmem:s19+$0x70]  }
0x302: {  	v4 =	vmul.f32 $1.131370830e+01, v60;
	v3 =	vmul.f32 $1.131370830e+01, v62;
	[tilespmem:s15+$0xFFFFFFE0] =	vst v6;
	v11 =	vld [tilespmem:s18+$0x1930]  }
0x303: {  	s5 =	simm.s32 $0x4;
	v6 =	vmul.f32 $1.131370830e+01, v12;
	v8 =	vld [tilespmem:s2+$0x1970];
	[tilespmem:s13+$0x60] =	vst v13;
	v13 =	vadd.f32 v63, v15;
	s2 =	simm.s32 $0x17F80;
	v12 =	vadd.f32 v14, v20  }
.LBB2_11:
0x304: {  	s7 =	sadd.s32 s5, s11  }
0x305: {  	v10 =	vmul.f32 $1.131370830e+01, v10;
	[tilespmem:s19+$0x20] =	vst v13;
	v13 =	vld [tilespmem:s14+$0x1970];
	s14 =	smov.u32 s16;
	s16 =	smov.u32 s3;
	s5 =	sadd.s32 $0x2, s5  }
0x306: {  	s4 =	sadd.s32 $0x100, s4;
	s19 =	sadd.s32 $0x100, s19;
	s3 =	sadd.s32 $0x202, s7;
	v14 =	vld [tilespmem:s16+$0x1930];
	v9 =	vmul.f32 $1.131370830e+01, v9;
	[tilespmem:s15+$0x50] =	vst v12  }
0x307: {  	s10 =	simm.s32 $0xFFFF9B80;
	p1 =	slt.u32 s5, $0x7E;
	p2 =	sgt.u32 s3, $0xC7;
	v10 =	vadd.f32 v11, v10;
	v11 =	vld [tilespmem:s14+$0x1960]  }
0x308: {  	s7 =	sadd.s32 $0x203, s7;
	s3 =	sadd.s32 s4, s28;
	v12 =	vld [tilespmem:s19+$0xFFFFFF80];
	s10 =	simm.s32 @!p2 $0xFFFFFF80;
	v8 =	vadd.f32 v8, v9  }
0x309: {  	p2 =	sgt.u32 s7, $0xC7;
	s7 =	sadd.s32 $0xFFFF9C00, s3;
	s10 =	sadd.s32 s10, s3;
	[tilespmem:s2+$0xFFFFFFB0] =	vst v10;
	v9 =	vld [tilespmem:s2+$0xFFFFFFC0];
	v7 =	vmul.f32 $1.131370830e+01, v7  }
0x30a: {  	s3 =	smov.u32 @p2 s7;
	v10 =	vld [tilespmem:s10+$0x1900];
	[tilespmem:s15+$0xFFFFFFF0] =	vst v8;
	v8 =	vadd.f32 v13, v0;
	v0 =	vmov v1  }
0x30b: {  	v13 =	vld [tilespmem:s18+$0x1940];
	v5 =	vadd.f32 v14, v5;
	v1 =	vmov v7  }
0x30c: {  	v7 =	vld [tilespmem:s19+$0x0];
	v11 =	vadd.f32 v11, v2;
	[tilespmem:s13+$0x70] =	vst v8;
	v2 =	vmov v6;
	s13 =	smov.u32 s15;
	s15 =	smov.u32 s2;
	s2 =	smov.u32 s19  }
0x30d: {  	v6 =	vmul.f32 $1.131370830e+01, v12;
	v8 =	vld [tilespmem:s3+$0x1900];
	[tilespmem:s15+$0x30] =	vst v5  }
0x30e: {  	v5 =	vld [tilespmem:s19+$0x10];
	v9 =	vmul.f32 $1.131370830e+01, v9;
	[tilespmem:s13+$0x60] =	vst v11  }
0x30f: {  	v6 =	vadd.f32 v10, v6;
	v10 =	vld [tilespmem:s19+$0x20]  }
0x310: {  	v11 =	vld [tilespmem:s19+$0xFFFFFF90];
	v9 =	vadd.f32 v13, v9  }
0x311: {  	[tilespmem:s19+$0xFFFFFF80] =	vst v6;
	v6 =	vmul.f32 $1.131370830e+01, v7;
	v7 =	vld [tilespmem:s15+$0xFFFFFFD0]  }
0x312: {  	v12 =	vld [tilespmem:s10+$0x1910];
	[tilespmem:s15+$0xFFFFFFC0] =	vst v9  }
0x313: {  	v6 =	vadd.f32 v8, v6;
	v8 =	vmul.f32 $1.131370830e+01, v5;
	v5 =	vld [tilespmem:s18+$0x1950]  }
0x314: {  	v13 =	vmul.f32 $1.131370830e+01, v10;
	v9 =	vld [tilespmem:s19+$0x30]  }
0x315: {  	v10 =	vmul.f32 $1.131370830e+01, v11;
	[tilespmem:s19+$0x0] =	vst v6;
	v6 =	vld [tilespmem:s19+$0x40]  }
0x316: {  	v11 =	vld [tilespmem:s3+$0x1910];
	v7 =	vmul.f32 $1.131370830e+01, v7  }
0x317: {  	v10 =	vadd.f32 v12, v10;
	v12 =	vld [tilespmem:s16+$0x1940]  }
0x318: {  	v14 =	vld [tilespmem:s19+$0xFFFFFFA0];
	v7 =	vadd.f32 v5, v7  }
0x319: {  	[tilespmem:s19+$0xFFFFFF90] =	vst v10;
	v5 =	vmul.f32 $1.131370830e+01, v9;
	v9 =	vld [tilespmem:s15+$0xFFFFFFE0]  }
0x31a: {  	v10 =	vld [tilespmem:s10+$0x1920];
	v6 =	vmul.f32 $1.131370830e+01, v6;
	[tilespmem:s15+$0xFFFFFFD0] =	vst v7  }
0x31b: {  	v7 =	vadd.f32 v11, v8;
	v8 =	vld [tilespmem:s18+$0x1960]  }
0x31c: {  	v11 =	vld [tilespmem:s19+$0x50];
	v12 =	vadd.f32 v12, v4;
	v4 =	vmov v6  }
0x31d: {  	v6 =	vmul.f32 $1.131370830e+01, v14;
	[tilespmem:s19+$0x10] =	vst v7;
	v7 =	vld [tilespmem:s19+$0x60]  }
0x31e: {  	v14 =	vld [tilespmem:s3+$0x1920];
	v9 =	vmul.f32 $1.131370830e+01, v9;
	[tilespmem:s15+$0x40] =	vst v12  }
0x31f: {  	v6 =	vadd.f32 v10, v6;
	v12 =	vld [tilespmem:s16+$0x1950]  }
.Ltmp4:
0x320: {  	v10 =	vld [tilespmem:s19+$0xFFFFFFB0];
	v8 =	vadd.f32 v8, v9;
	(pc) =	sbr.rel @p1 .LBB2_11-.Ltmp4, $4  }
0x321: {  	[tilespmem:s19+$0xFFFFFFA0] =	vst v6;
	v15 =	vmul.f32 $1.131370830e+01, v11;
	v9 =	vld [tilespmem:s15+$0xFFFFFFF0]  }
0x322: {  	v11 =	vld [tilespmem:s10+$0x1930];
	v6 =	vmul.f32 $1.131370830e+01, v7;
	[tilespmem:s15+$0xFFFFFFE0] =	vst v8  }
0x323: {  	v13 =	vadd.f32 v14, v13;
	v8 =	vld [tilespmem:s18+$0x1970];
	s18 =	smov.u32 s10  }
0x324: {  	v7 =	vld [tilespmem:s19+$0x70];
	v12 =	vadd.f32 v12, v3;
	v3 =	vmov v15  }
0x325: {  	[tilespmem:s19+$0x20] =	vst v13  }
0x326: {  	v13 =	vld [tilespmem:s3+$0x1930];
	_ =	sdelay $0x1  }
0x327: {  	v10 =	vmul.f32 $1.131370830e+01, v10;
	_ =	sdelay $0x1  }
0x328: {  	v10 =	vadd.f32 v11, v10  }
0x329: {  	v52 =	vld [tilespmem:s2+$0xFFFFFFC0];
	v5 =	vadd.f32 v13, v5  }
0x32a: {  	[tilespmem:s2+$0xFFFFFFB0] =	vst v10  }
0x32b: {  	v53 =	vld [tilespmem:s18+$0x1940];
	[tilespmem:s2+$0x30] =	vst v5  }
0x32c: {  	v5 =	vld [tilespmem:s3+$0x1940];
	_ =	sdelay $0x1  }
0x32d: {  	v10 =	vmul.f32 $1.131370830e+01, v52;
	_ =	sdelay $0x1  }
0x32e: {  	v10 =	vadd.f32 v53, v10  }
0x32f: {  	v54 =	vld [tilespmem:s2+$0xFFFFFFD0];
	v4 =	vadd.f32 v5, v4  }
0x330: {  	[tilespmem:s2+$0xFFFFFFC0] =	vst v10  }
0x331: {  	v55 =	vld [tilespmem:s18+$0x1950];
	[tilespmem:s2+$0x40] =	vst v4  }
0x332: {  	v4 =	vld [tilespmem:s3+$0x1950];
	_ =	sdelay $0x1  }
0x333: {  	v56 =	vmul.f32 $1.131370830e+01, v54;
	_ =	sdelay $0x1  }
0x334: {  	v57 =	vld [tilespmem:s2+$0xFFFFFFE0];
	[tilespmem:s15+$0x50] =	vst v12;
	v5 =	vadd.f32 v55, v56  }
0x335: {  	v59 =	vld [tilespmem:s16+$0x1960];
	v3 =	vadd.f32 v4, v3  }
0x336: {  	[tilespmem:s2+$0xFFFFFFD0] =	vst v5  }
0x337: {  	v58 =	vld [tilespmem:s18+$0x1960];
	[tilespmem:s2+$0x50] =	vst v3  }
0x338: {  	v3 =	vld [tilespmem:s3+$0x1960];
	_ =	sdelay $0x1  }
0x339: {  	v2 =	vadd.f32 v59, v2;
	v10 =	vmul.f32 $1.131370830e+01, v57  }
0x33a: {  	v60 =	vld [tilespmem:s14+$0x1970]  }
0x33b: {  	v61 =	vld [tilespmem:s2+$0xFFFFFFF0];
	[tilespmem:s15+$0x60] =	vst v2;
	v4 =	vadd.f32 v58, v10  }
0x33c: {  	v2 =	vld [tilespmem:s16+$0x1970];
	v3 =	vadd.f32 v3, v6  }
0x33d: {  	[tilespmem:s2+$0xFFFFFFE0] =	vst v4  }
0x33e: {  	v4 =	vld [tilespmem:s18+$0x1970];
	[tilespmem:s2+$0x60] =	vst v3  }
0x33f: {  	v3 =	vld [tilespmem:s3+$0x1970]  }
0x340: {  	v62 =	vmul.f32 $1.131370830e+01, v9;
	v0 =	vadd.f32 v60, v0  }
0x341: {  	v1 =	vadd.f32 v2, v1;
	v5 =	vmul.f32 $1.131370830e+01, v61  }
0x342: {  	v63 =	vmul.f32 $1.131370830e+01, v7;
	[tilespmem:s13+$0x70] =	vst v0;
	v6 =	vadd.f32 v8, v62  }
0x343: {  	[tilespmem:s15+$0x70] =	vst v1;
	v4 =	vadd.f32 v4, v5  }
0x344: {  	[tilespmem:s15+$0xFFFFFFF0] =	vst v6;
	v0 =	vadd.f32 v3, v63  }
0x345: {  	[tilespmem:s2+$0xFFFFFFF0] =	vst v4  }
0x346: {  	s20 =	simm.s32 $0x9;
	s4 =	simm.s32 @!p0 $0x13D00;
	s23 =	simm.s32 $0x17D00;
	[tilespmem:s2+$0x70] =	vst v0  }
0x347: {  	s9 =	sadd.s32 $0x1, s9;
	s26 =	sadd.s32 $0x280, s26;
	_ =	swait.ge [sflag:s20], $0x4000  }
0x348: {  	s31 =	sadd.s32 $0x14000, s31;
	s1 =	sadd.s32 $0x14000, s1;
	s21 =	rddreg [dreg:$0x4]  }
0x349: {  	s3 =	simm.s32 @!p0 $0x80;
	[sflag:s20] =	ssyncset.done $0x0;
	s22 =	rddreg [dreg:$0xd]  }
0x34a: {  	s2 =	sadd.s32 @!p0 $0x400, s17;
	s5 =	rddreg [dreg:$0xc];
	[sflag:s20] =	ssyncadd.s32 $0xFFFFC000  }
0x34b: {  	[tilespmem:s4], [sflag:$0x4] =	stream.indirect.gather @!p0 [hbm4b:s25+s3], $0x80, s2, s3, $0xb8;
	[tilespmem:$0x1BD00] =	vst v63  }
0x34c: {  	s30 =	sadd.s32 $0x280, s30;
	s24 =	rddreg [dreg:$0xb];
	p0 =	sne.s32 s9, $0xA  }
.Ltmp5:
0x34d: {  	s0 =	sadd.s32 $0x14000, s0;
	s7 =	rddreg [dreg:$0x9];
	(pc) =	sbr.rel @p0 .LBB2_2-.Ltmp5, $4  }
0x34e: {  	s6 =	sadd.s32 $0x14000, s6;
	s28 =	rddreg [dreg:$0xa];
	s2 =	sadd.s32 s21, s22  }
0x34f: {  	s5 =	sadd.s32 $0x14000, s5;
	s15 =	sadd.s32 $0x280, s24;
	s2 =	sshll.u32 s2, $0x4  }
0x350: {  	s7 =	sadd.s32 $0x280, s7;
	s13 =	sadd.s32 $0x280, s28;
	s2 =	sadd.s32 s8, s2  }
0x351: {  	[hbm4b:s2+s29] =	stream.linear.scatter [tilespmem:s23], [sflag:$0xA], $0x4000, $0x38;
	[tilespmem:$0x1BD00] =	vst v63  }
0x352: {  	s1 =	simm.s32 $0xA  }
0x353: {  	_ =	swait.ge [sflag:s1], $0x4000  }
0x354: {  	s2 =	rddreg [dreg:$0x8]  }
0x355: {  	s0 =	rddreg [dreg:$0x7];
	s2 =	sadd.s32 $0x1, s2  }
0x356: {  	p0 =	sne.s32 s2, s0  }
.Ltmp6:
0x357: {  	_ = 	snop;
	(pc) =	sbr.rel @p0 .LBB2_1-.Ltmp6, $3  }
0x358: {  	_ =	sdelay $0x1  }
0x359: {  	[sflag:s1] =	ssyncset.done $0x0  }
0x35a: {  	[sflag:s1] =	ssyncadd.s32 $0xFFFFC000  }
0x35b: {  	_ =	sfence.sel $0x180000  }
0x35c: {  	[bflag:$0x0] =	sbarrier.arrive $0xFFFF  }
0x35d: {  	_ =	strace $0x90000047  }
0x35e: {  	s0 =	stileid.u32;
	[bflag:$0x2] =	sbarrier.arrive $0xFFFF  }
0x35f: {  	p0 =	sne.s32 s0, $0x0;
	s0 =	rddreg [dreg:$0x3]  }
0x360: {  	s0 =	sadd.s32 @!p0 $0x100000, s0  }
0x361: {  	[sflag:s0] =	ssyncadd.tile.s32 @!p0 $0x1;
	_ =	shalt  }
.Lfunc_end2:
_tile_overlayer_lowered:
.L_overlay_start_2:
0x362: {  	(tag) =	ssettag $0x2  }
0x363: {  	s0 =	rddreg [dreg:$0x0];
	s2 =	stileid.u32  }
0x364: {  	s1 =	rddreg [dreg:$0x1];
	p0 =	sne.s32 s2, $0x0  }
0x365: {  	s3 =	rddreg [dreg:$0x2];
	[bflag:$0x3] =	sbarrier.arrive $0xFFFF;
	s2 =	simm.s32 @!p0 $0x1C0B  }
0x366: {  	[timem:s3], [sflag:s2] =	dma.local @!p0 [hbm:s0], s1  }
0x367: {  	s0 =	simm.s32 @!p0 $0xB  }
0x368: {  	_ =	swait.ge @!p0 [sflag:s0], s1  }
0x369: {  	s1 =	ssub.s32 @!p0 $0x0, s1;
	[sflag:s0] =	ssyncset.done @!p0 $0x0  }
0x36a: {  	[sflag:s0] =	ssyncadd.s32 @!p0 s1  }
0x36b: {  	[bflag:$0x3] =	sbarrier.arrive $0xFFFF  }
0x36c: {  	_ =	shalt  }

</sc_bundles>
